<compile_context>
chip_gen: v7x
topology: tpu7x:2x2x1
jax: 0.10.2.dev20260603
libtpu: 0.0.44.dev20260713+nightly
codegen_flags: <defaults>
</compile_context>

<pallas_src>
import jax
import jax.numpy as jnp
import numpy as np
from jax import lax
from jax.experimental import pallas as pl
from jax.experimental.pallas import tpu as pltpu
from jax.experimental.pallas import tpu_sc as plsc

_ANCHORS = np.array([[10, 13], [16, 30], [33, 23], [30, 61], [62, 45],
                     [59, 119], [116, 90], [156, 198], [373, 326]],
                    dtype=np.float32)
_ANCHOR_MASK = [[6, 7, 8], [3, 4, 5], [0, 1, 2]]
_GRIDS = (19, 38, 76)
_NUM_CLASSES = 80
_MAX_BOXES = 20
_SCORE_THR = 0.2
_IOU_THR = 0.5

_NL = 16
_NR = 16
_NG = 90
_GSZ = _NR * _NL
_NROWS = _NG * _NR
_NP = _NG * _GSZ
_N = sum(3 * g * g for g in _GRIDS)
_NW = 32
_CH = _NP // _NW
_K = 48
_BIG = 1 << 30
_NEG = -jnp.inf


def _build_grid_consts():
    gxy, gwh, awh = [], [], []
    for l, g in enumerate(_GRIDS):
        anc = _ANCHORS[_ANCHOR_MASK[l]]
        i, j, a = np.meshgrid(np.arange(g), np.arange(g), np.arange(3),
                              indexing="ij")
        gxy.append(np.stack([j.reshape(-1), i.reshape(-1)], 1))
        gwh.append(np.full((3 * g * g, 2), g))
        awh.append(anc[a.reshape(-1)])
    return (np.concatenate(gxy).astype(np.float32),
            np.concatenate(gwh).astype(np.float32),
            np.concatenate(awh).astype(np.float32))


_GXY, _GWH, _AWH = _build_grid_consts()


def _decode_boxes(ffr, image_shape):
    f32 = jnp.float32
    ishape = jnp.array([_GRIDS[0] * 32.0, _GRIDS[0] * 32.0], f32)
    box_xy = (jax.nn.sigmoid(ffr[:, 0:2]) + jnp.asarray(_GXY)) / jnp.asarray(
        _GWH)
    box_wh = jnp.exp(ffr[:, 2:4]) * jnp.asarray(_AWH) / ishape[::-1]

    box_yx = box_xy[:, ::-1]
    box_hw = box_wh[:, ::-1]
    mshape = image_shape.astype(f32)
    max_shape = jnp.maximum(mshape[0], mshape[1])
    ratio = mshape / max_shape
    boxed_shape = ishape * ratio
    offset = (ishape - boxed_shape) / 2.0
    scale = mshape / boxed_shape
    box_yx = (box_yx * ishape - offset) * scale
    box_hw = box_hw * ishape * scale
    box_mins = box_yx - box_hw / 2.0
    box_maxes = box_yx + box_hw / 2.0
    z = jnp.zeros((_NP - _N,), f32)
    return jnp.concatenate([
        jnp.clip(box_mins[:, 0], 0.0, mshape[0]), z,
        jnp.clip(box_mins[:, 1], 0.0, mshape[1]), z,
        jnp.clip(box_maxes[:, 0], 0.0, mshape[0]), z,
        jnp.clip(box_maxes[:, 1], 0.0, mshape[1]), z])


def _dec_body(f_hbm, s_out, f_v, sT_v, sem):
    f32, i32 = jnp.float32, jnp.int32
    cid = lax.axis_index("c")
    sid = lax.axis_index("s")
    wid = sid * 2 + cid
    base = wid * _CH

    iota16 = lax.iota(i32, _NL)

    tail = _N - (_NW - 1) * _CH

    @pl.when(wid < _NW - 1)
    def _full():
        pltpu.sync_copy(f_hbm.at[pl.ds(base * 85, _CH * 85)], f_v)

    @pl.when(wid == _NW - 1)
    def _part():
        pltpu.sync_copy(f_hbm.at[pl.ds(base * 85, tail * 85)],
                        f_v.at[pl.ds(0, tail * 85)])

    def group(i, carry):
        off = i * _NL
        gidx = base + off + iota16
        inb = gidx < _N
        idxb = (iota16 + off) * 85
        cf = plsc.load_gather(f_v, [idxb + 4])
        sigc = 1.0 / (1.0 + jnp.exp(-cf))
        neg = jnp.full((_NL,), _NEG, f32)

        def cls_loop(cc, c2):
            for u in range(10):
                c4 = cc * 10 + u
                p = plsc.load_gather(f_v, [idxb + (5 + c4)])
                sc = sigc * (1.0 / (1.0 + jnp.exp(-p)))
                scm = jnp.where(inb & (sc >= _SCORE_THR), sc, neg)
                sT_v[pl.ds(c4 * _CH + off, _NL)] = scm
            return c2

        lax.fori_loop(0, _NUM_CLASSES // 10, cls_loop, 0)
        return carry

    lax.fori_loop(0, _CH // _NL, group, 0)

    handles = []
    for c in range(_NUM_CLASSES):
        handles.append(pltpu.async_copy(
            sT_v.at[pl.ds(c * _CH, _CH)],
            s_out.at[pl.ds(c * _NP + base, _CH)], sem))
    for h in handles:
        h.wait()


@jax.jit
def _sc_decode(ff):
    mesh = plsc.VectorSubcoreMesh(core_axis_name="c", subcore_axis_name="s",
                                  num_cores=2, num_subcores=16)
    f32 = jnp.float32
    out_type = jax.ShapeDtypeStruct((_NUM_CLASSES * _NP,), f32)
    scratch = [
        pltpu.VMEM((_CH * 85,), f32),
        pltpu.VMEM((_NUM_CLASSES * _CH,), f32),
        pltpu.SemaphoreType.DMA,
    ]
    return pl.kernel(_dec_body, out_type, mesh=mesh, scratch_types=scratch,
                     compiler_params=pltpu.CompilerParams(
                         needs_layout_passes=False))(ff)


def _nms_body(s_hbm, b_hbm, ob_hbm, os_hbm, oc_hbm,
              s_v, by1_v, bx1_v, by2_v, bx2_v,
              l1max_v, l1row_v,
              ky1_v, kx1_v, ky2_v, kx2_v,
              kidx_v, kval_v, ksc_v, stb_v, stc_v):
    f32, i32 = jnp.float32, jnp.int32
    cid = lax.axis_index("c")
    sid = lax.axis_index("s")
    wid = sid * 2 + cid

    zero16f = jnp.zeros((_NL,), f32)
    zero16i = jnp.zeros((_NL,), i32)
    neg16 = jnp.full((_NL,), _NEG, f32)
    iota16 = lax.iota(i32, _NL)
    lane0 = iota16 == 0

    pltpu.sync_copy(b_hbm.at[pl.ds(0 * _NP, _NP)], by1_v)
    pltpu.sync_copy(b_hbm.at[pl.ds(1 * _NP, _NP)], bx1_v)
    pltpu.sync_copy(b_hbm.at[pl.ds(2 * _NP, _NP)], by2_v)
    pltpu.sync_copy(b_hbm.at[pl.ds(3 * _NP, _NP)], bx2_v)

    def rebuild_group(g):
        base = g * _GSZ
        rm, rr = neg16, zero16i
        for r in range(_NR):
            v = s_v[pl.ds(base + r * _NL, _NL)]
            gt = v > rm
            rm = jnp.where(gt, v, rm)
            rr = jnp.where(gt, jnp.full((_NL,), r, i32), rr)
        l1max_v[pl.ds(g * _NL, _NL)] = rm
        l1row_v[pl.ds(g * _NL, _NL)] = rr

    def build_all(g, c):
        rebuild_group(g)
        return c

    def top_sweep():
        def step(i, carry):
            rm, rg = carry
            for u in range(6):
                g = i * 6 + u
                v = l1max_v[pl.ds(g * _NL, _NL)]
                gt = v > rm
                rm = jnp.where(gt, v, rm)
                rg = jnp.where(gt, jnp.full((_NL,), g, i32), rg)
            return rm, rg
        return lax.fori_loop(0, _NG // 6, step, (neg16, zero16i))

    def select_j(rm, rg, m):
        mask = rm == m
        gmin = jnp.min(jnp.where(mask, rg, _BIG))
        rl_vec = l1row_v[pl.ds(gmin * _NL, _NL)]
        mask2 = mask & (rg == gmin)
        rmin = jnp.min(jnp.where(mask2, rl_vec, _BIG))
        mask3 = mask2 & (rl_vec == rmin)
        lane = jnp.min(jnp.where(mask3, iota16, _BIG))
        return gmin, gmin * _GSZ + rmin * _NL + lane

    def gather_box(jv):
        cy1 = plsc.load_gather(by1_v, [jv])
        cx1 = plsc.load_gather(bx1_v, [jv])
        cy2 = plsc.load_gather(by2_v, [jv])
        cx2 = plsc.load_gather(bx2_v, [jv])
        return cy1, cx1, cy2, cx2

    def keep_stores(nk, jv, cy1, cx1, cy2, cx2, m, mask):
        nkv = jnp.full((_NL,), nk, i32)
        plsc.store_scatter(ky1_v, [nkv], cy1, mask=mask)
        plsc.store_scatter(kx1_v, [nkv], cx1, mask=mask)
        plsc.store_scatter(ky2_v, [nkv], cy2, mask=mask)
        plsc.store_scatter(kx2_v, [nkv], cx2, mask=mask)
        plsc.store_scatter(kidx_v, [nkv], jv, mask=mask)
        plsc.store_scatter(kval_v, [nkv], jnp.full((_NL,), 1.0, f32),
                           mask=mask)
        plsc.store_scatter(ksc_v, [nkv], jnp.full((_NL,), m, f32), mask=mask)

    def run_class(cls):
        pltpu.sync_copy(s_hbm.at[pl.ds(cls * _NP, _NP)], s_v)
        lax.fori_loop(0, _NG, build_all, 0)

        for ref in (ky1_v, kx1_v, ky2_v, kx2_v, kval_v, ksc_v):
            ref[pl.ds(0, _NL)] = zero16f
            ref[pl.ds(_NL, _NL)] = zero16f
        kidx_v[pl.ds(0, _NL)] = zero16i
        kidx_v[pl.ds(_NL, _NL)] = zero16i

        def ext_step(i, carry):
            def work(args):
                nk, fin = args
                rm, rg = top_sweep()
                m = jnp.max(rm)

                def found(nk):
                    gmin, j = select_j(rm, rg, m)
                    jv = jnp.full((_NL,), j, i32)
                    cy1, cx1, cy2, cx2 = gather_box(jv)
                    aj = (cy2 - cy1) * (cx2 - cx1)
                    rej = jnp.int32(0)
                    for v in range(2):
                        sl = pl.ds(v * _NL, _NL)
                        k_y1, k_x1 = ky1_v[sl], kx1_v[sl]
                        k_y2, k_x2 = ky2_v[sl], kx2_v[sl]
                        ak = (k_y2 - k_y1) * (k_x2 - k_x1)
                        yy1 = jnp.maximum(k_y1, cy1)
                        xx1 = jnp.maximum(k_x1, cx1)
                        yy2 = jnp.minimum(k_y2, cy2)
                        xx2 = jnp.minimum(k_x2, cx2)
                        inter = jnp.maximum(yy2 - yy1, 0.0) * jnp.maximum(
                            xx2 - xx1, 0.0)
                        iou = inter / (ak + aj - inter + 1e-9)
                        rej = rej + jnp.max(jnp.where(
                            iou > _IOU_THR, jnp.int32(1), jnp.int32(0)))
                    plsc.store_scatter(s_v, [jv], neg16, mask=lane0)
                    rebuild_group(gmin)
                    keepmask = lane0 & (rej == 0)
                    keep_stores(nk, jv, cy1, cx1, cy2, cx2, m, keepmask)
                    nk2 = nk + jnp.where(rej == 0, jnp.int32(1), jnp.int32(0))
                    fin2 = jnp.where(nk2 >= _MAX_BOXES, jnp.int32(1),
                                     jnp.int32(0))
                    return nk2, fin2

                return lax.cond(m > _NEG, found,
                                lambda nk: (nk, jnp.int32(2)), nk)

            nk, fin = carry
            return lax.cond(fin == 0, work, lambda a: a, (nk, fin))

        nk, fin = lax.fori_loop(0, _K, ext_step,
                                (jnp.int32(0), jnp.int32(0)))

        @pl.when(fin == 0)
        def _fallback():
            def supp_kept(k, c):
                kv = jnp.full((_NL,), k, i32)
                b_y1 = plsc.load_gather(ky1_v, [kv])
                b_x1 = plsc.load_gather(kx1_v, [kv])
                b_y2 = plsc.load_gather(ky2_v, [kv])
                b_x2 = plsc.load_gather(kx2_v, [kv])
                valb = plsc.load_gather(kval_v, [kv])
                ak = (b_y2 - b_y1) * (b_x2 - b_x1)

                def row_fn(rix, c2):
                    off = rix * _NL
                    sv = s_v[pl.ds(off, _NL)]
                    y1r = by1_v[pl.ds(off, _NL)]
                    x1r = bx1_v[pl.ds(off, _NL)]
                    y2r = by2_v[pl.ds(off, _NL)]
                    x2r = bx2_v[pl.ds(off, _NL)]
                    ar = (y2r - y1r) * (x2r - x1r)
                    yy1 = jnp.maximum(b_y1, y1r)
                    xx1 = jnp.maximum(b_x1, x1r)
                    yy2 = jnp.minimum(b_y2, y2r)
                    xx2 = jnp.minimum(b_x2, x2r)
                    inter = jnp.maximum(yy2 - yy1, 0.0) * jnp.maximum(
                        xx2 - xx1, 0.0)
                    iou = inter / (ak + ar - inter + 1e-9)
                    s_v[pl.ds(off, _NL)] = jnp.where(
                        (iou > _IOU_THR) & (valb > 0.0), neg16, sv)
                    return c2

                lax.fori_loop(0, _NROWS, row_fn, 0)
                return c

            lax.fori_loop(0, _MAX_BOXES, supp_kept, 0)
            lax.fori_loop(0, _NG, build_all, 0)

            def round_fn(i, carry):
                def work(args):
                    nk2, fin2 = args
                    rm, rg = top_sweep()
                    m = jnp.max(rm)

                    def sel(nk2):
                        _, j = select_j(rm, rg, m)
                        jv = jnp.full((_NL,), j, i32)
                        cy1, cx1, cy2, cx2 = gather_box(jv)
                        aj = (cy2 - cy1) * (cx2 - cx1)
                        keep_stores(nk2, jv, cy1, cx1, cy2, cx2, m, lane0)
                        plsc.store_scatter(s_v, [jv], neg16, mask=lane0)

                        def g_fn(g, c):
                            base = g * _GSZ
                            rmv, rrv = neg16, zero16i
                            for r in range(_NR):
                                off = base + r * _NL
                                sv = s_v[pl.ds(off, _NL)]
                                y1r = by1_v[pl.ds(off, _NL)]
                                x1r = bx1_v[pl.ds(off, _NL)]
                                y2r = by2_v[pl.ds(off, _NL)]
                                x2r = bx2_v[pl.ds(off, _NL)]
                                ar = (y2r - y1r) * (x2r - x1r)
                                yy1 = jnp.maximum(cy1, y1r)
                                xx1 = jnp.maximum(cx1, x1r)
                                yy2 = jnp.minimum(cy2, y2r)
                                xx2 = jnp.minimum(cx2, x2r)
                                inter = jnp.maximum(yy2 - yy1, 0.0) * (
                                    jnp.maximum(xx2 - xx1, 0.0))
                                iou = inter / (aj + ar - inter + 1e-9)
                                sv = jnp.where(iou > _IOU_THR, neg16, sv)
                                s_v[pl.ds(off, _NL)] = sv
                                gt = sv > rmv
                                rmv = jnp.where(gt, sv, rmv)
                                rrv = jnp.where(gt, jnp.full((_NL,), r, i32),
                                                rrv)
                            l1max_v[pl.ds(g * _NL, _NL)] = rmv
                            l1row_v[pl.ds(g * _NL, _NL)] = rrv
                            return c

                        lax.fori_loop(0, _NG, g_fn, 0)
                        return nk2 + 1

                    nk3 = lax.cond(m > _NEG, sel, lambda n: n, nk2)
                    fin3 = jnp.where(m > _NEG,
                                     jnp.where(nk3 >= _MAX_BOXES,
                                               jnp.int32(1), jnp.int32(0)),
                                     jnp.int32(2))
                    return nk3, fin3

                nk2, fin2 = carry
                return lax.cond(fin2 == 0, work, lambda a: a, (nk2, fin2))

            lax.fori_loop(0, _MAX_BOXES, round_fn, (nk, jnp.int32(0)))

        for v in range(2):
            sl = pl.ds(v * _NL, _NL)
            idxv = kidx_v[sl]
            valf = kval_v[sl]
            clsv = jnp.where(valf > 0.0, jnp.full((_NL,), cls, i32),
                             jnp.full((_NL,), -1, i32))
            stc_v[sl] = clsv
            for c, ref in enumerate((by1_v, bx1_v, by2_v, bx2_v)):
                coords = plsc.load_gather(ref, [idxv])
                bi = (coords * valf).astype(i32)
                plsc.store_scatter(stb_v, [iota16 * 4 + (v * 64 + c)], bi)

        pltpu.sync_copy(stb_v, ob_hbm.at[pl.ds(cls * 128, 128)])
        pltpu.sync_copy(ksc_v, os_hbm.at[pl.ds(cls * 32, 32)])
        pltpu.sync_copy(stc_v, oc_hbm.at[pl.ds(cls * 32, 32)])

    def class_step(t, c):
        cls = wid + 32 * t

        @pl.when(cls < _NUM_CLASSES)
        def _():
            run_class(cls)

        return c

    lax.fori_loop(0, 3, class_step, 0)


@jax.jit
def _sc_nms(s_pad, b_pad):
    mesh = plsc.VectorSubcoreMesh(core_axis_name="c", subcore_axis_name="s",
                                  num_cores=2, num_subcores=16)
    f32, i32 = jnp.float32, jnp.int32
    out_type = (
        jax.ShapeDtypeStruct((_NUM_CLASSES * 128,), i32),
        jax.ShapeDtypeStruct((_NUM_CLASSES * 32,), f32),
        jax.ShapeDtypeStruct((_NUM_CLASSES * 32,), i32),
    )
    scratch = [
        pltpu.VMEM((_NP,), f32),
        pltpu.VMEM((_NP,), f32),
        pltpu.VMEM((_NP,), f32),
        pltpu.VMEM((_NP,), f32),
        pltpu.VMEM((_NP,), f32),
        pltpu.VMEM((_NG * _NL,), f32),
        pltpu.VMEM((_NG * _NL,), i32),
        pltpu.VMEM((32,), f32),
        pltpu.VMEM((32,), f32),
        pltpu.VMEM((32,), f32),
        pltpu.VMEM((32,), f32),
        pltpu.VMEM((32,), i32),
        pltpu.VMEM((32,), f32),
        pltpu.VMEM((32,), f32),
        pltpu.VMEM((128,), i32),
        pltpu.VMEM((32,), i32),
    ]
    return pl.kernel(_nms_body, out_type, mesh=mesh,
                     scratch_types=scratch,
                     compiler_params=pltpu.CompilerParams(
                         needs_layout_passes=False))(s_pad, b_pad)


def kernel(yolo_outputs_0, yolo_outputs_1, yolo_outputs_2, image_shape):
    f32 = jnp.float32
    ffr = jnp.concatenate([
        yolo_outputs_0.reshape(-1, 85),
        yolo_outputs_1.reshape(-1, 85),
        yolo_outputs_2.reshape(-1, 85)], 0)

    b_pad = _decode_boxes(ffr, image_shape)

    s_pad = _sc_decode(ffr.reshape(-1))
    ob, os_, oc = _sc_nms(s_pad, b_pad)
    boxes_ = ob.reshape(_NUM_CLASSES, 32, 4)[:, :_MAX_BOXES, :].reshape(-1, 4)
    scores_ = os_.reshape(_NUM_CLASSES, 32)[:, :_MAX_BOXES].reshape(-1)
    classes_ = oc.reshape(_NUM_CLASSES, 32)[:, :_MAX_BOXES].reshape(-1)
    return boxes_, scores_, classes_

# --- scband reference (transcript-rebuilt; emitter-appended) ---
"""Pipeline reference for scband-yolo-eval-62130996904475 (READ-ONLY COPY).

The authoritative reference and input builder live on the scoring server;
editing this copy changes nothing except your own understanding.
"""

import jax, jax.numpy as jnp
import numpy as np

ANCHORS = np.array([[10,13],[16,30],[33,23],[30,61],[62,45],[59,119],[116,90],[156,198],[373,326]], dtype=np.float32)
ANCHOR_MASK = [[6,7,8],[3,4,5],[0,1,2]]
NUM_CLASSES = 80
MAX_BOXES = 20
SCORE_THR = 0.2
IOU_THR = 0.5


def setup_inputs(seed: int = 0) -> dict:
    key = jax.random.key(seed)
    k0, k1, k2 = jax.random.split(key, 3)
    return {
        "yolo_outputs_0": jax.random.normal(k0, (1, 19, 19, 3, 85), dtype=jnp.float32),
        "yolo_outputs_1": jax.random.normal(k1, (1, 38, 38, 3, 85), dtype=jnp.float32),
        "yolo_outputs_2": jax.random.normal(k2, (1, 76, 76, 3, 85), dtype=jnp.float32),
        "image_shape": jnp.ones((2,), dtype=jnp.float32),
    }


def _yolo_head(feats, anchors, input_shape):
    gh, gw = feats.shape[1], feats.shape[2]
    gy = jnp.tile(jnp.arange(gh).reshape(-1, 1, 1, 1), (1, gw, 1, 1))
    gx = jnp.tile(jnp.arange(gw).reshape(1, -1, 1, 1), (gh, 1, 1, 1))
    grid = jnp.concatenate([gx, gy], -1).astype(feats.dtype)
    box_xy = (jax.nn.sigmoid(feats[..., 0:2]) + grid) / jnp.array([gw, gh], feats.dtype)
    box_wh = jnp.exp(feats[..., 2:4]) * jnp.asarray(anchors, feats.dtype).reshape(1, 1, 1, -1, 2) / input_shape[::-1]
    box_confidence = jax.nn.sigmoid(feats[..., 4:5])
    box_class_probs = jax.nn.sigmoid(feats[..., 5:])
    return box_xy, box_wh, box_confidence, box_class_probs


def _correct_boxes(box_xy, box_wh, input_shape, image_shape):
    box_yx = box_xy[..., ::-1]
    box_hw = box_wh[..., ::-1]
    input_shape = input_shape.astype(box_yx.dtype)
    image_shape = image_shape.astype(box_yx.dtype)
    max_shape = jnp.maximum(image_shape[0], image_shape[1])
    ratio = image_shape / max_shape
    boxed_shape = input_shape * ratio
    offset = (input_shape - boxed_shape) / 2.0
    scale = image_shape / boxed_shape
    box_yx = (box_yx * input_shape - offset) * scale
    box_hw = box_hw * input_shape * scale
    box_mins = box_yx - box_hw / 2.0
    box_maxes = box_yx + box_hw / 2.0
    boxes = jnp.concatenate([
        jnp.clip(box_mins[..., 0:1], 0.0, image_shape[0]),
        jnp.clip(box_mins[..., 1:2], 0.0, image_shape[1]),
        jnp.clip(box_maxes[..., 0:1], 0.0, image_shape[0]),
        jnp.clip(box_maxes[..., 1:2], 0.0, image_shape[1])], -1)
    return boxes


def _nms_class(boxes, scores):
    s0 = jnp.where(scores >= SCORE_THR, scores, -jnp.inf)
    area = (boxes[:, 2] - boxes[:, 0]) * (boxes[:, 3] - boxes[:, 1])

    def body(i, state):
        s_cur, idxs, valid = state
        j = jnp.argmax(s_cur)
        ok = s_cur[j] > -jnp.inf
        b = boxes[j]
        yy1 = jnp.maximum(b[0], boxes[:, 0])
        xx1 = jnp.maximum(b[1], boxes[:, 1])
        yy2 = jnp.minimum(b[2], boxes[:, 2])
        xx2 = jnp.minimum(b[3], boxes[:, 3])
        inter = jnp.maximum(yy2 - yy1, 0.0) * jnp.maximum(xx2 - xx1, 0.0)
        iou = inter / (area[j] + area - inter + 1e-9)
        s_new = jnp.where(ok & (iou > IOU_THR), -jnp.inf, s_cur)
        s_new = s_new.at[j].set(-jnp.inf)
        idxs = idxs.at[i].set(jnp.where(ok, j, 0).astype(jnp.int32))
        valid = valid.at[i].set(ok)
        return (s_new, idxs, valid)

    state = (s0, jnp.zeros((MAX_BOXES,), jnp.int32), jnp.zeros((MAX_BOXES,), bool))
    _, idxs, valid = jax.lax.fori_loop(0, MAX_BOXES, body, state)
    return idxs, valid


def _yolo_eval(feats_list, image_shape):
    input_shape = jnp.array([feats_list[0].shape[1] * 32, feats_list[0].shape[2] * 32], jnp.float32)
    boxes_all, scores_all = [], []
    for l, f in enumerate(feats_list):
        anchors = ANCHORS[ANCHOR_MASK[l]]
        bxy, bwh, conf, probs = _yolo_head(f, anchors, input_shape)
        b = _correct_boxes(bxy, bwh, input_shape, image_shape).reshape(-1, 4)
        sc = (conf * probs).reshape(-1, NUM_CLASSES)
        boxes_all.append(b)
        scores_all.append(sc)
    boxes = jnp.concatenate(boxes_all, 0)
    box_scores = jnp.concatenate(scores_all, 0)
    idxs, valid = jax.vmap(lambda s: _nms_class(boxes, s))(box_scores.T)
    cls_boxes = boxes[idxs]
    cls_scores = jnp.take_along_axis(box_scores.T, idxs, axis=1)
    vf = valid.astype(boxes.dtype)
    boxes_ = (cls_boxes * vf[..., None]).reshape(-1, 4)
    scores_ = (cls_scores * vf).reshape(-1)
    classes_ = jnp.where(valid, jnp.arange(NUM_CLASSES, dtype=jnp.int32)[:, None], -1).reshape(-1)
    return boxes_, scores_, classes_


def reference(yolo_outputs_0, yolo_outputs_1, yolo_outputs_2, image_shape):
    boxes_, scores_, classes_ = _yolo_eval([yolo_outputs_0, yolo_outputs_1, yolo_outputs_2], image_shape)
    return boxes_.astype(jnp.int32), scores_, classes_

if __name__ == "__main__":
    import jax
    _d = setup_inputs()
    print(jax.jit(kernel)(*tuple(_d.values())))

</pallas_src>

<mosaic_0001>
#map = affine_map<(d0, d1) -> (0)>
module attributes {stable_mosaic.version = 14 : i64} {
  func.func @_dec_body(%arg0: i32, %arg1: i32, %arg2: memref<1933155xf32, #tpu.memory_space<hbm>>, %arg3: memref<1843200xf32, #tpu.memory_space<hbm>>, %arg4: memref<61200xf32, #tpu.memory_space<vmem>>, %arg5: memref<57600xf32, #tpu.memory_space<vmem>>, %arg6: memref<!tpu.dma_semaphore, #tpu.memory_space<semaphore_mem>>) attributes {dimension_semantics = [#tpu.dimension_semantics<core_parallel>, #tpu.dimension_semantics<subcore_parallel>], iteration_bounds = array<i64: 2, 16>, scalar_prefetch = 0 : i64, scratch_operands = 3 : i64, tpu.core_type = #tpu.core_type<sc_vector_subcore>, window_params = [{transform_indices = #map}, {transform_indices = #map}]} {
    %mul3A = arith.constant 2 : i32
    %mul3A_0 = arith.muli %arg1, %mul3A : i32
    %add3A = arith.addi %mul3A_0, %arg0 : i32
    %mul3A_1 = arith.constant 720 : i32
    %mul3A_2 = arith.muli %add3A, %mul3A_1 : i32
    %iota3A = tpu.iota {dimensions = array<i32: 0>} : vector<16xi32>
    %lt3A = arith.constant 31 : i32
    %lt3A_3 = arith.cmpi slt, %add3A, %lt3A : i32
    %convert_element_type3A = arith.extui %lt3A_3 : i1 to i32
    %cond3A = arith.constant 0 : i32
    %cond3A_4 = arith.cmpi ne, %convert_element_type3A, %cond3A : i32
    scf.if %cond3A_4 {
      %mul3A_1132 = arith.constant 85 : i32
      %mul3A_1133 = arith.muli %mul3A_2, %mul3A_1132 : i32
      "tpu.region"() ({
        %run_scoped3A = tpu.sem_alloc : memref<!tpu.dma_semaphore, #tpu.memory_space<semaphore_mem>>
        %dma_start3A_1134 = tpu.memref_slice %arg2[%mul3A_1133] : memref<1933155xf32, #tpu.memory_space<hbm>> -> memref<61200xf32, #tpu.memory_space<hbm>>
        %dma_start3A_1135 = tpu.memref_slice %arg2[%mul3A_1133] : memref<1933155xf32, #tpu.memory_space<hbm>> -> memref<61200xf32, #tpu.memory_space<hbm>>
        tpu.enqueue_dma source(%dma_start3A_1135 : memref<61200xf32, #tpu.memory_space<hbm>>) target(%arg4 : memref<61200xf32, #tpu.memory_space<vmem>>) target_semaphore(%run_scoped3A : memref<!tpu.dma_semaphore, #tpu.memory_space<semaphore_mem>>)
        %dma_wait3A_1136 = tpu.memref_slice %arg2[%mul3A_1133] : memref<1933155xf32, #tpu.memory_space<hbm>> -> memref<61200xf32, #tpu.memory_space<hbm>>
        %dma_wait3A_1137 = tpu.memref_slice %arg2[%mul3A_1133] : memref<1933155xf32, #tpu.memory_space<hbm>> -> memref<61200xf32, #tpu.memory_space<hbm>>
        tpu.wait_dma2 semaphore(%run_scoped3A : memref<!tpu.dma_semaphore, #tpu.memory_space<semaphore_mem>>) src(%dma_wait3A_1137 : memref<61200xf32, #tpu.memory_space<hbm>>) dst(%arg4 : memref<61200xf32, #tpu.memory_space<vmem>>)
        tpu.yield
      }) : () -> ()
    } else {
    }
    %eq3A = arith.constant 31 : i32
    %eq3A_5 = arith.cmpi eq, %add3A, %eq3A : i32
    %convert_element_type3A_6 = arith.extui %eq3A_5 : i1 to i32
    %cond3A_7 = arith.constant 0 : i32
    %cond3A_8 = arith.cmpi ne, %convert_element_type3A_6, %cond3A_7 : i32
    scf.if %cond3A_8 {
      %mul3A_1132 = arith.constant 85 : i32
      %mul3A_1133 = arith.muli %mul3A_2, %mul3A_1132 : i32
      "tpu.region"() ({
        %run_scoped3A = tpu.sem_alloc : memref<!tpu.dma_semaphore, #tpu.memory_space<semaphore_mem>>
        %dma_start3A_1134 = arith.constant 0 : i32
        %dma_start3A_1135 = tpu.memref_slice %arg4[%dma_start3A_1134] : memref<61200xf32, #tpu.memory_space<vmem>> -> memref<35955xf32, #tpu.memory_space<vmem>>
        %dma_start3A_1136 = tpu.memref_slice %arg2[%mul3A_1133] : memref<1933155xf32, #tpu.memory_space<hbm>> -> memref<35955xf32, #tpu.memory_space<hbm>>
        %dma_start3A_1137 = arith.constant 0 : i32
        %dma_start3A_1138 = tpu.memref_slice %arg4[%dma_start3A_1137] : memref<61200xf32, #tpu.memory_space<vmem>> -> memref<35955xf32, #tpu.memory_space<vmem>>
        %dma_start3A_1139 = tpu.memref_slice %arg2[%mul3A_1133] : memref<1933155xf32, #tpu.memory_space<hbm>> -> memref<35955xf32, #tpu.memory_space<hbm>>
        tpu.enqueue_dma source(%dma_start3A_1139 : memref<35955xf32, #tpu.memory_space<hbm>>) target(%dma_start3A_1138 : memref<35955xf32, #tpu.memory_space<vmem>>) target_semaphore(%run_scoped3A : memref<!tpu.dma_semaphore, #tpu.memory_space<semaphore_mem>>)
        %dma_wait3A_1140 = arith.constant 0 : i32
        %dma_wait3A_1141 = tpu.memref_slice %arg4[%dma_wait3A_1140] : memref<61200xf32, #tpu.memory_space<vmem>> -> memref<35955xf32, #tpu.memory_space<vmem>>
        %dma_wait3A_1142 = tpu.memref_slice %arg2[%mul3A_1133] : memref<1933155xf32, #tpu.memory_space<hbm>> -> memref<35955xf32, #tpu.memory_space<hbm>>
        %dma_wait3A_1143 = arith.constant 0 : i32
        %dma_wait3A_1144 = tpu.memref_slice %arg4[%dma_wait3A_1143] : memref<61200xf32, #tpu.memory_space<vmem>> -> memref<35955xf32, #tpu.memory_space<vmem>>
        %dma_wait3A_1145 = tpu.memref_slice %arg2[%mul3A_1133] : memref<1933155xf32, #tpu.memory_space<hbm>> -> memref<35955xf32, #tpu.memory_space<hbm>>
        tpu.wait_dma2 semaphore(%run_scoped3A : memref<!tpu.dma_semaphore, #tpu.memory_space<semaphore_mem>>) src(%dma_wait3A_1145 : memref<35955xf32, #tpu.memory_space<hbm>>) dst(%dma_wait3A_1144 : memref<35955xf32, #tpu.memory_space<vmem>>)
        tpu.yield
      }) : () -> ()
    } else {
    }
    %scan3A = arith.constant 0 : i32
    %scan3A_9 = arith.constant 0 : i32
    %scan3A_10 = arith.constant 45 : i32
    %scan3A_11 = arith.addi %scan3A_9, %scan3A_10 : i32
    %scan3A_12 = arith.constant 1 : i32
    scf.for %scan3A_1132 = %scan3A_9 to %scan3A_11 step %scan3A_12  : i32 {
      %mul3A_1133 = arith.constant 16 : i32
      %mul3A_1134 = arith.muli %scan3A_1132, %mul3A_1133 : i32
      %add3A_1135 = arith.addi %mul3A_2, %mul3A_1134 : i32
      %add3A_1136 = vector.broadcast %add3A_1135 : i32 to vector<16xi32>
      %add3A_1137 = arith.addi %add3A_1136, %iota3A : vector<16xi32>
      %lt3A_1138 = arith.constant 22743 : i32
      %lt3A_1139 = vector.broadcast %lt3A_1138 : i32 to vector<16xi32>
      %lt3A_1140 = arith.cmpi slt, %add3A_1137, %lt3A_1139 : vector<16xi32>
      %add3A_1141 = vector.broadcast %mul3A_1134 : i32 to vector<16xi32>
      %add3A_1142 = arith.addi %iota3A, %add3A_1141 : vector<16xi32>
      %mul3A_1143 = arith.constant 85 : i32
      %mul3A_1144 = vector.broadcast %mul3A_1143 : i32 to vector<16xi32>
      %mul3A_1145 = arith.muli %add3A_1142, %mul3A_1144 : vector<16xi32>
      %add3A_1146 = arith.constant 4 : i32
      %add3A_1147 = vector.broadcast %add3A_1146 : i32 to vector<16xi32>
      %add3A_1148 = arith.addi %mul3A_1145, %add3A_1147 : vector<16xi32>
      %gather3A = tpu.vector_load_idx %arg4[%add3A_1148] : memref<61200xf32, #tpu.memory_space<vmem>>[vector<16xi32>], vector<16xf32>,
      %neg3A = arith.constant 0.000000e+00 : f32
      %neg3A_1149 = vector.broadcast %neg3A : f32 to vector<16xf32>
      %neg3A_1150 = arith.subf %neg3A_1149, %gather3A : vector<16xf32>
      %exp3A = math.exp %neg3A_1150 : vector<16xf32>
      %add3A_1151 = arith.constant 1.000000e+00 : f32
      %add3A_1152 = vector.broadcast %add3A_1151 : f32 to vector<16xf32>
      %add3A_1153 = arith.addf %add3A_1152, %exp3A : vector<16xf32>
      %div3A = arith.constant 1.000000e+00 : f32
      %div3A_1154 = vector.broadcast %div3A : f32 to vector<16xf32>
      %div3A_1155 = arith.divf %div3A_1154, %add3A_1153 : vector<16xf32>
      %broadcast_in_dim3A = arith.constant 0xFF800000 : f32
      %broadcast_in_dim3A_1156 = vector.broadcast %broadcast_in_dim3A : f32 to vector<16xf32>
      %scan3A_1157 = arith.constant 0 : i32
      %scan3A_1158 = arith.constant 0 : i32
      %scan3A_1159 = arith.constant 8 : i32
      %scan3A_1160 = arith.addi %scan3A_1158, %scan3A_1159 : i32
      %scan3A_1161 = arith.constant 1 : i32
      scf.for %scan3A_1163 = %scan3A_1158 to %scan3A_1160 step %scan3A_1161  : i32 {
        %mul3A_1164 = arith.constant 10 : i32
        %mul3A_1165 = arith.muli %scan3A_1163, %mul3A_1164 : i32
        %add3A_1166 = arith.constant 0 : i32
        %add3A_1167 = arith.addi %mul3A_1165, %add3A_1166 : i32
        %add3A_1168 = arith.constant 5 : i32
        %add3A_1169 = arith.addi %add3A_1168, %add3A_1167 : i32
        %add3A_1170 = vector.broadcast %add3A_1169 : i32 to vector<16xi32>
        %add3A_1171 = arith.addi %mul3A_1145, %add3A_1170 : vector<16xi32>
        %gather3A_1172 = tpu.vector_load_idx %arg4[%add3A_1171] : memref<61200xf32, #tpu.memory_space<vmem>>[vector<16xi32>], vector<16xf32>,
        %neg3A_1173 = arith.constant 0.000000e+00 : f32
        %neg3A_1174 = vector.broadcast %neg3A_1173 : f32 to vector<16xf32>
        %neg3A_1175 = arith.subf %neg3A_1174, %gather3A_1172 : vector<16xf32>
        %exp3A_1176 = math.exp %neg3A_1175 : vector<16xf32>
        %add3A_1177 = arith.constant 1.000000e+00 : f32
        %add3A_1178 = vector.broadcast %add3A_1177 : f32 to vector<16xf32>
        %add3A_1179 = arith.addf %add3A_1178, %exp3A_1176 : vector<16xf32>
        %div3A_1180 = arith.constant 1.000000e+00 : f32
        %div3A_1181 = vector.broadcast %div3A_1180 : f32 to vector<16xf32>
        %div3A_1182 = arith.divf %div3A_1181, %add3A_1179 : vector<16xf32>
        %mul3A_1183 = arith.mulf %div3A_1155, %div3A_1182 : vector<16xf32>
        %ge3A = arith.constant 2.000000e-01 : f32
        %ge3A_1184 = vector.broadcast %ge3A : f32 to vector<16xf32>
        %ge3A_1185 = arith.cmpf oge, %mul3A_1183, %ge3A_1184 : vector<16xf32>
        %and3A = arith.andi %lt3A_1140, %ge3A_1185 : vector<16xi1>
        %select_n3A = arith.select %and3A, %mul3A_1183, %broadcast_in_dim3A_1156 : vector<16xi1>, vector<16xf32>
        %mul3A_1186 = arith.constant 720 : i32
        %mul3A_1187 = arith.muli %add3A_1167, %mul3A_1186 : i32
        %add3A_1188 = arith.addi %mul3A_1187, %mul3A_1134 : i32
        %swap3A = arith.index_cast %add3A_1188 : i32 to index
        %swap3A_1189 = tpu.vector_load %arg5[%swap3A] {strides = array<i32>} : memref<57600xf32, #tpu.memory_space<vmem>>, vector<16xf32>,
        tpu.vector_store %arg5[%swap3A], %select_n3A {strides = array<i32>} : memref<57600xf32, #tpu.memory_space<vmem>>, vector<16xf32>,
        %mul3A_1190 = arith.constant 10 : i32
        %mul3A_1191 = arith.muli %scan3A_1163, %mul3A_1190 : i32
        %add3A_1192 = arith.constant 1 : i32
        %add3A_1193 = arith.addi %mul3A_1191, %add3A_1192 : i32
        %add3A_1194 = arith.constant 5 : i32
        %add3A_1195 = arith.addi %add3A_1194, %add3A_1193 : i32
        %add3A_1196 = vector.broadcast %add3A_1195 : i32 to vector<16xi32>
        %add3A_1197 = arith.addi %mul3A_1145, %add3A_1196 : vector<16xi32>
        %gather3A_1198 = tpu.vector_load_idx %arg4[%add3A_1197] : memref<61200xf32, #tpu.memory_space<vmem>>[vector<16xi32>], vector<16xf32>,
        %neg3A_1199 = arith.constant 0.000000e+00 : f32
        %neg3A_1200 = vector.broadcast %neg3A_1199 : f32 to vector<16xf32>
        %neg3A_1201 = arith.subf %neg3A_1200, %gather3A_1198 : vector<16xf32>
        %exp3A_1202 = math.exp %neg3A_1201 : vector<16xf32>
        %add3A_1203 = arith.constant 1.000000e+00 : f32
        %add3A_1204 = vector.broadcast %add3A_1203 : f32 to vector<16xf32>
        %add3A_1205 = arith.addf %add3A_1204, %exp3A_1202 : vector<16xf32>
        %div3A_1206 = arith.constant 1.000000e+00 : f32
        %div3A_1207 = vector.broadcast %div3A_1206 : f32 to vector<16xf32>
        %div3A_1208 = arith.divf %div3A_1207, %add3A_1205 : vector<16xf32>
        %mul3A_1209 = arith.mulf %div3A_1155, %div3A_1208 : vector<16xf32>
        %ge3A_1210 = arith.constant 2.000000e-01 : f32
        %ge3A_1211 = vector.broadcast %ge3A_1210 : f32 to vector<16xf32>
        %ge3A_1212 = arith.cmpf oge, %mul3A_1209, %ge3A_1211 : vector<16xf32>
        %and3A_1213 = arith.andi %lt3A_1140, %ge3A_1212 : vector<16xi1>
        %select_n3A_1214 = arith.select %and3A_1213, %mul3A_1209, %broadcast_in_dim3A_1156 : vector<16xi1>, vector<16xf32>
        %mul3A_1215 = arith.constant 720 : i32
        %mul3A_1216 = arith.muli %add3A_1193, %mul3A_1215 : i32
        %add3A_1217 = arith.addi %mul3A_1216, %mul3A_1134 : i32
        %swap3A_1218 = arith.index_cast %add3A_1217 : i32 to index
        %swap3A_1219 = tpu.vector_load %arg5[%swap3A_1218] {strides = array<i32>} : memref<57600xf32, #tpu.memory_space<vmem>>, vector<16xf32>,
        tpu.vector_store %arg5[%swap3A_1218], %select_n3A_1214 {strides = array<i32>} : memref<57600xf32, #tpu.memory_space<vmem>>, vector<16xf32>,
        %mul3A_1220 = arith.constant 10 : i32
        %mul3A_1221 = arith.muli %scan3A_1163, %mul3A_1220 : i32
        %add3A_1222 = arith.constant 2 : i32
        %add3A_1223 = arith.addi %mul3A_1221, %add3A_1222 : i32
        %add3A_1224 = arith.constant 5 : i32
        %add3A_1225 = arith.addi %add3A_1224, %add3A_1223 : i32
        %add3A_1226 = vector.broadcast %add3A_1225 : i32 to vector<16xi32>
        %add3A_1227 = arith.addi %mul3A_1145, %add3A_1226 : vector<16xi32>
        %gather3A_1228 = tpu.vector_load_idx %arg4[%add3A_1227] : memref<61200xf32, #tpu.memory_space<vmem>>[vector<16xi32>], vector<16xf32>,
        %neg3A_1229 = arith.constant 0.000000e+00 : f32
        %neg3A_1230 = vector.broadcast %neg3A_1229 : f32 to vector<16xf32>
        %neg3A_1231 = arith.subf %neg3A_1230, %gather3A_1228 : vector<16xf32>
        %exp3A_1232 = math.exp %neg3A_1231 : vector<16xf32>
        %add3A_1233 = arith.constant 1.000000e+00 : f32
        %add3A_1234 = vector.broadcast %add3A_1233 : f32 to vector<16xf32>
        %add3A_1235 = arith.addf %add3A_1234, %exp3A_1232 : vector<16xf32>
        %div3A_1236 = arith.constant 1.000000e+00 : f32
        %div3A_1237 = vector.broadcast %div3A_1236 : f32 to vector<16xf32>
        %div3A_1238 = arith.divf %div3A_1237, %add3A_1235 : vector<16xf32>
        %mul3A_1239 = arith.mulf %div3A_1155, %div3A_1238 : vector<16xf32>
        %ge3A_1240 = arith.constant 2.000000e-01 : f32
        %ge3A_1241 = vector.broadcast %ge3A_1240 : f32 to vector<16xf32>
        %ge3A_1242 = arith.cmpf oge, %mul3A_1239, %ge3A_1241 : vector<16xf32>
        %and3A_1243 = arith.andi %lt3A_1140, %ge3A_1242 : vector<16xi1>
        %select_n3A_1244 = arith.select %and3A_1243, %mul3A_1239, %broadcast_in_dim3A_1156 : vector<16xi1>, vector<16xf32>
        %mul3A_1245 = arith.constant 720 : i32
        %mul3A_1246 = arith.muli %add3A_1223, %mul3A_1245 : i32
        %add3A_1247 = arith.addi %mul3A_1246, %mul3A_1134 : i32
        %swap3A_1248 = arith.index_cast %add3A_1247 : i32 to index
        %swap3A_1249 = tpu.vector_load %arg5[%swap3A_1248] {strides = array<i32>} : memref<57600xf32, #tpu.memory_space<vmem>>, vector<16xf32>,
        tpu.vector_store %arg5[%swap3A_1248], %select_n3A_1244 {strides = array<i32>} : memref<57600xf32, #tpu.memory_space<vmem>>, vector<16xf32>,
        %mul3A_1250 = arith.constant 10 : i32
        %mul3A_1251 = arith.muli %scan3A_1163, %mul3A_1250 : i32
        %add3A_1252 = arith.constant 3 : i32
        %add3A_1253 = arith.addi %mul3A_1251, %add3A_1252 : i32
        %add3A_1254 = arith.constant 5 : i32
        %add3A_1255 = arith.addi %add3A_1254, %add3A_1253 : i32
        %add3A_1256 = vector.broadcast %add3A_1255 : i32 to vector<16xi32>
        %add3A_1257 = arith.addi %mul3A_1145, %add3A_1256 : vector<16xi32>
        %gather3A_1258 = tpu.vector_load_idx %arg4[%add3A_1257] : memref<61200xf32, #tpu.memory_space<vmem>>[vector<16xi32>], vector<16xf32>,
        %neg3A_1259 = arith.constant 0.000000e+00 : f32
        %neg3A_1260 = vector.broadcast %neg3A_1259 : f32 to vector<16xf32>
        %neg3A_1261 = arith.subf %neg3A_1260, %gather3A_1258 : vector<16xf32>
        %exp3A_1262 = math.exp %neg3A_1261 : vector<16xf32>
        %add3A_1263 = arith.constant 1.000000e+00 : f32
        %add3A_1264 = vector.broadcast %add3A_1263 : f32 to vector<16xf32>
        %add3A_1265 = arith.addf %add3A_1264, %exp3A_1262 : vector<16xf32>
        %div3A_1266 = arith.constant 1.000000e+00 : f32
        %div3A_1267 = vector.broadcast %div3A_1266 : f32 to vector<16xf32>
        %div3A_1268 = arith.divf %div3A_1267, %add3A_1265 : vector<16xf32>
        %mul3A_1269 = arith.mulf %div3A_1155, %div3A_1268 : vector<16xf32>
        %ge3A_1270 = arith.constant 2.000000e-01 : f32
        %ge3A_1271 = vector.broadcast %ge3A_1270 : f32 to vector<16xf32>
        %ge3A_1272 = arith.cmpf oge, %mul3A_1269, %ge3A_1271 : vector<16xf32>
        %and3A_1273 = arith.andi %lt3A_1140, %ge3A_1272 : vector<16xi1>
        %select_n3A_1274 = arith.select %and3A_1273, %mul3A_1269, %broadcast_in_dim3A_1156 : vector<16xi1>, vector<16xf32>
        %mul3A_1275 = arith.constant 720 : i32
        %mul3A_1276 = arith.muli %add3A_1253, %mul3A_1275 : i32
        %add3A_1277 = arith.addi %mul3A_1276, %mul3A_1134 : i32
        %swap3A_1278 = arith.index_cast %add3A_1277 : i32 to index
        %swap3A_1279 = tpu.vector_load %arg5[%swap3A_1278] {strides = array<i32>} : memref<57600xf32, #tpu.memory_space<vmem>>, vector<16xf32>,
        tpu.vector_store %arg5[%swap3A_1278], %select_n3A_1274 {strides = array<i32>} : memref<57600xf32, #tpu.memory_space<vmem>>, vector<16xf32>,
        %mul3A_1280 = arith.constant 10 : i32
        %mul3A_1281 = arith.muli %scan3A_1163, %mul3A_1280 : i32
        %add3A_1282 = arith.constant 4 : i32
        %add3A_1283 = arith.addi %mul3A_1281, %add3A_1282 : i32
        %add3A_1284 = arith.constant 5 : i32
        %add3A_1285 = arith.addi %add3A_1284, %add3A_1283 : i32
        %add3A_1286 = vector.broadcast %add3A_1285 : i32 to vector<16xi32>
        %add3A_1287 = arith.addi %mul3A_1145, %add3A_1286 : vector<16xi32>
        %gather3A_1288 = tpu.vector_load_idx %arg4[%add3A_1287] : memref<61200xf32, #tpu.memory_space<vmem>>[vector<16xi32>], vector<16xf32>,
        %neg3A_1289 = arith.constant 0.000000e+00 : f32
        %neg3A_1290 = vector.broadcast %neg3A_1289 : f32 to vector<16xf32>
        %neg3A_1291 = arith.subf %neg3A_1290, %gather3A_1288 : vector<16xf32>
        %exp3A_1292 = math.exp %neg3A_1291 : vector<16xf32>
        %add3A_1293 = arith.constant 1.000000e+00 : f32
        %add3A_1294 = vector.broadcast %add3A_1293 : f32 to vector<16xf32>
        %add3A_1295 = arith.addf %add3A_1294, %exp3A_1292 : vector<16xf32>
        %div3A_1296 = arith.constant 1.000000e+00 : f32
        %div3A_1297 = vector.broadcast %div3A_1296 : f32 to vector<16xf32>
        %div3A_1298 = arith.divf %div3A_1297, %add3A_1295 : vector<16xf32>
        %mul3A_1299 = arith.mulf %div3A_1155, %div3A_1298 : vector<16xf32>
        %ge3A_1300 = arith.constant 2.000000e-01 : f32
        %ge3A_1301 = vector.broadcast %ge3A_1300 : f32 to vector<16xf32>
        %ge3A_1302 = arith.cmpf oge, %mul3A_1299, %ge3A_1301 : vector<16xf32>
        %and3A_1303 = arith.andi %lt3A_1140, %ge3A_1302 : vector<16xi1>
        %select_n3A_1304 = arith.select %and3A_1303, %mul3A_1299, %broadcast_in_dim3A_1156 : vector<16xi1>, vector<16xf32>
        %mul3A_1305 = arith.constant 720 : i32
        %mul3A_1306 = arith.muli %add3A_1283, %mul3A_1305 : i32
        %add3A_1307 = arith.addi %mul3A_1306, %mul3A_1134 : i32
        %swap3A_1308 = arith.index_cast %add3A_1307 : i32 to index
        %swap3A_1309 = tpu.vector_load %arg5[%swap3A_1308] {strides = array<i32>} : memref<57600xf32, #tpu.memory_space<vmem>>, vector<16xf32>,
        tpu.vector_store %arg5[%swap3A_1308], %select_n3A_1304 {strides = array<i32>} : memref<57600xf32, #tpu.memory_space<vmem>>, vector<16xf32>,
        %mul3A_1310 = arith.constant 10 : i32
        %mul3A_1311 = arith.muli %scan3A_1163, %mul3A_1310 : i32
        %add3A_1312 = arith.constant 5 : i32
        %add3A_1313 = arith.addi %mul3A_1311, %add3A_1312 : i32
        %add3A_1314 = arith.constant 5 : i32
        %add3A_1315 = arith.addi %add3A_1314, %add3A_1313 : i32
        %add3A_1316 = vector.broadcast %add3A_1315 : i32 to vector<16xi32>
        %add3A_1317 = arith.addi %mul3A_1145, %add3A_1316 : vector<16xi32>
        %gather3A_1318 = tpu.vector_load_idx %arg4[%add3A_1317] : memref<61200xf32, #tpu.memory_space<vmem>>[vector<16xi32>], vector<16xf32>,
        %neg3A_1319 = arith.constant 0.000000e+00 : f32
        %neg3A_1320 = vector.broadcast %neg3A_1319 : f32 to vector<16xf32>
        %neg3A_1321 = arith.subf %neg3A_1320, %gather3A_1318 : vector<16xf32>
        %exp3A_1322 = math.exp %neg3A_1321 : vector<16xf32>
        %add3A_1323 = arith.constant 1.000000e+00 : f32
        %add3A_1324 = vector.broadcast %add3A_1323 : f32 to vector<16xf32>
        %add3A_1325 = arith.addf %add3A_1324, %exp3A_1322 : vector<16xf32>
        %div3A_1326 = arith.constant 1.000000e+00 : f32
        %div3A_1327 = vector.broadcast %div3A_1326 : f32 to vector<16xf32>
        %div3A_1328 = arith.divf %div3A_1327, %add3A_1325 : vector<16xf32>
        %mul3A_1329 = arith.mulf %div3A_1155, %div3A_1328 : vector<16xf32>
        %ge3A_1330 = arith.constant 2.000000e-01 : f32
        %ge3A_1331 = vector.broadcast %ge3A_1330 : f32 to vector<16xf32>
        %ge3A_1332 = arith.cmpf oge, %mul3A_1329, %ge3A_1331 : vector<16xf32>
        %and3A_1333 = arith.andi %lt3A_1140, %ge3A_1332 : vector<16xi1>
        %select_n3A_1334 = arith.select %and3A_1333, %mul3A_1329, %broadcast_in_dim3A_1156 : vector<16xi1>, vector<16xf32>
        %mul3A_1335 = arith.constant 720 : i32
        %mul3A_1336 = arith.muli %add3A_1313, %mul3A_1335 : i32
        %add3A_1337 = arith.addi %mul3A_1336, %mul3A_1134 : i32
        %swap3A_1338 = arith.index_cast %add3A_1337 : i32 to index
        %swap3A_1339 = tpu.vector_load %arg5[%swap3A_1338] {strides = array<i32>} : memref<57600xf32, #tpu.memory_space<vmem>>, vector<16xf32>,
        tpu.vector_store %arg5[%swap3A_1338], %select_n3A_1334 {strides = array<i32>} : memref<57600xf32, #tpu.memory_space<vmem>>, vector<16xf32>,
        %mul3A_1340 = arith.constant 10 : i32
        %mul3A_1341 = arith.muli %scan3A_1163, %mul3A_1340 : i32
        %add3A_1342 = arith.constant 6 : i32
        %add3A_1343 = arith.addi %mul3A_1341, %add3A_1342 : i32
        %add3A_1344 = arith.constant 5 : i32
        %add3A_1345 = arith.addi %add3A_1344, %add3A_1343 : i32
        %add3A_1346 = vector.broadcast %add3A_1345 : i32 to vector<16xi32>
        %add3A_1347 = arith.addi %mul3A_1145, %add3A_1346 : vector<16xi32>
        %gather3A_1348 = tpu.vector_load_idx %arg4[%add3A_1347] : memref<61200xf32, #tpu.memory_space<vmem>>[vector<16xi32>], vector<16xf32>,
        %neg3A_1349 = arith.constant 0.000000e+00 : f32
        %neg3A_1350 = vector.broadcast %neg3A_1349 : f32 to vector<16xf32>
        %neg3A_1351 = arith.subf %neg3A_1350, %gather3A_1348 : vector<16xf32>
        %exp3A_1352 = math.exp %neg3A_1351 : vector<16xf32>
        %add3A_1353 = arith.constant 1.000000e+00 : f32
        %add3A_1354 = vector.broadcast %add3A_1353 : f32 to vector<16xf32>
        %add3A_1355 = arith.addf %add3A_1354, %exp3A_1352 : vector<16xf32>
        %div3A_1356 = arith.constant 1.000000e+00 : f32
        %div3A_1357 = vector.broadcast %div3A_1356 : f32 to vector<16xf32>
        %div3A_1358 = arith.divf %div3A_1357, %add3A_1355 : vector<16xf32>
        %mul3A_1359 = arith.mulf %div3A_1155, %div3A_1358 : vector<16xf32>
        %ge3A_1360 = arith.constant 2.000000e-01 : f32
        %ge3A_1361 = vector.broadcast %ge3A_1360 : f32 to vector<16xf32>
        %ge3A_1362 = arith.cmpf oge, %mul3A_1359, %ge3A_1361 : vector<16xf32>
        %and3A_1363 = arith.andi %lt3A_1140, %ge3A_1362 : vector<16xi1>
        %select_n3A_1364 = arith.select %and3A_1363, %mul3A_1359, %broadcast_in_dim3A_1156 : vector<16xi1>, vector<16xf32>
        %mul3A_1365 = arith.constant 720 : i32
        %mul3A_1366 = arith.muli %add3A_1343, %mul3A_1365 : i32
        %add3A_1367 = arith.addi %mul3A_1366, %mul3A_1134 : i32
        %swap3A_1368 = arith.index_cast %add3A_1367 : i32 to index
        %swap3A_1369 = tpu.vector_load %arg5[%swap3A_1368] {strides = array<i32>} : memref<57600xf32, #tpu.memory_space<vmem>>, vector<16xf32>,
        tpu.vector_store %arg5[%swap3A_1368], %select_n3A_1364 {strides = array<i32>} : memref<57600xf32, #tpu.memory_space<vmem>>, vector<16xf32>,
        %mul3A_1370 = arith.constant 10 : i32
        %mul3A_1371 = arith.muli %scan3A_1163, %mul3A_1370 : i32
        %add3A_1372 = arith.constant 7 : i32
        %add3A_1373 = arith.addi %mul3A_1371, %add3A_1372 : i32
        %add3A_1374 = arith.constant 5 : i32
        %add3A_1375 = arith.addi %add3A_1374, %add3A_1373 : i32
        %add3A_1376 = vector.broadcast %add3A_1375 : i32 to vector<16xi32>
        %add3A_1377 = arith.addi %mul3A_1145, %add3A_1376 : vector<16xi32>
        %gather3A_1378 = tpu.vector_load_idx %arg4[%add3A_1377] : memref<61200xf32, #tpu.memory_space<vmem>>[vector<16xi32>], vector<16xf32>,
        %neg3A_1379 = arith.constant 0.000000e+00 : f32
        %neg3A_1380 = vector.broadcast %neg3A_1379 : f32 to vector<16xf32>
        %neg3A_1381 = arith.subf %neg3A_1380, %gather3A_1378 : vector<16xf32>
        %exp3A_1382 = math.exp %neg3A_1381 : vector<16xf32>
        %add3A_1383 = arith.constant 1.000000e+00 : f32
        %add3A_1384 = vector.broadcast %add3A_1383 : f32 to vector<16xf32>
        %add3A_1385 = arith.addf %add3A_1384, %exp3A_1382 : vector<16xf32>
        %div3A_1386 = arith.constant 1.000000e+00 : f32
        %div3A_1387 = vector.broadcast %div3A_1386 : f32 to vector<16xf32>
        %div3A_1388 = arith.divf %div3A_1387, %add3A_1385 : vector<16xf32>
        %mul3A_1389 = arith.mulf %div3A_1155, %div3A_1388 : vector<16xf32>
        %ge3A_1390 = arith.constant 2.000000e-01 : f32
        %ge3A_1391 = vector.broadcast %ge3A_1390 : f32 to vector<16xf32>
        %ge3A_1392 = arith.cmpf oge, %mul3A_1389, %ge3A_1391 : vector<16xf32>
        %and3A_1393 = arith.andi %lt3A_1140, %ge3A_1392 : vector<16xi1>
        %select_n3A_1394 = arith.select %and3A_1393, %mul3A_1389, %broadcast_in_dim3A_1156 : vector<16xi1>, vector<16xf32>
        %mul3A_1395 = arith.constant 720 : i32
        %mul3A_1396 = arith.muli %add3A_1373, %mul3A_1395 : i32
        %add3A_1397 = arith.addi %mul3A_1396, %mul3A_1134 : i32
        %swap3A_1398 = arith.index_cast %add3A_1397 : i32 to index
        %swap3A_1399 = tpu.vector_load %arg5[%swap3A_1398] {strides = array<i32>} : memref<57600xf32, #tpu.memory_space<vmem>>, vector<16xf32>,
        tpu.vector_store %arg5[%swap3A_1398], %select_n3A_1394 {strides = array<i32>} : memref<57600xf32, #tpu.memory_space<vmem>>, vector<16xf32>,
        %mul3A_1400 = arith.constant 10 : i32
        %mul3A_1401 = arith.muli %scan3A_1163, %mul3A_1400 : i32
        %add3A_1402 = arith.constant 8 : i32
        %add3A_1403 = arith.addi %mul3A_1401, %add3A_1402 : i32
        %add3A_1404 = arith.constant 5 : i32
        %add3A_1405 = arith.addi %add3A_1404, %add3A_1403 : i32
        %add3A_1406 = vector.broadcast %add3A_1405 : i32 to vector<16xi32>
        %add3A_1407 = arith.addi %mul3A_1145, %add3A_1406 : vector<16xi32>
        %gather3A_1408 = tpu.vector_load_idx %arg4[%add3A_1407] : memref<61200xf32, #tpu.memory_space<vmem>>[vector<16xi32>], vector<16xf32>,
        %neg3A_1409 = arith.constant 0.000000e+00 : f32
        %neg3A_1410 = vector.broadcast %neg3A_1409 : f32 to vector<16xf32>
        %neg3A_1411 = arith.subf %neg3A_1410, %gather3A_1408 : vector<16xf32>
        %exp3A_1412 = math.exp %neg3A_1411 : vector<16xf32>
        %add3A_1413 = arith.constant 1.000000e+00 : f32
        %add3A_1414 = vector.broadcast %add3A_1413 : f32 to vector<16xf32>
        %add3A_1415 = arith.addf %add3A_1414, %exp3A_1412 : vector<16xf32>
        %div3A_1416 = arith.constant 1.000000e+00 : f32
        %div3A_1417 = vector.broadcast %div3A_1416 : f32 to vector<16xf32>
        %div3A_1418 = arith.divf %div3A_1417, %add3A_1415 : vector<16xf32>
        %mul3A_1419 = arith.mulf %div3A_1155, %div3A_1418 : vector<16xf32>
        %ge3A_1420 = arith.constant 2.000000e-01 : f32
        %ge3A_1421 = vector.broadcast %ge3A_1420 : f32 to vector<16xf32>
        %ge3A_1422 = arith.cmpf oge, %mul3A_1419, %ge3A_1421 : vector<16xf32>
        %and3A_1423 = arith.andi %lt3A_1140, %ge3A_1422 : vector<16xi1>
        %select_n3A_1424 = arith.select %and3A_1423, %mul3A_1419, %broadcast_in_dim3A_1156 : vector<16xi1>, vector<16xf32>
        %mul3A_1425 = arith.constant 720 : i32
        %mul3A_1426 = arith.muli %add3A_1403, %mul3A_1425 : i32
        %add3A_1427 = arith.addi %mul3A_1426, %mul3A_1134 : i32
        %swap3A_1428 = arith.index_cast %add3A_1427 : i32 to index
        %swap3A_1429 = tpu.vector_load %arg5[%swap3A_1428] {strides = array<i32>} : memref<57600xf32, #tpu.memory_space<vmem>>, vector<16xf32>,
        tpu.vector_store %arg5[%swap3A_1428], %select_n3A_1424 {strides = array<i32>} : memref<57600xf32, #tpu.memory_space<vmem>>, vector<16xf32>,
        %mul3A_1430 = arith.constant 10 : i32
        %mul3A_1431 = arith.muli %scan3A_1163, %mul3A_1430 : i32
        %add3A_1432 = arith.constant 9 : i32
        %add3A_1433 = arith.addi %mul3A_1431, %add3A_1432 : i32
        %add3A_1434 = arith.constant 5 : i32
        %add3A_1435 = arith.addi %add3A_1434, %add3A_1433 : i32
        %add3A_1436 = vector.broadcast %add3A_1435 : i32 to vector<16xi32>
        %add3A_1437 = arith.addi %mul3A_1145, %add3A_1436 : vector<16xi32>
        %gather3A_1438 = tpu.vector_load_idx %arg4[%add3A_1437] : memref<61200xf32, #tpu.memory_space<vmem>>[vector<16xi32>], vector<16xf32>,
        %neg3A_1439 = arith.constant 0.000000e+00 : f32
        %neg3A_1440 = vector.broadcast %neg3A_1439 : f32 to vector<16xf32>
        %neg3A_1441 = arith.subf %neg3A_1440, %gather3A_1438 : vector<16xf32>
        %exp3A_1442 = math.exp %neg3A_1441 : vector<16xf32>
        %add3A_1443 = arith.constant 1.000000e+00 : f32
        %add3A_1444 = vector.broadcast %add3A_1443 : f32 to vector<16xf32>
        %add3A_1445 = arith.addf %add3A_1444, %exp3A_1442 : vector<16xf32>
        %div3A_1446 = arith.constant 1.000000e+00 : f32
        %div3A_1447 = vector.broadcast %div3A_1446 : f32 to vector<16xf32>
        %div3A_1448 = arith.divf %div3A_1447, %add3A_1445 : vector<16xf32>
        %mul3A_1449 = arith.mulf %div3A_1155, %div3A_1448 : vector<16xf32>
        %ge3A_1450 = arith.constant 2.000000e-01 : f32
        %ge3A_1451 = vector.broadcast %ge3A_1450 : f32 to vector<16xf32>
        %ge3A_1452 = arith.cmpf oge, %mul3A_1449, %ge3A_1451 : vector<16xf32>
        %and3A_1453 = arith.andi %lt3A_1140, %ge3A_1452 : vector<16xi1>
        %select_n3A_1454 = arith.select %and3A_1453, %mul3A_1449, %broadcast_in_dim3A_1156 : vector<16xi1>, vector<16xf32>
        %mul3A_1455 = arith.constant 720 : i32
        %mul3A_1456 = arith.muli %add3A_1433, %mul3A_1455 : i32
        %add3A_1457 = arith.addi %mul3A_1456, %mul3A_1134 : i32
        %swap3A_1458 = arith.index_cast %add3A_1457 : i32 to index
        %swap3A_1459 = tpu.vector_load %arg5[%swap3A_1458] {strides = array<i32>} : memref<57600xf32, #tpu.memory_space<vmem>>, vector<16xf32>,
        tpu.vector_store %arg5[%swap3A_1458], %select_n3A_1454 {strides = array<i32>} : memref<57600xf32, #tpu.memory_space<vmem>>, vector<16xf32>,
      }
      %scan3A_1162 = arith.constant 8 : i32
    }
    %scan3A_13 = arith.constant 45 : i32
    %add3A_14 = arith.constant 0 : i32
    %add3A_15 = arith.addi %add3A_14, %mul3A_2 : i32
    %dma_start3A = arith.constant 0 : i32
    %dma_start3A_16 = tpu.memref_slice %arg5[%dma_start3A] : memref<57600xf32, #tpu.memory_space<vmem>> -> memref<720xf32, #tpu.memory_space<vmem>>
    %dma_start3A_17 = tpu.memref_slice %arg3[%add3A_15] : memref<1843200xf32, #tpu.memory_space<hbm>> -> memref<720xf32, #tpu.memory_space<hbm>>
    %dma_start3A_18 = tpu.memref_slice %arg3[%add3A_15] : memref<1843200xf32, #tpu.memory_space<hbm>> -> memref<720xf32, #tpu.memory_space<hbm>>
    %dma_start3A_19 = arith.constant 0 : i32
    %dma_start3A_20 = tpu.memref_slice %arg5[%dma_start3A_19] : memref<57600xf32, #tpu.memory_space<vmem>> -> memref<720xf32, #tpu.memory_space<vmem>>
    tpu.enqueue_dma source(%dma_start3A_20 : memref<720xf32, #tpu.memory_space<vmem>>) target(%dma_start3A_18 : memref<720xf32, #tpu.memory_space<hbm>>) target_semaphore(%arg6 : memref<!tpu.dma_semaphore, #tpu.memory_space<semaphore_mem>>)
    %add3A_21 = arith.constant 23040 : i32
    %add3A_22 = arith.addi %add3A_21, %mul3A_2 : i32
    %dma_start3A_23 = arith.constant 720 : i32
    %dma_start3A_24 = tpu.memref_slice %arg5[%dma_start3A_23] : memref<57600xf32, #tpu.memory_space<vmem>> -> memref<720xf32, #tpu.memory_space<vmem>>
    %dma_start3A_25 = tpu.memref_slice %arg3[%add3A_22] : memref<1843200xf32, #tpu.memory_space<hbm>> -> memref<720xf32, #tpu.memory_space<hbm>>
    %dma_start3A_26 = tpu.memref_slice %arg3[%add3A_22] : memref<1843200xf32, #tpu.memory_space<hbm>> -> memref<720xf32, #tpu.memory_space<hbm>>
    %dma_start3A_27 = arith.constant 720 : i32
    %dma_start3A_28 = tpu.memref_slice %arg5[%dma_start3A_27] : memref<57600xf32, #tpu.memory_space<vmem>> -> memref<720xf32, #tpu.memory_space<vmem>>
    tpu.enqueue_dma source(%dma_start3A_28 : memref<720xf32, #tpu.memory_space<vmem>>) target(%dma_start3A_26 : memref<720xf32, #tpu.memory_space<hbm>>) target_semaphore(%arg6 : memref<!tpu.dma_semaphore, #tpu.memory_space<semaphore_mem>>)
    %add3A_29 = arith.constant 46080 : i32
    %add3A_30 = arith.addi %add3A_29, %mul3A_2 : i32
    %dma_start3A_31 = arith.constant 1440 : i32
    %dma_start3A_32 = tpu.memref_slice %arg5[%dma_start3A_31] : memref<57600xf32, #tpu.memory_space<vmem>> -> memref<720xf32, #tpu.memory_space<vmem>>
    %dma_start3A_33 = tpu.memref_slice %arg3[%add3A_30] : memref<1843200xf32, #tpu.memory_space<hbm>> -> memref<720xf32, #tpu.memory_space<hbm>>
    %dma_start3A_34 = tpu.memref_slice %arg3[%add3A_30] : memref<1843200xf32, #tpu.memory_space<hbm>> -> memref<720xf32, #tpu.memory_space<hbm>>
    %dma_start3A_35 = arith.constant 1440 : i32
    %dma_start3A_36 = tpu.memref_slice %arg5[%dma_start3A_35] : memref<57600xf32, #tpu.memory_space<vmem>> -> memref<720xf32, #tpu.memory_space<vmem>>
    tpu.enqueue_dma source(%dma_start3A_36 : memref<720xf32, #tpu.memory_space<vmem>>) target(%dma_start3A_34 : memref<720xf32, #tpu.memory_space<hbm>>) target_semaphore(%arg6 : memref<!tpu.dma_semaphore, #tpu.memory_space<semaphore_mem>>)
    %add3A_37 = arith.constant 69120 : i32
    %add3A_38 = arith.addi %add3A_37, %mul3A_2 : i32
    %dma_start3A_39 = arith.constant 2160 : i32
    %dma_start3A_40 = tpu.memref_slice %arg5[%dma_start3A_39] : memref<57600xf32, #tpu.memory_space<vmem>> -> memref<720xf32, #tpu.memory_space<vmem>>
    %dma_start3A_41 = tpu.memref_slice %arg3[%add3A_38] : memref<1843200xf32, #tpu.memory_space<hbm>> -> memref<720xf32, #tpu.memory_space<hbm>>
    %dma_start3A_42 = tpu.memref_slice %arg3[%add3A_38] : memref<1843200xf32, #tpu.memory_space<hbm>> -> memref<720xf32, #tpu.memory_space<hbm>>
    %dma_start3A_43 = arith.constant 2160 : i32
    %dma_start3A_44 = tpu.memref_slice %arg5[%dma_start3A_43] : memref<57600xf32, #tpu.memory_space<vmem>> -> memref<720xf32, #tpu.memory_space<vmem>>
    tpu.enqueue_dma source(%dma_start3A_44 : memref<720xf32, #tpu.memory_space<vmem>>) target(%dma_start3A_42 : memref<720xf32, #tpu.memory_space<hbm>>) target_semaphore(%arg6 : memref<!tpu.dma_semaphore, #tpu.memory_space<semaphore_mem>>)
    %add3A_45 = arith.constant 92160 : i32
    %add3A_46 = arith.addi %add3A_45, %mul3A_2 : i32
    %dma_start3A_47 = arith.constant 2880 : i32
    %dma_start3A_48 = tpu.memref_slice %arg5[%dma_start3A_47] : memref<57600xf32, #tpu.memory_space<vmem>> -> memref<720xf32, #tpu.memory_space<vmem>>
    %dma_start3A_49 = tpu.memref_slice %arg3[%add3A_46] : memref<1843200xf32, #tpu.memory_space<hbm>> -> memref<720xf32, #tpu.memory_space<hbm>>
    %dma_start3A_50 = tpu.memref_slice %arg3[%add3A_46] : memref<1843200xf32, #tpu.memory_space<hbm>> -> memref<720xf32, #tpu.memory_space<hbm>>
    %dma_start3A_51 = arith.constant 2880 : i32
    %dma_start3A_52 = tpu.memref_slice %arg5[%dma_start3A_51] : memref<57600xf32, #tpu.memory_space<vmem>> -> memref<720xf32, #tpu.memory_space<vmem>>
    tpu.enqueue_dma source(%dma_start3A_52 : memref<720xf32, #tpu.memory_space<vmem>>) target(%dma_start3A_50 : memref<720xf32, #tpu.memory_space<hbm>>) target_semaphore(%arg6 : memref<!tpu.dma_semaphore, #tpu.memory_space<semaphore_mem>>)
    %add3A_53 = arith.constant 115200 : i32
    %add3A_54 = arith.addi %add3A_53, %mul3A_2 : i32
    %dma_start3A_55 = arith.constant 3600 : i32
    %dma_start3A_56 = tpu.memref_slice %arg5[%dma_start3A_55] : memref<57600xf32, #tpu.memory_space<vmem>> -> memref<720xf32, #tpu.memory_space<vmem>>
    %dma_start3A_57 = tpu.memref_slice %arg3[%add3A_54] : memref<1843200xf32, #tpu.memory_space<hbm>> -> memref<720xf32, #tpu.memory_space<hbm>>
    %dma_start3A_58 = tpu.memref_slice %arg3[%add3A_54] : memref<1843200xf32, #tpu.memory_space<hbm>> -> memref<720xf32, #tpu.memory_space<hbm>>
    %dma_start3A_59 = arith.constant 3600 : i32
    %dma_start3A_60 = tpu.memref_slice %arg5[%dma_start3A_59] : memref<57600xf32, #tpu.memory_space<vmem>> -> memref<720xf32, #tpu.memory_space<vmem>>
    tpu.enqueue_dma source(%dma_start3A_60 : memref<720xf32, #tpu.memory_space<vmem>>) target(%dma_start3A_58 : memref<720xf32, #tpu.memory_space<hbm>>) target_semaphore(%arg6 : memref<!tpu.dma_semaphore, #tpu.memory_space<semaphore_mem>>)
    %add3A_61 = arith.constant 138240 : i32
    %add3A_62 = arith.addi %add3A_61, %mul3A_2 : i32
    %dma_start3A_63 = arith.constant 4320 : i32
    %dma_start3A_64 = tpu.memref_slice %arg5[%dma_start3A_63] : memref<57600xf32, #tpu.memory_space<vmem>> -> memref<720xf32, #tpu.memory_space<vmem>>
    %dma_start3A_65 = tpu.memref_slice %arg3[%add3A_62] : memref<1843200xf32, #tpu.memory_space<hbm>> -> memref<720xf32, #tpu.memory_space<hbm>>
    %dma_start3A_66 = tpu.memref_slice %arg3[%add3A_62] : memref<1843200xf32, #tpu.memory_space<hbm>> -> memref<720xf32, #tpu.memory_space<hbm>>
    %dma_start3A_67 = arith.constant 4320 : i32
    %dma_start3A_68 = tpu.memref_slice %arg5[%dma_start3A_67] : memref<57600xf32, #tpu.memory_space<vmem>> -> memref<720xf32, #tpu.memory_space<vmem>>
    tpu.enqueue_dma source(%dma_start3A_68 : memref<720xf32, #tpu.memory_space<vmem>>) target(%dma_start3A_66 : memref<720xf32, #tpu.memory_space<hbm>>) target_semaphore(%arg6 : memref<!tpu.dma_semaphore, #tpu.memory_space<semaphore_mem>>)
    %add3A_69 = arith.constant 161280 : i32
    %add3A_70 = arith.addi %add3A_69, %mul3A_2 : i32
    %dma_start3A_71 = arith.constant 5040 : i32
    %dma_start3A_72 = tpu.memref_slice %arg5[%dma_start3A_71] : memref<57600xf32, #tpu.memory_space<vmem>> -> memref<720xf32, #tpu.memory_space<vmem>>
    %dma_start3A_73 = tpu.memref_slice %arg3[%add3A_70] : memref<1843200xf32, #tpu.memory_space<hbm>> -> memref<720xf32, #tpu.memory_space<hbm>>
    %dma_start3A_74 = tpu.memref_slice %arg3[%add3A_70] : memref<1843200xf32, #tpu.memory_space<hbm>> -> memref<720xf32, #tpu.memory_space<hbm>>
    %dma_start3A_75 = arith.constant 5040 : i32
    %dma_start3A_76 = tpu.memref_slice %arg5[%dma_start3A_75] : memref<57600xf32, #tpu.memory_space<vmem>> -> memref<720xf32, #tpu.memory_space<vmem>>
    tpu.enqueue_dma source(%dma_start3A_76 : memref<720xf32, #tpu.memory_space<vmem>>) target(%dma_start3A_74 : memref<720xf32, #tpu.memory_space<hbm>>) target_semaphore(%arg6 : memref<!tpu.dma_semaphore, #tpu.memory_space<semaphore_mem>>)
    %add3A_77 = arith.constant 184320 : i32
    %add3A_78 = arith.addi %add3A_77, %mul3A_2 : i32
    %dma_start3A_79 = arith.constant 5760 : i32
    %dma_start3A_80 = tpu.memref_slice %arg5[%dma_start3A_79] : memref<57600xf32, #tpu.memory_space<vmem>> -> memref<720xf32, #tpu.memory_space<vmem>>
    %dma_start3A_81 = tpu.memref_slice %arg3[%add3A_78] : memref<1843200xf32, #tpu.memory_space<hbm>> -> memref<720xf32, #tpu.memory_space<hbm>>
    %dma_start3A_82 = tpu.memref_slice %arg3[%add3A_78] : memref<1843200xf32, #tpu.memory_space<hbm>> -> memref<720xf32, #tpu.memory_space<hbm>>
    %dma_start3A_83 = arith.constant 5760 : i32
    %dma_start3A_84 = tpu.memref_slice %arg5[%dma_start3A_83] : memref<57600xf32, #tpu.memory_space<vmem>> -> memref<720xf32, #tpu.memory_space<vmem>>
    tpu.enqueue_dma source(%dma_start3A_84 : memref<720xf32, #tpu.memory_space<vmem>>) target(%dma_start3A_82 : memref<720xf32, #tpu.memory_space<hbm>>) target_semaphore(%arg6 : memref<!tpu.dma_semaphore, #tpu.memory_space<semaphore_mem>>)
    %add3A_85 = arith.constant 207360 : i32
    %add3A_86 = arith.addi %add3A_85, %mul3A_2 : i32
    %dma_start3A_87 = arith.constant 6480 : i32
    %dma_start3A_88 = tpu.memref_slice %arg5[%dma_start3A_87] : memref<57600xf32, #tpu.memory_space<vmem>> -> memref<720xf32, #tpu.memory_space<vmem>>
    %dma_start3A_89 = tpu.memref_slice %arg3[%add3A_86] : memref<1843200xf32, #tpu.memory_space<hbm>> -> memref<720xf32, #tpu.memory_space<hbm>>
    %dma_start3A_90 = tpu.memref_slice %arg3[%add3A_86] : memref<1843200xf32, #tpu.memory_space<hbm>> -> memref<720xf32, #tpu.memory_space<hbm>>
    %dma_start3A_91 = arith.constant 6480 : i32
    %dma_start3A_92 = tpu.memref_slice %arg5[%dma_start3A_91] : memref<57600xf32, #tpu.memory_space<vmem>> -> memref<720xf32, #tpu.memory_space<vmem>>
    tpu.enqueue_dma source(%dma_start3A_92 : memref<720xf32, #tpu.memory_space<vmem>>) target(%dma_start3A_90 : memref<720xf32, #tpu.memory_space<hbm>>) target_semaphore(%arg6 : memref<!tpu.dma_semaphore, #tpu.memory_space<semaphore_mem>>)
    %add3A_93 = arith.constant 230400 : i32
    %add3A_94 = arith.addi %add3A_93, %mul3A_2 : i32
    %dma_start3A_95 = arith.constant 7200 : i32
    %dma_start3A_96 = tpu.memref_slice %arg5[%dma_start3A_95] : memref<57600xf32, #tpu.memory_space<vmem>> -> memref<720xf32, #tpu.memory_space<vmem>>
    %dma_start3A_97 = tpu.memref_slice %arg3[%add3A_94] : memref<1843200xf32, #tpu.memory_space<hbm>> -> memref<720xf32, #tpu.memory_space<hbm>>
    %dma_start3A_98 = tpu.memref_slice %arg3[%add3A_94] : memref<1843200xf32, #tpu.memory_space<hbm>> -> memref<720xf32, #tpu.memory_space<hbm>>
    %dma_start3A_99 = arith.constant 7200 : i32
    %dma_start3A_100 = tpu.memref_slice %arg5[%dma_start3A_99] : memref<57600xf32, #tpu.memory_space<vmem>> -> memref<720xf32, #tpu.memory_space<vmem>>
    tpu.enqueue_dma source(%dma_start3A_100 : memref<720xf32, #tpu.memory_space<vmem>>) target(%dma_start3A_98 : memref<720xf32, #tpu.memory_space<hbm>>) target_semaphore(%arg6 : memref<!tpu.dma_semaphore, #tpu.memory_space<semaphore_mem>>)
    %add3A_101 = arith.constant 253440 : i32
    %add3A_102 = arith.addi %add3A_101, %mul3A_2 : i32
    %dma_start3A_103 = arith.constant 7920 : i32
    %dma_start3A_104 = tpu.memref_slice %arg5[%dma_start3A_103] : memref<57600xf32, #tpu.memory_space<vmem>> -> memref<720xf32, #tpu.memory_space<vmem>>
    %dma_start3A_105 = tpu.memref_slice %arg3[%add3A_102] : memref<1843200xf32, #tpu.memory_space<hbm>> -> memref<720xf32, #tpu.memory_space<hbm>>
    %dma_start3A_106 = tpu.memref_slice %arg3[%add3A_102] : memref<1843200xf32, #tpu.memory_space<hbm>> -> memref<720xf32, #tpu.memory_space<hbm>>
    %dma_start3A_107 = arith.constant 7920 : i32
    %dma_start3A_108 = tpu.memref_slice %arg5[%dma_start3A_107] : memref<57600xf32, #tpu.memory_space<vmem>> -> memref<720xf32, #tpu.memory_space<vmem>>
    tpu.enqueue_dma source(%dma_start3A_108 : memref<720xf32, #tpu.memory_space<vmem>>) target(%dma_start3A_106 : memref<720xf32, #tpu.memory_space<hbm>>) target_semaphore(%arg6 : memref<!tpu.dma_semaphore, #tpu.memory_space<semaphore_mem>>)
    %add3A_109 = arith.constant 276480 : i32
    %add3A_110 = arith.addi %add3A_109, %mul3A_2 : i32
    %dma_start3A_111 = arith.constant 8640 : i32
    %dma_start3A_112 = tpu.memref_slice %arg5[%dma_start3A_111] : memref<57600xf32, #tpu.memory_space<vmem>> -> memref<720xf32, #tpu.memory_space<vmem>>
    %dma_start3A_113 = tpu.memref_slice %arg3[%add3A_110] : memref<1843200xf32, #tpu.memory_space<hbm>> -> memref<720xf32, #tpu.memory_space<hbm>>
    %dma_start3A_114 = tpu.memref_slice %arg3[%add3A_110] : memref<1843200xf32, #tpu.memory_space<hbm>> -> memref<720xf32, #tpu.memory_space<hbm>>
    %dma_start3A_115 = arith.constant 8640 : i32
    %dma_start3A_116 = tpu.memref_slice %arg5[%dma_start3A_115] : memref<57600xf32, #tpu.memory_space<vmem>> -> memref<720xf32, #tpu.memory_space<vmem>>
    tpu.enqueue_dma source(%dma_start3A_116 : memref<720xf32, #tpu.memory_space<vmem>>) target(%dma_start3A_114 : memref<720xf32, #tpu.memory_space<hbm>>) target_semaphore(%arg6 : memref<!tpu.dma_semaphore, #tpu.memory_space<semaphore_mem>>)
    %add3A_117 = arith.constant 299520 : i32
    %add3A_118 = arith.addi %add3A_117, %mul3A_2 : i32
    %dma_start3A_119 = arith.constant 9360 : i32
    %dma_start3A_120 = tpu.memref_slice %arg5[%dma_start3A_119] : memref<57600xf32, #tpu.memory_space<vmem>> -> memref<720xf32, #tpu.memory_space<vmem>>
    %dma_start3A_121 = tpu.memref_slice %arg3[%add3A_118] : memref<1843200xf32, #tpu.memory_space<hbm>> -> memref<720xf32, #tpu.memory_space<hbm>>
    %dma_start3A_122 = tpu.memref_slice %arg3[%add3A_118] : memref<1843200xf32, #tpu.memory_space<hbm>> -> memref<720xf32, #tpu.memory_space<hbm>>
    %dma_start3A_123 = arith.constant 9360 : i32
    %dma_start3A_124 = tpu.memref_slice %arg5[%dma_start3A_123] : memref<57600xf32, #tpu.memory_space<vmem>> -> memref<720xf32, #tpu.memory_space<vmem>>
    tpu.enqueue_dma source(%dma_start3A_124 : memref<720xf32, #tpu.memory_space<vmem>>) target(%dma_start3A_122 : memref<720xf32, #tpu.memory_space<hbm>>) target_semaphore(%arg6 : memref<!tpu.dma_semaphore, #tpu.memory_space<semaphore_mem>>)
    %add3A_125 = arith.constant 322560 : i32
    %add3A_126 = arith.addi %add3A_125, %mul3A_2 : i32
    %dma_start3A_127 = arith.constant 10080 : i32
    %dma_start3A_128 = tpu.memref_slice %arg5[%dma_start3A_127] : memref<57600xf32, #tpu.memory_space<vmem>> -> memref<720xf32, #tpu.memory_space<vmem>>
    %dma_start3A_129 = tpu.memref_slice %arg3[%add3A_126] : memref<1843200xf32, #tpu.memory_space<hbm>> -> memref<720xf32, #tpu.memory_space<hbm>>
    %dma_start3A_130 = tpu.memref_slice %arg3[%add3A_126] : memref<1843200xf32, #tpu.memory_space<hbm>> -> memref<720xf32, #tpu.memory_space<hbm>>
    %dma_start3A_131 = arith.constant 10080 : i32
    %dma_start3A_132 = tpu.memref_slice %arg5[%dma_start3A_131] : memref<57600xf32, #tpu.memory_space<vmem>> -> memref<720xf32, #tpu.memory_space<vmem>>
    tpu.enqueue_dma source(%dma_start3A_132 : memref<720xf32, #tpu.memory_space<vmem>>) target(%dma_start3A_130 : memref<720xf32, #tpu.memory_space<hbm>>) target_semaphore(%arg6 : memref<!tpu.dma_semaphore, #tpu.memory_space<semaphore_mem>>)
    %add3A_133 = arith.constant 345600 : i32
    %add3A_134 = arith.addi %add3A_133, %mul3A_2 : i32
    %dma_start3A_135 = arith.constant 10800 : i32
    %dma_start3A_136 = tpu.memref_slice %arg5[%dma_start3A_135] : memref<57600xf32, #tpu.memory_space<vmem>> -> memref<720xf32, #tpu.memory_space<vmem>>
    %dma_start3A_137 = tpu.memref_slice %arg3[%add3A_134] : memref<1843200xf32, #tpu.memory_space<hbm>> -> memref<720xf32, #tpu.memory_space<hbm>>
    %dma_start3A_138 = tpu.memref_slice %arg3[%add3A_134] : memref<1843200xf32, #tpu.memory_space<hbm>> -> memref<720xf32, #tpu.memory_space<hbm>>
    %dma_start3A_139 = arith.constant 10800 : i32
    %dma_start3A_140 = tpu.memref_slice %arg5[%dma_start3A_139] : memref<57600xf32, #tpu.memory_space<vmem>> -> memref<720xf32, #tpu.memory_space<vmem>>
    tpu.enqueue_dma source(%dma_start3A_140 : memref<720xf32, #tpu.memory_space<vmem>>) target(%dma_start3A_138 : memref<720xf32, #tpu.memory_space<hbm>>) target_semaphore(%arg6 : memref<!tpu.dma_semaphore, #tpu.memory_space<semaphore_mem>>)
    %add3A_141 = arith.constant 368640 : i32
    %add3A_142 = arith.addi %add3A_141, %mul3A_2 : i32
    %dma_start3A_143 = arith.constant 11520 : i32
    %dma_start3A_144 = tpu.memref_slice %arg5[%dma_start3A_143] : memref<57600xf32, #tpu.memory_space<vmem>> -> memref<720xf32, #tpu.memory_space<vmem>>
    %dma_start3A_145 = tpu.memref_slice %arg3[%add3A_142] : memref<1843200xf32, #tpu.memory_space<hbm>> -> memref<720xf32, #tpu.memory_space<hbm>>
    %dma_start3A_146 = tpu.memref_slice %arg3[%add3A_142] : memref<1843200xf32, #tpu.memory_space<hbm>> -> memref<720xf32, #tpu.memory_space<hbm>>
    %dma_start3A_147 = arith.constant 11520 : i32
    %dma_start3A_148 = tpu.memref_slice %arg5[%dma_start3A_147] : memref<57600xf32, #tpu.memory_space<vmem>> -> memref<720xf32, #tpu.memory_space<vmem>>
    tpu.enqueue_dma source(%dma_start3A_148 : memref<720xf32, #tpu.memory_space<vmem>>) target(%dma_start3A_146 : memref<720xf32, #tpu.memory_space<hbm>>) target_semaphore(%arg6 : memref<!tpu.dma_semaphore, #tpu.memory_space<semaphore_mem>>)
    %add3A_149 = arith.constant 391680 : i32
    %add3A_150 = arith.addi %add3A_149, %mul3A_2 : i32
    %dma_start3A_151 = arith.constant 12240 : i32
    %dma_start3A_152 = tpu.memref_slice %arg5[%dma_start3A_151] : memref<57600xf32, #tpu.memory_space<vmem>> -> memref<720xf32, #tpu.memory_space<vmem>>
    %dma_start3A_153 = tpu.memref_slice %arg3[%add3A_150] : memref<1843200xf32, #tpu.memory_space<hbm>> -> memref<720xf32, #tpu.memory_space<hbm>>
    %dma_start3A_154 = tpu.memref_slice %arg3[%add3A_150] : memref<1843200xf32, #tpu.memory_space<hbm>> -> memref<720xf32, #tpu.memory_space<hbm>>
    %dma_start3A_155 = arith.constant 12240 : i32
    %dma_start3A_156 = tpu.memref_slice %arg5[%dma_start3A_155] : memref<57600xf32, #tpu.memory_space<vmem>> -> memref<720xf32, #tpu.memory_space<vmem>>
    tpu.enqueue_dma source(%dma_start3A_156 : memref<720xf32, #tpu.memory_space<vmem>>) target(%dma_start3A_154 : memref<720xf32, #tpu.memory_space<hbm>>) target_semaphore(%arg6 : memref<!tpu.dma_semaphore, #tpu.memory_space<semaphore_mem>>)
    %add3A_157 = arith.constant 414720 : i32
    %add3A_158 = arith.addi %add3A_157, %mul3A_2 : i32
    %dma_start3A_159 = arith.constant 12960 : i32
    %dma_start3A_160 = tpu.memref_slice %arg5[%dma_start3A_159] : memref<57600xf32, #tpu.memory_space<vmem>> -> memref<720xf32, #tpu.memory_space<vmem>>
    %dma_start3A_161 = tpu.memref_slice %arg3[%add3A_158] : memref<1843200xf32, #tpu.memory_space<hbm>> -> memref<720xf32, #tpu.memory_space<hbm>>
    %dma_start3A_162 = tpu.memref_slice %arg3[%add3A_158] : memref<1843200xf32, #tpu.memory_space<hbm>> -> memref<720xf32, #tpu.memory_space<hbm>>
    %dma_start3A_163 = arith.constant 12960 : i32
    %dma_start3A_164 = tpu.memref_slice %arg5[%dma_start3A_163] : memref<57600xf32, #tpu.memory_space<vmem>> -> memref<720xf32, #tpu.memory_space<vmem>>
    tpu.enqueue_dma source(%dma_start3A_164 : memref<720xf32, #tpu.memory_space<vmem>>) target(%dma_start3A_162 : memref<720xf32, #tpu.memory_space<hbm>>) target_semaphore(%arg6 : memref<!tpu.dma_semaphore, #tpu.memory_space<semaphore_mem>>)
    %add3A_165 = arith.constant 437760 : i32
    %add3A_166 = arith.addi %add3A_165, %mul3A_2 : i32
    %dma_start3A_167 = arith.constant 13680 : i32
    %dma_start3A_168 = tpu.memref_slice %arg5[%dma_start3A_167] : memref<57600xf32, #tpu.memory_space<vmem>> -> memref<720xf32, #tpu.memory_space<vmem>>
    %dma_start3A_169 = tpu.memref_slice %arg3[%add3A_166] : memref<1843200xf32, #tpu.memory_space<hbm>> -> memref<720xf32, #tpu.memory_space<hbm>>
    %dma_start3A_170 = tpu.memref_slice %arg3[%add3A_166] : memref<1843200xf32, #tpu.memory_space<hbm>> -> memref<720xf32, #tpu.memory_space<hbm>>
    %dma_start3A_171 = arith.constant 13680 : i32
    %dma_start3A_172 = tpu.memref_slice %arg5[%dma_start3A_171] : memref<57600xf32, #tpu.memory_space<vmem>> -> memref<720xf32, #tpu.memory_space<vmem>>
    tpu.enqueue_dma source(%dma_start3A_172 : memref<720xf32, #tpu.memory_space<vmem>>) target(%dma_start3A_170 : memref<720xf32, #tpu.memory_space<hbm>>) target_semaphore(%arg6 : memref<!tpu.dma_semaphore, #tpu.memory_space<semaphore_mem>>)
    %add3A_173 = arith.constant 460800 : i32
    %add3A_174 = arith.addi %add3A_173, %mul3A_2 : i32
    %dma_start3A_175 = arith.constant 14400 : i32
    %dma_start3A_176 = tpu.memref_slice %arg5[%dma_start3A_175] : memref<57600xf32, #tpu.memory_space<vmem>> -> memref<720xf32, #tpu.memory_space<vmem>>
    %dma_start3A_177 = tpu.memref_slice %arg3[%add3A_174] : memref<1843200xf32, #tpu.memory_space<hbm>> -> memref<720xf32, #tpu.memory_space<hbm>>
    %dma_start3A_178 = tpu.memref_slice %arg3[%add3A_174] : memref<1843200xf32, #tpu.memory_space<hbm>> -> memref<720xf32, #tpu.memory_space<hbm>>
    %dma_start3A_179 = arith.constant 14400 : i32
    %dma_start3A_180 = tpu.memref_slice %arg5[%dma_start3A_179] : memref<57600xf32, #tpu.memory_space<vmem>> -> memref<720xf32, #tpu.memory_space<vmem>>
    tpu.enqueue_dma source(%dma_start3A_180 : memref<720xf32, #tpu.memory_space<vmem>>) target(%dma_start3A_178 : memref<720xf32, #tpu.memory_space<hbm>>) target_semaphore(%arg6 : memref<!tpu.dma_semaphore, #tpu.memory_space<semaphore_mem>>)
    %add3A_181 = arith.constant 483840 : i32
    %add3A_182 = arith.addi %add3A_181, %mul3A_2 : i32
    %dma_start3A_183 = arith.constant 15120 : i32
    %dma_start3A_184 = tpu.memref_slice %arg5[%dma_start3A_183] : memref<57600xf32, #tpu.memory_space<vmem>> -> memref<720xf32, #tpu.memory_space<vmem>>
    %dma_start3A_185 = tpu.memref_slice %arg3[%add3A_182] : memref<1843200xf32, #tpu.memory_space<hbm>> -> memref<720xf32, #tpu.memory_space<hbm>>
    %dma_start3A_186 = tpu.memref_slice %arg3[%add3A_182] : memref<1843200xf32, #tpu.memory_space<hbm>> -> memref<720xf32, #tpu.memory_space<hbm>>
    %dma_start3A_187 = arith.constant 15120 : i32
    %dma_start3A_188 = tpu.memref_slice %arg5[%dma_start3A_187] : memref<57600xf32, #tpu.memory_space<vmem>> -> memref<720xf32, #tpu.memory_space<vmem>>
    tpu.enqueue_dma source(%dma_start3A_188 : memref<720xf32, #tpu.memory_space<vmem>>) target(%dma_start3A_186 : memref<720xf32, #tpu.memory_space<hbm>>) target_semaphore(%arg6 : memref<!tpu.dma_semaphore, #tpu.memory_space<semaphore_mem>>)
    %add3A_189 = arith.constant 506880 : i32
    %add3A_190 = arith.addi %add3A_189, %mul3A_2 : i32
    %dma_start3A_191 = arith.constant 15840 : i32
    %dma_start3A_192 = tpu.memref_slice %arg5[%dma_start3A_191] : memref<57600xf32, #tpu.memory_space<vmem>> -> memref<720xf32, #tpu.memory_space<vmem>>
    %dma_start3A_193 = tpu.memref_slice %arg3[%add3A_190] : memref<1843200xf32, #tpu.memory_space<hbm>> -> memref<720xf32, #tpu.memory_space<hbm>>
    %dma_start3A_194 = tpu.memref_slice %arg3[%add3A_190] : memref<1843200xf32, #tpu.memory_space<hbm>> -> memref<720xf32, #tpu.memory_space<hbm>>
    %dma_start3A_195 = arith.constant 15840 : i32
    %dma_start3A_196 = tpu.memref_slice %arg5[%dma_start3A_195] : memref<57600xf32, #tpu.memory_space<vmem>> -> memref<720xf32, #tpu.memory_space<vmem>>
    tpu.enqueue_dma source(%dma_start3A_196 : memref<720xf32, #tpu.memory_space<vmem>>) target(%dma_start3A_194 : memref<720xf32, #tpu.memory_space<hbm>>) target_semaphore(%arg6 : memref<!tpu.dma_semaphore, #tpu.memory_space<semaphore_mem>>)
    %add3A_197 = arith.constant 529920 : i32
    %add3A_198 = arith.addi %add3A_197, %mul3A_2 : i32
    %dma_start3A_199 = arith.constant 16560 : i32
    %dma_start3A_200 = tpu.memref_slice %arg5[%dma_start3A_199] : memref<57600xf32, #tpu.memory_space<vmem>> -> memref<720xf32, #tpu.memory_space<vmem>>
    %dma_start3A_201 = tpu.memref_slice %arg3[%add3A_198] : memref<1843200xf32, #tpu.memory_space<hbm>> -> memref<720xf32, #tpu.memory_space<hbm>>
    %dma_start3A_202 = tpu.memref_slice %arg3[%add3A_198] : memref<1843200xf32, #tpu.memory_space<hbm>> -> memref<720xf32, #tpu.memory_space<hbm>>
    %dma_start3A_203 = arith.constant 16560 : i32
    %dma_start3A_204 = tpu.memref_slice %arg5[%dma_start3A_203] : memref<57600xf32, #tpu.memory_space<vmem>> -> memref<720xf32, #tpu.memory_space<vmem>>
    tpu.enqueue_dma source(%dma_start3A_204 : memref<720xf32, #tpu.memory_space<vmem>>) target(%dma_start3A_202 : memref<720xf32, #tpu.memory_space<hbm>>) target_semaphore(%arg6 : memref<!tpu.dma_semaphore, #tpu.memory_space<semaphore_mem>>)
    %add3A_205 = arith.constant 552960 : i32
    %add3A_206 = arith.addi %add3A_205, %mul3A_2 : i32
    %dma_start3A_207 = arith.constant 17280 : i32
    %dma_start3A_208 = tpu.memref_slice %arg5[%dma_start3A_207] : memref<57600xf32, #tpu.memory_space<vmem>> -> memref<720xf32, #tpu.memory_space<vmem>>
    %dma_start3A_209 = tpu.memref_slice %arg3[%add3A_206] : memref<1843200xf32, #tpu.memory_space<hbm>> -> memref<720xf32, #tpu.memory_space<hbm>>
    %dma_start3A_210 = tpu.memref_slice %arg3[%add3A_206] : memref<1843200xf32, #tpu.memory_space<hbm>> -> memref<720xf32, #tpu.memory_space<hbm>>
    %dma_start3A_211 = arith.constant 17280 : i32
    %dma_start3A_212 = tpu.memref_slice %arg5[%dma_start3A_211] : memref<57600xf32, #tpu.memory_space<vmem>> -> memref<720xf32, #tpu.memory_space<vmem>>
    tpu.enqueue_dma source(%dma_start3A_212 : memref<720xf32, #tpu.memory_space<vmem>>) target(%dma_start3A_210 : memref<720xf32, #tpu.memory_space<hbm>>) target_semaphore(%arg6 : memref<!tpu.dma_semaphore, #tpu.memory_space<semaphore_mem>>)
    %add3A_213 = arith.constant 576000 : i32
    %add3A_214 = arith.addi %add3A_213, %mul3A_2 : i32
    %dma_start3A_215 = arith.constant 18000 : i32
    %dma_start3A_216 = tpu.memref_slice %arg5[%dma_start3A_215] : memref<57600xf32, #tpu.memory_space<vmem>> -> memref<720xf32, #tpu.memory_space<vmem>>
    %dma_start3A_217 = tpu.memref_slice %arg3[%add3A_214] : memref<1843200xf32, #tpu.memory_space<hbm>> -> memref<720xf32, #tpu.memory_space<hbm>>
    %dma_start3A_218 = tpu.memref_slice %arg3[%add3A_214] : memref<1843200xf32, #tpu.memory_space<hbm>> -> memref<720xf32, #tpu.memory_space<hbm>>
    %dma_start3A_219 = arith.constant 18000 : i32
    %dma_start3A_220 = tpu.memref_slice %arg5[%dma_start3A_219] : memref<57600xf32, #tpu.memory_space<vmem>> -> memref<720xf32, #tpu.memory_space<vmem>>
    tpu.enqueue_dma source(%dma_start3A_220 : memref<720xf32, #tpu.memory_space<vmem>>) target(%dma_start3A_218 : memref<720xf32, #tpu.memory_space<hbm>>) target_semaphore(%arg6 : memref<!tpu.dma_semaphore, #tpu.memory_space<semaphore_mem>>)
    %add3A_221 = arith.constant 599040 : i32
    %add3A_222 = arith.addi %add3A_221, %mul3A_2 : i32
    %dma_start3A_223 = arith.constant 18720 : i32
    %dma_start3A_224 = tpu.memref_slice %arg5[%dma_start3A_223] : memref<57600xf32, #tpu.memory_space<vmem>> -> memref<720xf32, #tpu.memory_space<vmem>>
    %dma_start3A_225 = tpu.memref_slice %arg3[%add3A_222] : memref<1843200xf32, #tpu.memory_space<hbm>> -> memref<720xf32, #tpu.memory_space<hbm>>
    %dma_start3A_226 = tpu.memref_slice %arg3[%add3A_222] : memref<1843200xf32, #tpu.memory_space<hbm>> -> memref<720xf32, #tpu.memory_space<hbm>>
    %dma_start3A_227 = arith.constant 18720 : i32
    %dma_start3A_228 = tpu.memref_slice %arg5[%dma_start3A_227] : memref<57600xf32, #tpu.memory_space<vmem>> -> memref<720xf32, #tpu.memory_space<vmem>>
    tpu.enqueue_dma source(%dma_start3A_228 : memref<720xf32, #tpu.memory_space<vmem>>) target(%dma_start3A_226 : memref<720xf32, #tpu.memory_space<hbm>>) target_semaphore(%arg6 : memref<!tpu.dma_semaphore, #tpu.memory_space<semaphore_mem>>)
    %add3A_229 = arith.constant 622080 : i32
    %add3A_230 = arith.addi %add3A_229, %mul3A_2 : i32
    %dma_start3A_231 = arith.constant 19440 : i32
    %dma_start3A_232 = tpu.memref_slice %arg5[%dma_start3A_231] : memref<57600xf32, #tpu.memory_space<vmem>> -> memref<720xf32, #tpu.memory_space<vmem>>
    %dma_start3A_233 = tpu.memref_slice %arg3[%add3A_230] : memref<1843200xf32, #tpu.memory_space<hbm>> -> memref<720xf32, #tpu.memory_space<hbm>>
    %dma_start3A_234 = tpu.memref_slice %arg3[%add3A_230] : memref<1843200xf32, #tpu.memory_space<hbm>> -> memref<720xf32, #tpu.memory_space<hbm>>
    %dma_start3A_235 = arith.constant 19440 : i32
    %dma_start3A_236 = tpu.memref_slice %arg5[%dma_start3A_235] : memref<57600xf32, #tpu.memory_space<vmem>> -> memref<720xf32, #tpu.memory_space<vmem>>
    tpu.enqueue_dma source(%dma_start3A_236 : memref<720xf32, #tpu.memory_space<vmem>>) target(%dma_start3A_234 : memref<720xf32, #tpu.memory_space<hbm>>) target_semaphore(%arg6 : memref<!tpu.dma_semaphore, #tpu.memory_space<semaphore_mem>>)
    %add3A_237 = arith.constant 645120 : i32
    %add3A_238 = arith.addi %add3A_237, %mul3A_2 : i32
    %dma_start3A_239 = arith.constant 20160 : i32
    %dma_start3A_240 = tpu.memref_slice %arg5[%dma_start3A_239] : memref<57600xf32, #tpu.memory_space<vmem>> -> memref<720xf32, #tpu.memory_space<vmem>>
    %dma_start3A_241 = tpu.memref_slice %arg3[%add3A_238] : memref<1843200xf32, #tpu.memory_space<hbm>> -> memref<720xf32, #tpu.memory_space<hbm>>
    %dma_start3A_242 = tpu.memref_slice %arg3[%add3A_238] : memref<1843200xf32, #tpu.memory_space<hbm>> -> memref<720xf32, #tpu.memory_space<hbm>>
    %dma_start3A_243 = arith.constant 20160 : i32
    %dma_start3A_244 = tpu.memref_slice %arg5[%dma_start3A_243] : memref<57600xf32, #tpu.memory_space<vmem>> -> memref<720xf32, #tpu.memory_space<vmem>>
    tpu.enqueue_dma source(%dma_start3A_244 : memref<720xf32, #tpu.memory_space<vmem>>) target(%dma_start3A_242 : memref<720xf32, #tpu.memory_space<hbm>>) target_semaphore(%arg6 : memref<!tpu.dma_semaphore, #tpu.memory_space<semaphore_mem>>)
    %add3A_245 = arith.constant 668160 : i32
    %add3A_246 = arith.addi %add3A_245, %mul3A_2 : i32
    %dma_start3A_247 = arith.constant 20880 : i32
    %dma_start3A_248 = tpu.memref_slice %arg5[%dma_start3A_247] : memref<57600xf32, #tpu.memory_space<vmem>> -> memref<720xf32, #tpu.memory_space<vmem>>
    %dma_start3A_249 = tpu.memref_slice %arg3[%add3A_246] : memref<1843200xf32, #tpu.memory_space<hbm>> -> memref<720xf32, #tpu.memory_space<hbm>>
    %dma_start3A_250 = tpu.memref_slice %arg3[%add3A_246] : memref<1843200xf32, #tpu.memory_space<hbm>> -> memref<720xf32, #tpu.memory_space<hbm>>
    %dma_start3A_251 = arith.constant 20880 : i32
    %dma_start3A_252 = tpu.memref_slice %arg5[%dma_start3A_251] : memref<57600xf32, #tpu.memory_space<vmem>> -> memref<720xf32, #tpu.memory_space<vmem>>
    tpu.enqueue_dma source(%dma_start3A_252 : memref<720xf32, #tpu.memory_space<vmem>>) target(%dma_start3A_250 : memref<720xf32, #tpu.memory_space<hbm>>) target_semaphore(%arg6 : memref<!tpu.dma_semaphore, #tpu.memory_space<semaphore_mem>>)
    %add3A_253 = arith.constant 691200 : i32
    %add3A_254 = arith.addi %add3A_253, %mul3A_2 : i32
    %dma_start3A_255 = arith.constant 21600 : i32
    %dma_start3A_256 = tpu.memref_slice %arg5[%dma_start3A_255] : memref<57600xf32, #tpu.memory_space<vmem>> -> memref<720xf32, #tpu.memory_space<vmem>>
    %dma_start3A_257 = tpu.memref_slice %arg3[%add3A_254] : memref<1843200xf32, #tpu.memory_space<hbm>> -> memref<720xf32, #tpu.memory_space<hbm>>
    %dma_start3A_258 = tpu.memref_slice %arg3[%add3A_254] : memref<1843200xf32, #tpu.memory_space<hbm>> -> memref<720xf32, #tpu.memory_space<hbm>>
    %dma_start3A_259 = arith.constant 21600 : i32
    %dma_start3A_260 = tpu.memref_slice %arg5[%dma_start3A_259] : memref<57600xf32, #tpu.memory_space<vmem>> -> memref<720xf32, #tpu.memory_space<vmem>>
    tpu.enqueue_dma source(%dma_start3A_260 : memref<720xf32, #tpu.memory_space<vmem>>) target(%dma_start3A_258 : memref<720xf32, #tpu.memory_space<hbm>>) target_semaphore(%arg6 : memref<!tpu.dma_semaphore, #tpu.memory_space<semaphore_mem>>)
    %add3A_261 = arith.constant 714240 : i32
    %add3A_262 = arith.addi %add3A_261, %mul3A_2 : i32
    %dma_start3A_263 = arith.constant 22320 : i32
    %dma_start3A_264 = tpu.memref_slice %arg5[%dma_start3A_263] : memref<57600xf32, #tpu.memory_space<vmem>> -> memref<720xf32, #tpu.memory_space<vmem>>
    %dma_start3A_265 = tpu.memref_slice %arg3[%add3A_262] : memref<1843200xf32, #tpu.memory_space<hbm>> -> memref<720xf32, #tpu.memory_space<hbm>>
    %dma_start3A_266 = tpu.memref_slice %arg3[%add3A_262] : memref<1843200xf32, #tpu.memory_space<hbm>> -> memref<720xf32, #tpu.memory_space<hbm>>
    %dma_start3A_267 = arith.constant 22320 : i32
    %dma_start3A_268 = tpu.memref_slice %arg5[%dma_start3A_267] : memref<57600xf32, #tpu.memory_space<vmem>> -> memref<720xf32, #tpu.memory_space<vmem>>
    tpu.enqueue_dma source(%dma_start3A_268 : memref<720xf32, #tpu.memory_space<vmem>>) target(%dma_start3A_266 : memref<720xf32, #tpu.memory_space<hbm>>) target_semaphore(%arg6 : memref<!tpu.dma_semaphore, #tpu.memory_space<semaphore_mem>>)
    %add3A_269 = arith.constant 737280 : i32
    %add3A_270 = arith.addi %add3A_269, %mul3A_2 : i32
    %dma_start3A_271 = arith.constant 23040 : i32
    %dma_start3A_272 = tpu.memref_slice %arg5[%dma_start3A_271] : memref<57600xf32, #tpu.memory_space<vmem>> -> memref<720xf32, #tpu.memory_space<vmem>>
    %dma_start3A_273 = tpu.memref_slice %arg3[%add3A_270] : memref<1843200xf32, #tpu.memory_space<hbm>> -> memref<720xf32, #tpu.memory_space<hbm>>
    %dma_start3A_274 = tpu.memref_slice %arg3[%add3A_270] : memref<1843200xf32, #tpu.memory_space<hbm>> -> memref<720xf32, #tpu.memory_space<hbm>>
    %dma_start3A_275 = arith.constant 23040 : i32
    %dma_start3A_276 = tpu.memref_slice %arg5[%dma_start3A_275] : memref<57600xf32, #tpu.memory_space<vmem>> -> memref<720xf32, #tpu.memory_space<vmem>>
    tpu.enqueue_dma source(%dma_start3A_276 : memref<720xf32, #tpu.memory_space<vmem>>) target(%dma_start3A_274 : memref<720xf32, #tpu.memory_space<hbm>>) target_semaphore(%arg6 : memref<!tpu.dma_semaphore, #tpu.memory_space<semaphore_mem>>)
    %add3A_277 = arith.constant 760320 : i32
    %add3A_278 = arith.addi %add3A_277, %mul3A_2 : i32
    %dma_start3A_279 = arith.constant 23760 : i32
    %dma_start3A_280 = tpu.memref_slice %arg5[%dma_start3A_279] : memref<57600xf32, #tpu.memory_space<vmem>> -> memref<720xf32, #tpu.memory_space<vmem>>
    %dma_start3A_281 = tpu.memref_slice %arg3[%add3A_278] : memref<1843200xf32, #tpu.memory_space<hbm>> -> memref<720xf32, #tpu.memory_space<hbm>>
    %dma_start3A_282 = tpu.memref_slice %arg3[%add3A_278] : memref<1843200xf32, #tpu.memory_space<hbm>> -> memref<720xf32, #tpu.memory_space<hbm>>
    %dma_start3A_283 = arith.constant 23760 : i32
    %dma_start3A_284 = tpu.memref_slice %arg5[%dma_start3A_283] : memref<57600xf32, #tpu.memory_space<vmem>> -> memref<720xf32, #tpu.memory_space<vmem>>
    tpu.enqueue_dma source(%dma_start3A_284 : memref<720xf32, #tpu.memory_space<vmem>>) target(%dma_start3A_282 : memref<720xf32, #tpu.memory_space<hbm>>) target_semaphore(%arg6 : memref<!tpu.dma_semaphore, #tpu.memory_space<semaphore_mem>>)
    %add3A_285 = arith.constant 783360 : i32
    %add3A_286 = arith.addi %add3A_285, %mul3A_2 : i32
    %dma_start3A_287 = arith.constant 24480 : i32
    %dma_start3A_288 = tpu.memref_slice %arg5[%dma_start3A_287] : memref<57600xf32, #tpu.memory_space<vmem>> -> memref<720xf32, #tpu.memory_space<vmem>>
    %dma_start3A_289 = tpu.memref_slice %arg3[%add3A_286] : memref<1843200xf32, #tpu.memory_space<hbm>> -> memref<720xf32, #tpu.memory_space<hbm>>
    %dma_start3A_290 = tpu.memref_slice %arg3[%add3A_286] : memref<1843200xf32, #tpu.memory_space<hbm>> -> memref<720xf32, #tpu.memory_space<hbm>>
    %dma_start3A_291 = arith.constant 24480 : i32
    %dma_start3A_292 = tpu.memref_slice %arg5[%dma_start3A_291] : memref<57600xf32, #tpu.memory_space<vmem>> -> memref<720xf32, #tpu.memory_space<vmem>>
    tpu.enqueue_dma source(%dma_start3A_292 : memref<720xf32, #tpu.memory_space<vmem>>) target(%dma_start3A_290 : memref<720xf32, #tpu.memory_space<hbm>>) target_semaphore(%arg6 : memref<!tpu.dma_semaphore, #tpu.memory_space<semaphore_mem>>)
    %add3A_293 = arith.constant 806400 : i32
    %add3A_294 = arith.addi %add3A_293, %mul3A_2 : i32
    %dma_start3A_295 = arith.constant 25200 : i32
    %dma_start3A_296 = tpu.memref_slice %arg5[%dma_start3A_295] : memref<57600xf32, #tpu.memory_space<vmem>> -> memref<720xf32, #tpu.memory_space<vmem>>
    %dma_start3A_297 = tpu.memref_slice %arg3[%add3A_294] : memref<1843200xf32, #tpu.memory_space<hbm>> -> memref<720xf32, #tpu.memory_space<hbm>>
    %dma_start3A_298 = tpu.memref_slice %arg3[%add3A_294] : memref<1843200xf32, #tpu.memory_space<hbm>> -> memref<720xf32, #tpu.memory_space<hbm>>
    %dma_start3A_299 = arith.constant 25200 : i32
    %dma_start3A_300 = tpu.memref_slice %arg5[%dma_start3A_299] : memref<57600xf32, #tpu.memory_space<vmem>> -> memref<720xf32, #tpu.memory_space<vmem>>
    tpu.enqueue_dma source(%dma_start3A_300 : memref<720xf32, #tpu.memory_space<vmem>>) target(%dma_start3A_298 : memref<720xf32, #tpu.memory_space<hbm>>) target_semaphore(%arg6 : memref<!tpu.dma_semaphore, #tpu.memory_space<semaphore_mem>>)
    %add3A_301 = arith.constant 829440 : i32
    %add3A_302 = arith.addi %add3A_301, %mul3A_2 : i32
    %dma_start3A_303 = arith.constant 25920 : i32
    %dma_start3A_304 = tpu.memref_slice %arg5[%dma_start3A_303] : memref<57600xf32, #tpu.memory_space<vmem>> -> memref<720xf32, #tpu.memory_space<vmem>>
    %dma_start3A_305 = tpu.memref_slice %arg3[%add3A_302] : memref<1843200xf32, #tpu.memory_space<hbm>> -> memref<720xf32, #tpu.memory_space<hbm>>
    %dma_start3A_306 = tpu.memref_slice %arg3[%add3A_302] : memref<1843200xf32, #tpu.memory_space<hbm>> -> memref<720xf32, #tpu.memory_space<hbm>>
    %dma_start3A_307 = arith.constant 25920 : i32
    %dma_start3A_308 = tpu.memref_slice %arg5[%dma_start3A_307] : memref<57600xf32, #tpu.memory_space<vmem>> -> memref<720xf32, #tpu.memory_space<vmem>>
    tpu.enqueue_dma source(%dma_start3A_308 : memref<720xf32, #tpu.memory_space<vmem>>) target(%dma_start3A_306 : memref<720xf32, #tpu.memory_space<hbm>>) target_semaphore(%arg6 : memref<!tpu.dma_semaphore, #tpu.memory_space<semaphore_mem>>)
    %add3A_309 = arith.constant 852480 : i32
    %add3A_310 = arith.addi %add3A_309, %mul3A_2 : i32
    %dma_start3A_311 = arith.constant 26640 : i32
    %dma_start3A_312 = tpu.memref_slice %arg5[%dma_start3A_311] : memref<57600xf32, #tpu.memory_space<vmem>> -> memref<720xf32, #tpu.memory_space<vmem>>
    %dma_start3A_313 = tpu.memref_slice %arg3[%add3A_310] : memref<1843200xf32, #tpu.memory_space<hbm>> -> memref<720xf32, #tpu.memory_space<hbm>>
    %dma_start3A_314 = tpu.memref_slice %arg3[%add3A_310] : memref<1843200xf32, #tpu.memory_space<hbm>> -> memref<720xf32, #tpu.memory_space<hbm>>
    %dma_start3A_315 = arith.constant 26640 : i32
    %dma_start3A_316 = tpu.memref_slice %arg5[%dma_start3A_315] : memref<57600xf32, #tpu.memory_space<vmem>> -> memref<720xf32, #tpu.memory_space<vmem>>
    tpu.enqueue_dma source(%dma_start3A_316 : memref<720xf32, #tpu.memory_space<vmem>>) target(%dma_start3A_314 : memref<720xf32, #tpu.memory_space<hbm>>) target_semaphore(%arg6 : memref<!tpu.dma_semaphore, #tpu.memory_space<semaphore_mem>>)
    %add3A_317 = arith.constant 875520 : i32
    %add3A_318 = arith.addi %add3A_317, %mul3A_2 : i32
    %dma_start3A_319 = arith.constant 27360 : i32
    %dma_start3A_320 = tpu.memref_slice %arg5[%dma_start3A_319] : memref<57600xf32, #tpu.memory_space<vmem>> -> memref<720xf32, #tpu.memory_space<vmem>>
    %dma_start3A_321 = tpu.memref_slice %arg3[%add3A_318] : memref<1843200xf32, #tpu.memory_space<hbm>> -> memref<720xf32, #tpu.memory_space<hbm>>
    %dma_start3A_322 = tpu.memref_slice %arg3[%add3A_318] : memref<1843200xf32, #tpu.memory_space<hbm>> -> memref<720xf32, #tpu.memory_space<hbm>>
    %dma_start3A_323 = arith.constant 27360 : i32
    %dma_start3A_324 = tpu.memref_slice %arg5[%dma_start3A_323] : memref<57600xf32, #tpu.memory_space<vmem>> -> memref<720xf32, #tpu.memory_space<vmem>>
    tpu.enqueue_dma source(%dma_start3A_324 : memref<720xf32, #tpu.memory_space<vmem>>) target(%dma_start3A_322 : memref<720xf32, #tpu.memory_space<hbm>>) target_semaphore(%arg6 : memref<!tpu.dma_semaphore, #tpu.memory_space<semaphore_mem>>)
    %add3A_325 = arith.constant 898560 : i32
    %add3A_326 = arith.addi %add3A_325, %mul3A_2 : i32
    %dma_start3A_327 = arith.constant 28080 : i32
    %dma_start3A_328 = tpu.memref_slice %arg5[%dma_start3A_327] : memref<57600xf32, #tpu.memory_space<vmem>> -> memref<720xf32, #tpu.memory_space<vmem>>
    %dma_start3A_329 = tpu.memref_slice %arg3[%add3A_326] : memref<1843200xf32, #tpu.memory_space<hbm>> -> memref<720xf32, #tpu.memory_space<hbm>>
    %dma_start3A_330 = tpu.memref_slice %arg3[%add3A_326] : memref<1843200xf32, #tpu.memory_space<hbm>> -> memref<720xf32, #tpu.memory_space<hbm>>
    %dma_start3A_331 = arith.constant 28080 : i32
    %dma_start3A_332 = tpu.memref_slice %arg5[%dma_start3A_331] : memref<57600xf32, #tpu.memory_space<vmem>> -> memref<720xf32, #tpu.memory_space<vmem>>
    tpu.enqueue_dma source(%dma_start3A_332 : memref<720xf32, #tpu.memory_space<vmem>>) target(%dma_start3A_330 : memref<720xf32, #tpu.memory_space<hbm>>) target_semaphore(%arg6 : memref<!tpu.dma_semaphore, #tpu.memory_space<semaphore_mem>>)
    %add3A_333 = arith.constant 921600 : i32
    %add3A_334 = arith.addi %add3A_333, %mul3A_2 : i32
    %dma_start3A_335 = arith.constant 28800 : i32
    %dma_start3A_336 = tpu.memref_slice %arg5[%dma_start3A_335] : memref<57600xf32, #tpu.memory_space<vmem>> -> memref<720xf32, #tpu.memory_space<vmem>>
    %dma_start3A_337 = tpu.memref_slice %arg3[%add3A_334] : memref<1843200xf32, #tpu.memory_space<hbm>> -> memref<720xf32, #tpu.memory_space<hbm>>
    %dma_start3A_338 = tpu.memref_slice %arg3[%add3A_334] : memref<1843200xf32, #tpu.memory_space<hbm>> -> memref<720xf32, #tpu.memory_space<hbm>>
    %dma_start3A_339 = arith.constant 28800 : i32
    %dma_start3A_340 = tpu.memref_slice %arg5[%dma_start3A_339] : memref<57600xf32, #tpu.memory_space<vmem>> -> memref<720xf32, #tpu.memory_space<vmem>>
    tpu.enqueue_dma source(%dma_start3A_340 : memref<720xf32, #tpu.memory_space<vmem>>) target(%dma_start3A_338 : memref<720xf32, #tpu.memory_space<hbm>>) target_semaphore(%arg6 : memref<!tpu.dma_semaphore, #tpu.memory_space<semaphore_mem>>)
    %add3A_341 = arith.constant 944640 : i32
    %add3A_342 = arith.addi %add3A_341, %mul3A_2 : i32
    %dma_start3A_343 = arith.constant 29520 : i32
    %dma_start3A_344 = tpu.memref_slice %arg5[%dma_start3A_343] : memref<57600xf32, #tpu.memory_space<vmem>> -> memref<720xf32, #tpu.memory_space<vmem>>
    %dma_start3A_345 = tpu.memref_slice %arg3[%add3A_342] : memref<1843200xf32, #tpu.memory_space<hbm>> -> memref<720xf32, #tpu.memory_space<hbm>>
    %dma_start3A_346 = tpu.memref_slice %arg3[%add3A_342] : memref<1843200xf32, #tpu.memory_space<hbm>> -> memref<720xf32, #tpu.memory_space<hbm>>
    %dma_start3A_347 = arith.constant 29520 : i32
    %dma_start3A_348 = tpu.memref_slice %arg5[%dma_start3A_347] : memref<57600xf32, #tpu.memory_space<vmem>> -> memref<720xf32, #tpu.memory_space<vmem>>
    tpu.enqueue_dma source(%dma_start3A_348 : memref<720xf32, #tpu.memory_space<vmem>>) target(%dma_start3A_346 : memref<720xf32, #tpu.memory_space<hbm>>) target_semaphore(%arg6 : memref<!tpu.dma_semaphore, #tpu.memory_space<semaphore_mem>>)
    %add3A_349 = arith.constant 967680 : i32
    %add3A_350 = arith.addi %add3A_349, %mul3A_2 : i32
    %dma_start3A_351 = arith.constant 30240 : i32
    %dma_start3A_352 = tpu.memref_slice %arg5[%dma_start3A_351] : memref<57600xf32, #tpu.memory_space<vmem>> -> memref<720xf32, #tpu.memory_space<vmem>>
    %dma_start3A_353 = tpu.memref_slice %arg3[%add3A_350] : memref<1843200xf32, #tpu.memory_space<hbm>> -> memref<720xf32, #tpu.memory_space<hbm>>
    %dma_start3A_354 = tpu.memref_slice %arg3[%add3A_350] : memref<1843200xf32, #tpu.memory_space<hbm>> -> memref<720xf32, #tpu.memory_space<hbm>>
    %dma_start3A_355 = arith.constant 30240 : i32
    %dma_start3A_356 = tpu.memref_slice %arg5[%dma_start3A_355] : memref<57600xf32, #tpu.memory_space<vmem>> -> memref<720xf32, #tpu.memory_space<vmem>>
    tpu.enqueue_dma source(%dma_start3A_356 : memref<720xf32, #tpu.memory_space<vmem>>) target(%dma_start3A_354 : memref<720xf32, #tpu.memory_space<hbm>>) target_semaphore(%arg6 : memref<!tpu.dma_semaphore, #tpu.memory_space<semaphore_mem>>)
    %add3A_357 = arith.constant 990720 : i32
    %add3A_358 = arith.addi %add3A_357, %mul3A_2 : i32
    %dma_start3A_359 = arith.constant 30960 : i32
    %dma_start3A_360 = tpu.memref_slice %arg5[%dma_start3A_359] : memref<57600xf32, #tpu.memory_space<vmem>> -> memref<720xf32, #tpu.memory_space<vmem>>
    %dma_start3A_361 = tpu.memref_slice %arg3[%add3A_358] : memref<1843200xf32, #tpu.memory_space<hbm>> -> memref<720xf32, #tpu.memory_space<hbm>>
    %dma_start3A_362 = tpu.memref_slice %arg3[%add3A_358] : memref<1843200xf32, #tpu.memory_space<hbm>> -> memref<720xf32, #tpu.memory_space<hbm>>
    %dma_start3A_363 = arith.constant 30960 : i32
    %dma_start3A_364 = tpu.memref_slice %arg5[%dma_start3A_363] : memref<57600xf32, #tpu.memory_space<vmem>> -> memref<720xf32, #tpu.memory_space<vmem>>
    tpu.enqueue_dma source(%dma_start3A_364 : memref<720xf32, #tpu.memory_space<vmem>>) target(%dma_start3A_362 : memref<720xf32, #tpu.memory_space<hbm>>) target_semaphore(%arg6 : memref<!tpu.dma_semaphore, #tpu.memory_space<semaphore_mem>>)
    %add3A_365 = arith.constant 1013760 : i32
    %add3A_366 = arith.addi %add3A_365, %mul3A_2 : i32
    %dma_start3A_367 = arith.constant 31680 : i32
    %dma_start3A_368 = tpu.memref_slice %arg5[%dma_start3A_367] : memref<57600xf32, #tpu.memory_space<vmem>> -> memref<720xf32, #tpu.memory_space<vmem>>
    %dma_start3A_369 = tpu.memref_slice %arg3[%add3A_366] : memref<1843200xf32, #tpu.memory_space<hbm>> -> memref<720xf32, #tpu.memory_space<hbm>>
    %dma_start3A_370 = tpu.memref_slice %arg3[%add3A_366] : memref<1843200xf32, #tpu.memory_space<hbm>> -> memref<720xf32, #tpu.memory_space<hbm>>
    %dma_start3A_371 = arith.constant 31680 : i32
    %dma_start3A_372 = tpu.memref_slice %arg5[%dma_start3A_371] : memref<57600xf32, #tpu.memory_space<vmem>> -> memref<720xf32, #tpu.memory_space<vmem>>
    tpu.enqueue_dma source(%dma_start3A_372 : memref<720xf32, #tpu.memory_space<vmem>>) target(%dma_start3A_370 : memref<720xf32, #tpu.memory_space<hbm>>) target_semaphore(%arg6 : memref<!tpu.dma_semaphore, #tpu.memory_space<semaphore_mem>>)
    %add3A_373 = arith.constant 1036800 : i32
    %add3A_374 = arith.addi %add3A_373, %mul3A_2 : i32
    %dma_start3A_375 = arith.constant 32400 : i32
    %dma_start3A_376 = tpu.memref_slice %arg5[%dma_start3A_375] : memref<57600xf32, #tpu.memory_space<vmem>> -> memref<720xf32, #tpu.memory_space<vmem>>
    %dma_start3A_377 = tpu.memref_slice %arg3[%add3A_374] : memref<1843200xf32, #tpu.memory_space<hbm>> -> memref<720xf32, #tpu.memory_space<hbm>>
    %dma_start3A_378 = tpu.memref_slice %arg3[%add3A_374] : memref<1843200xf32, #tpu.memory_space<hbm>> -> memref<720xf32, #tpu.memory_space<hbm>>
    %dma_start3A_379 = arith.constant 32400 : i32
    %dma_start3A_380 = tpu.memref_slice %arg5[%dma_start3A_379] : memref<57600xf32, #tpu.memory_space<vmem>> -> memref<720xf32, #tpu.memory_space<vmem>>
    tpu.enqueue_dma source(%dma_start3A_380 : memref<720xf32, #tpu.memory_space<vmem>>) target(%dma_start3A_378 : memref<720xf32, #tpu.memory_space<hbm>>) target_semaphore(%arg6 : memref<!tpu.dma_semaphore, #tpu.memory_space<semaphore_mem>>)
    %add3A_381 = arith.constant 1059840 : i32
    %add3A_382 = arith.addi %add3A_381, %mul3A_2 : i32
    %dma_start3A_383 = arith.constant 33120 : i32
    %dma_start3A_384 = tpu.memref_slice %arg5[%dma_start3A_383] : memref<57600xf32, #tpu.memory_space<vmem>> -> memref<720xf32, #tpu.memory_space<vmem>>
    %dma_start3A_385 = tpu.memref_slice %arg3[%add3A_382] : memref<1843200xf32, #tpu.memory_space<hbm>> -> memref<720xf32, #tpu.memory_space<hbm>>
    %dma_start3A_386 = tpu.memref_slice %arg3[%add3A_382] : memref<1843200xf32, #tpu.memory_space<hbm>> -> memref<720xf32, #tpu.memory_space<hbm>>
    %dma_start3A_387 = arith.constant 33120 : i32
    %dma_start3A_388 = tpu.memref_slice %arg5[%dma_start3A_387] : memref<57600xf32, #tpu.memory_space<vmem>> -> memref<720xf32, #tpu.memory_space<vmem>>
    tpu.enqueue_dma source(%dma_start3A_388 : memref<720xf32, #tpu.memory_space<vmem>>) target(%dma_start3A_386 : memref<720xf32, #tpu.memory_space<hbm>>) target_semaphore(%arg6 : memref<!tpu.dma_semaphore, #tpu.memory_space<semaphore_mem>>)
    %add3A_389 = arith.constant 1082880 : i32
    %add3A_390 = arith.addi %add3A_389, %mul3A_2 : i32
    %dma_start3A_391 = arith.constant 33840 : i32
    %dma_start3A_392 = tpu.memref_slice %arg5[%dma_start3A_391] : memref<57600xf32, #tpu.memory_space<vmem>> -> memref<720xf32, #tpu.memory_space<vmem>>
    %dma_start3A_393 = tpu.memref_slice %arg3[%add3A_390] : memref<1843200xf32, #tpu.memory_space<hbm>> -> memref<720xf32, #tpu.memory_space<hbm>>
    %dma_start3A_394 = tpu.memref_slice %arg3[%add3A_390] : memref<1843200xf32, #tpu.memory_space<hbm>> -> memref<720xf32, #tpu.memory_space<hbm>>
    %dma_start3A_395 = arith.constant 33840 : i32
    %dma_start3A_396 = tpu.memref_slice %arg5[%dma_start3A_395] : memref<57600xf32, #tpu.memory_space<vmem>> -> memref<720xf32, #tpu.memory_space<vmem>>
    tpu.enqueue_dma source(%dma_start3A_396 : memref<720xf32, #tpu.memory_space<vmem>>) target(%dma_start3A_394 : memref<720xf32, #tpu.memory_space<hbm>>) target_semaphore(%arg6 : memref<!tpu.dma_semaphore, #tpu.memory_space<semaphore_mem>>)
    %add3A_397 = arith.constant 1105920 : i32
    %add3A_398 = arith.addi %add3A_397, %mul3A_2 : i32
    %dma_start3A_399 = arith.constant 34560 : i32
    %dma_start3A_400 = tpu.memref_slice %arg5[%dma_start3A_399] : memref<57600xf32, #tpu.memory_space<vmem>> -> memref<720xf32, #tpu.memory_space<vmem>>
    %dma_start3A_401 = tpu.memref_slice %arg3[%add3A_398] : memref<1843200xf32, #tpu.memory_space<hbm>> -> memref<720xf32, #tpu.memory_space<hbm>>
    %dma_start3A_402 = tpu.memref_slice %arg3[%add3A_398] : memref<1843200xf32, #tpu.memory_space<hbm>> -> memref<720xf32, #tpu.memory_space<hbm>>
    %dma_start3A_403 = arith.constant 34560 : i32
    %dma_start3A_404 = tpu.memref_slice %arg5[%dma_start3A_403] : memref<57600xf32, #tpu.memory_space<vmem>> -> memref<720xf32, #tpu.memory_space<vmem>>
    tpu.enqueue_dma source(%dma_start3A_404 : memref<720xf32, #tpu.memory_space<vmem>>) target(%dma_start3A_402 : memref<720xf32, #tpu.memory_space<hbm>>) target_semaphore(%arg6 : memref<!tpu.dma_semaphore, #tpu.memory_space<semaphore_mem>>)
    %add3A_405 = arith.constant 1128960 : i32
    %add3A_406 = arith.addi %add3A_405, %mul3A_2 : i32
    %dma_start3A_407 = arith.constant 35280 : i32
    %dma_start3A_408 = tpu.memref_slice %arg5[%dma_start3A_407] : memref<57600xf32, #tpu.memory_space<vmem>> -> memref<720xf32, #tpu.memory_space<vmem>>
    %dma_start3A_409 = tpu.memref_slice %arg3[%add3A_406] : memref<1843200xf32, #tpu.memory_space<hbm>> -> memref<720xf32, #tpu.memory_space<hbm>>
    %dma_start3A_410 = tpu.memref_slice %arg3[%add3A_406] : memref<1843200xf32, #tpu.memory_space<hbm>> -> memref<720xf32, #tpu.memory_space<hbm>>
    %dma_start3A_411 = arith.constant 35280 : i32
    %dma_start3A_412 = tpu.memref_slice %arg5[%dma_start3A_411] : memref<57600xf32, #tpu.memory_space<vmem>> -> memref<720xf32, #tpu.memory_space<vmem>>
    tpu.enqueue_dma source(%dma_start3A_412 : memref<720xf32, #tpu.memory_space<vmem>>) target(%dma_start3A_410 : memref<720xf32, #tpu.memory_space<hbm>>) target_semaphore(%arg6 : memref<!tpu.dma_semaphore, #tpu.memory_space<semaphore_mem>>)
    %add3A_413 = arith.constant 1152000 : i32
    %add3A_414 = arith.addi %add3A_413, %mul3A_2 : i32
    %dma_start3A_415 = arith.constant 36000 : i32
    %dma_start3A_416 = tpu.memref_slice %arg5[%dma_start3A_415] : memref<57600xf32, #tpu.memory_space<vmem>> -> memref<720xf32, #tpu.memory_space<vmem>>
    %dma_start3A_417 = tpu.memref_slice %arg3[%add3A_414] : memref<1843200xf32, #tpu.memory_space<hbm>> -> memref<720xf32, #tpu.memory_space<hbm>>
    %dma_start3A_418 = tpu.memref_slice %arg3[%add3A_414] : memref<1843200xf32, #tpu.memory_space<hbm>> -> memref<720xf32, #tpu.memory_space<hbm>>
    %dma_start3A_419 = arith.constant 36000 : i32
    %dma_start3A_420 = tpu.memref_slice %arg5[%dma_start3A_419] : memref<57600xf32, #tpu.memory_space<vmem>> -> memref<720xf32, #tpu.memory_space<vmem>>
    tpu.enqueue_dma source(%dma_start3A_420 : memref<720xf32, #tpu.memory_space<vmem>>) target(%dma_start3A_418 : memref<720xf32, #tpu.memory_space<hbm>>) target_semaphore(%arg6 : memref<!tpu.dma_semaphore, #tpu.memory_space<semaphore_mem>>)
    %add3A_421 = arith.constant 1175040 : i32
    %add3A_422 = arith.addi %add3A_421, %mul3A_2 : i32
    %dma_start3A_423 = arith.constant 36720 : i32
    %dma_start3A_424 = tpu.memref_slice %arg5[%dma_start3A_423] : memref<57600xf32, #tpu.memory_space<vmem>> -> memref<720xf32, #tpu.memory_space<vmem>>
    %dma_start3A_425 = tpu.memref_slice %arg3[%add3A_422] : memref<1843200xf32, #tpu.memory_space<hbm>> -> memref<720xf32, #tpu.memory_space<hbm>>
    %dma_start3A_426 = tpu.memref_slice %arg3[%add3A_422] : memref<1843200xf32, #tpu.memory_space<hbm>> -> memref<720xf32, #tpu.memory_space<hbm>>
    %dma_start3A_427 = arith.constant 36720 : i32
    %dma_start3A_428 = tpu.memref_slice %arg5[%dma_start3A_427] : memref<57600xf32, #tpu.memory_space<vmem>> -> memref<720xf32, #tpu.memory_space<vmem>>
    tpu.enqueue_dma source(%dma_start3A_428 : memref<720xf32, #tpu.memory_space<vmem>>) target(%dma_start3A_426 : memref<720xf32, #tpu.memory_space<hbm>>) target_semaphore(%arg6 : memref<!tpu.dma_semaphore, #tpu.memory_space<semaphore_mem>>)
    %add3A_429 = arith.constant 1198080 : i32
    %add3A_430 = arith.addi %add3A_429, %mul3A_2 : i32
    %dma_start3A_431 = arith.constant 37440 : i32
    %dma_start3A_432 = tpu.memref_slice %arg5[%dma_start3A_431] : memref<57600xf32, #tpu.memory_space<vmem>> -> memref<720xf32, #tpu.memory_space<vmem>>
    %dma_start3A_433 = tpu.memref_slice %arg3[%add3A_430] : memref<1843200xf32, #tpu.memory_space<hbm>> -> memref<720xf32, #tpu.memory_space<hbm>>
    %dma_start3A_434 = tpu.memref_slice %arg3[%add3A_430] : memref<1843200xf32, #tpu.memory_space<hbm>> -> memref<720xf32, #tpu.memory_space<hbm>>
    %dma_start3A_435 = arith.constant 37440 : i32
    %dma_start3A_436 = tpu.memref_slice %arg5[%dma_start3A_435] : memref<57600xf32, #tpu.memory_space<vmem>> -> memref<720xf32, #tpu.memory_space<vmem>>
    tpu.enqueue_dma source(%dma_start3A_436 : memref<720xf32, #tpu.memory_space<vmem>>) target(%dma_start3A_434 : memref<720xf32, #tpu.memory_space<hbm>>) target_semaphore(%arg6 : memref<!tpu.dma_semaphore, #tpu.memory_space<semaphore_mem>>)
    %add3A_437 = arith.constant 1221120 : i32
    %add3A_438 = arith.addi %add3A_437, %mul3A_2 : i32
    %dma_start3A_439 = arith.constant 38160 : i32
    %dma_start3A_440 = tpu.memref_slice %arg5[%dma_start3A_439] : memref<57600xf32, #tpu.memory_space<vmem>> -> memref<720xf32, #tpu.memory_space<vmem>>
    %dma_start3A_441 = tpu.memref_slice %arg3[%add3A_438] : memref<1843200xf32, #tpu.memory_space<hbm>> -> memref<720xf32, #tpu.memory_space<hbm>>
    %dma_start3A_442 = tpu.memref_slice %arg3[%add3A_438] : memref<1843200xf32, #tpu.memory_space<hbm>> -> memref<720xf32, #tpu.memory_space<hbm>>
    %dma_start3A_443 = arith.constant 38160 : i32
    %dma_start3A_444 = tpu.memref_slice %arg5[%dma_start3A_443] : memref<57600xf32, #tpu.memory_space<vmem>> -> memref<720xf32, #tpu.memory_space<vmem>>
    tpu.enqueue_dma source(%dma_start3A_444 : memref<720xf32, #tpu.memory_space<vmem>>) target(%dma_start3A_442 : memref<720xf32, #tpu.memory_space<hbm>>) target_semaphore(%arg6 : memref<!tpu.dma_semaphore, #tpu.memory_space<semaphore_mem>>)
    %add3A_445 = arith.constant 1244160 : i32
    %add3A_446 = arith.addi %add3A_445, %mul3A_2 : i32
    %dma_start3A_447 = arith.constant 38880 : i32
    %dma_start3A_448 = tpu.memref_slice %arg5[%dma_start3A_447] : memref<57600xf32, #tpu.memory_space<vmem>> -> memref<720xf32, #tpu.memory_space<vmem>>
    %dma_start3A_449 = tpu.memref_slice %arg3[%add3A_446] : memref<1843200xf32, #tpu.memory_space<hbm>> -> memref<720xf32, #tpu.memory_space<hbm>>
    %dma_start3A_450 = tpu.memref_slice %arg3[%add3A_446] : memref<1843200xf32, #tpu.memory_space<hbm>> -> memref<720xf32, #tpu.memory_space<hbm>>
    %dma_start3A_451 = arith.constant 38880 : i32
    %dma_start3A_452 = tpu.memref_slice %arg5[%dma_start3A_451] : memref<57600xf32, #tpu.memory_space<vmem>> -> memref<720xf32, #tpu.memory_space<vmem>>
    tpu.enqueue_dma source(%dma_start3A_452 : memref<720xf32, #tpu.memory_space<vmem>>) target(%dma_start3A_450 : memref<720xf32, #tpu.memory_space<hbm>>) target_semaphore(%arg6 : memref<!tpu.dma_semaphore, #tpu.memory_space<semaphore_mem>>)
    %add3A_453 = arith.constant 1267200 : i32
    %add3A_454 = arith.addi %add3A_453, %mul3A_2 : i32
    %dma_start3A_455 = arith.constant 39600 : i32
    %dma_start3A_456 = tpu.memref_slice %arg5[%dma_start3A_455] : memref<57600xf32, #tpu.memory_space<vmem>> -> memref<720xf32, #tpu.memory_space<vmem>>
    %dma_start3A_457 = tpu.memref_slice %arg3[%add3A_454] : memref<1843200xf32, #tpu.memory_space<hbm>> -> memref<720xf32, #tpu.memory_space<hbm>>
    %dma_start3A_458 = tpu.memref_slice %arg3[%add3A_454] : memref<1843200xf32, #tpu.memory_space<hbm>> -> memref<720xf32, #tpu.memory_space<hbm>>
    %dma_start3A_459 = arith.constant 39600 : i32
    %dma_start3A_460 = tpu.memref_slice %arg5[%dma_start3A_459] : memref<57600xf32, #tpu.memory_space<vmem>> -> memref<720xf32, #tpu.memory_space<vmem>>
    tpu.enqueue_dma source(%dma_start3A_460 : memref<720xf32, #tpu.memory_space<vmem>>) target(%dma_start3A_458 : memref<720xf32, #tpu.memory_space<hbm>>) target_semaphore(%arg6 : memref<!tpu.dma_semaphore, #tpu.memory_space<semaphore_mem>>)
    %add3A_461 = arith.constant 1290240 : i32
    %add3A_462 = arith.addi %add3A_461, %mul3A_2 : i32
    %dma_start3A_463 = arith.constant 40320 : i32
    %dma_start3A_464 = tpu.memref_slice %arg5[%dma_start3A_463] : memref<57600xf32, #tpu.memory_space<vmem>> -> memref<720xf32, #tpu.memory_space<vmem>>
    %dma_start3A_465 = tpu.memref_slice %arg3[%add3A_462] : memref<1843200xf32, #tpu.memory_space<hbm>> -> memref<720xf32, #tpu.memory_space<hbm>>
    %dma_start3A_466 = tpu.memref_slice %arg3[%add3A_462] : memref<1843200xf32, #tpu.memory_space<hbm>> -> memref<720xf32, #tpu.memory_space<hbm>>
    %dma_start3A_467 = arith.constant 40320 : i32
    %dma_start3A_468 = tpu.memref_slice %arg5[%dma_start3A_467] : memref<57600xf32, #tpu.memory_space<vmem>> -> memref<720xf32, #tpu.memory_space<vmem>>
    tpu.enqueue_dma source(%dma_start3A_468 : memref<720xf32, #tpu.memory_space<vmem>>) target(%dma_start3A_466 : memref<720xf32, #tpu.memory_space<hbm>>) target_semaphore(%arg6 : memref<!tpu.dma_semaphore, #tpu.memory_space<semaphore_mem>>)
    %add3A_469 = arith.constant 1313280 : i32
    %add3A_470 = arith.addi %add3A_469, %mul3A_2 : i32
    %dma_start3A_471 = arith.constant 41040 : i32
    %dma_start3A_472 = tpu.memref_slice %arg5[%dma_start3A_471] : memref<57600xf32, #tpu.memory_space<vmem>> -> memref<720xf32, #tpu.memory_space<vmem>>
    %dma_start3A_473 = tpu.memref_slice %arg3[%add3A_470] : memref<1843200xf32, #tpu.memory_space<hbm>> -> memref<720xf32, #tpu.memory_space<hbm>>
    %dma_start3A_474 = tpu.memref_slice %arg3[%add3A_470] : memref<1843200xf32, #tpu.memory_space<hbm>> -> memref<720xf32, #tpu.memory_space<hbm>>
    %dma_start3A_475 = arith.constant 41040 : i32
    %dma_start3A_476 = tpu.memref_slice %arg5[%dma_start3A_475] : memref<57600xf32, #tpu.memory_space<vmem>> -> memref<720xf32, #tpu.memory_space<vmem>>
    tpu.enqueue_dma source(%dma_start3A_476 : memref<720xf32, #tpu.memory_space<vmem>>) target(%dma_start3A_474 : memref<720xf32, #tpu.memory_space<hbm>>) target_semaphore(%arg6 : memref<!tpu.dma_semaphore, #tpu.memory_space<semaphore_mem>>)
    %add3A_477 = arith.constant 1336320 : i32
    %add3A_478 = arith.addi %add3A_477, %mul3A_2 : i32
    %dma_start3A_479 = arith.constant 41760 : i32
    %dma_start3A_480 = tpu.memref_slice %arg5[%dma_start3A_479] : memref<57600xf32, #tpu.memory_space<vmem>> -> memref<720xf32, #tpu.memory_space<vmem>>
    %dma_start3A_481 = tpu.memref_slice %arg3[%add3A_478] : memref<1843200xf32, #tpu.memory_space<hbm>> -> memref<720xf32, #tpu.memory_space<hbm>>
    %dma_start3A_482 = tpu.memref_slice %arg3[%add3A_478] : memref<1843200xf32, #tpu.memory_space<hbm>> -> memref<720xf32, #tpu.memory_space<hbm>>
    %dma_start3A_483 = arith.constant 41760 : i32
    %dma_start3A_484 = tpu.memref_slice %arg5[%dma_start3A_483] : memref<57600xf32, #tpu.memory_space<vmem>> -> memref<720xf32, #tpu.memory_space<vmem>>
    tpu.enqueue_dma source(%dma_start3A_484 : memref<720xf32, #tpu.memory_space<vmem>>) target(%dma_start3A_482 : memref<720xf32, #tpu.memory_space<hbm>>) target_semaphore(%arg6 : memref<!tpu.dma_semaphore, #tpu.memory_space<semaphore_mem>>)
    %add3A_485 = arith.constant 1359360 : i32
    %add3A_486 = arith.addi %add3A_485, %mul3A_2 : i32
    %dma_start3A_487 = arith.constant 42480 : i32
    %dma_start3A_488 = tpu.memref_slice %arg5[%dma_start3A_487] : memref<57600xf32, #tpu.memory_space<vmem>> -> memref<720xf32, #tpu.memory_space<vmem>>
    %dma_start3A_489 = tpu.memref_slice %arg3[%add3A_486] : memref<1843200xf32, #tpu.memory_space<hbm>> -> memref<720xf32, #tpu.memory_space<hbm>>
    %dma_start3A_490 = tpu.memref_slice %arg3[%add3A_486] : memref<1843200xf32, #tpu.memory_space<hbm>> -> memref<720xf32, #tpu.memory_space<hbm>>
    %dma_start3A_491 = arith.constant 42480 : i32
    %dma_start3A_492 = tpu.memref_slice %arg5[%dma_start3A_491] : memref<57600xf32, #tpu.memory_space<vmem>> -> memref<720xf32, #tpu.memory_space<vmem>>
    tpu.enqueue_dma source(%dma_start3A_492 : memref<720xf32, #tpu.memory_space<vmem>>) target(%dma_start3A_490 : memref<720xf32, #tpu.memory_space<hbm>>) target_semaphore(%arg6 : memref<!tpu.dma_semaphore, #tpu.memory_space<semaphore_mem>>)
    %add3A_493 = arith.constant 1382400 : i32
    %add3A_494 = arith.addi %add3A_493, %mul3A_2 : i32
    %dma_start3A_495 = arith.constant 43200 : i32
    %dma_start3A_496 = tpu.memref_slice %arg5[%dma_start3A_495] : memref<57600xf32, #tpu.memory_space<vmem>> -> memref<720xf32, #tpu.memory_space<vmem>>
    %dma_start3A_497 = tpu.memref_slice %arg3[%add3A_494] : memref<1843200xf32, #tpu.memory_space<hbm>> -> memref<720xf32, #tpu.memory_space<hbm>>
    %dma_start3A_498 = tpu.memref_slice %arg3[%add3A_494] : memref<1843200xf32, #tpu.memory_space<hbm>> -> memref<720xf32, #tpu.memory_space<hbm>>
    %dma_start3A_499 = arith.constant 43200 : i32
    %dma_start3A_500 = tpu.memref_slice %arg5[%dma_start3A_499] : memref<57600xf32, #tpu.memory_space<vmem>> -> memref<720xf32, #tpu.memory_space<vmem>>
    tpu.enqueue_dma source(%dma_start3A_500 : memref<720xf32, #tpu.memory_space<vmem>>) target(%dma_start3A_498 : memref<720xf32, #tpu.memory_space<hbm>>) target_semaphore(%arg6 : memref<!tpu.dma_semaphore, #tpu.memory_space<semaphore_mem>>)
    %add3A_501 = arith.constant 1405440 : i32
    %add3A_502 = arith.addi %add3A_501, %mul3A_2 : i32
    %dma_start3A_503 = arith.constant 43920 : i32
    %dma_start3A_504 = tpu.memref_slice %arg5[%dma_start3A_503] : memref<57600xf32, #tpu.memory_space<vmem>> -> memref<720xf32, #tpu.memory_space<vmem>>
    %dma_start3A_505 = tpu.memref_slice %arg3[%add3A_502] : memref<1843200xf32, #tpu.memory_space<hbm>> -> memref<720xf32, #tpu.memory_space<hbm>>
    %dma_start3A_506 = tpu.memref_slice %arg3[%add3A_502] : memref<1843200xf32, #tpu.memory_space<hbm>> -> memref<720xf32, #tpu.memory_space<hbm>>
    %dma_start3A_507 = arith.constant 43920 : i32
    %dma_start3A_508 = tpu.memref_slice %arg5[%dma_start3A_507] : memref<57600xf32, #tpu.memory_space<vmem>> -> memref<720xf32, #tpu.memory_space<vmem>>
    tpu.enqueue_dma source(%dma_start3A_508 : memref<720xf32, #tpu.memory_space<vmem>>) target(%dma_start3A_506 : memref<720xf32, #tpu.memory_space<hbm>>) target_semaphore(%arg6 : memref<!tpu.dma_semaphore, #tpu.memory_space<semaphore_mem>>)
    %add3A_509 = arith.constant 1428480 : i32
    %add3A_510 = arith.addi %add3A_509, %mul3A_2 : i32
    %dma_start3A_511 = arith.constant 44640 : i32
    %dma_start3A_512 = tpu.memref_slice %arg5[%dma_start3A_511] : memref<57600xf32, #tpu.memory_space<vmem>> -> memref<720xf32, #tpu.memory_space<vmem>>
    %dma_start3A_513 = tpu.memref_slice %arg3[%add3A_510] : memref<1843200xf32, #tpu.memory_space<hbm>> -> memref<720xf32, #tpu.memory_space<hbm>>
    %dma_start3A_514 = tpu.memref_slice %arg3[%add3A_510] : memref<1843200xf32, #tpu.memory_space<hbm>> -> memref<720xf32, #tpu.memory_space<hbm>>
    %dma_start3A_515 = arith.constant 44640 : i32
    %dma_start3A_516 = tpu.memref_slice %arg5[%dma_start3A_515] : memref<57600xf32, #tpu.memory_space<vmem>> -> memref<720xf32, #tpu.memory_space<vmem>>
    tpu.enqueue_dma source(%dma_start3A_516 : memref<720xf32, #tpu.memory_space<vmem>>) target(%dma_start3A_514 : memref<720xf32, #tpu.memory_space<hbm>>) target_semaphore(%arg6 : memref<!tpu.dma_semaphore, #tpu.memory_space<semaphore_mem>>)
    %add3A_517 = arith.constant 1451520 : i32
    %add3A_518 = arith.addi %add3A_517, %mul3A_2 : i32
    %dma_start3A_519 = arith.constant 45360 : i32
    %dma_start3A_520 = tpu.memref_slice %arg5[%dma_start3A_519] : memref<57600xf32, #tpu.memory_space<vmem>> -> memref<720xf32, #tpu.memory_space<vmem>>
    %dma_start3A_521 = tpu.memref_slice %arg3[%add3A_518] : memref<1843200xf32, #tpu.memory_space<hbm>> -> memref<720xf32, #tpu.memory_space<hbm>>
    %dma_start3A_522 = tpu.memref_slice %arg3[%add3A_518] : memref<1843200xf32, #tpu.memory_space<hbm>> -> memref<720xf32, #tpu.memory_space<hbm>>
    %dma_start3A_523 = arith.constant 45360 : i32
    %dma_start3A_524 = tpu.memref_slice %arg5[%dma_start3A_523] : memref<57600xf32, #tpu.memory_space<vmem>> -> memref<720xf32, #tpu.memory_space<vmem>>
    tpu.enqueue_dma source(%dma_start3A_524 : memref<720xf32, #tpu.memory_space<vmem>>) target(%dma_start3A_522 : memref<720xf32, #tpu.memory_space<hbm>>) target_semaphore(%arg6 : memref<!tpu.dma_semaphore, #tpu.memory_space<semaphore_mem>>)
    %add3A_525 = arith.constant 1474560 : i32
    %add3A_526 = arith.addi %add3A_525, %mul3A_2 : i32
    %dma_start3A_527 = arith.constant 46080 : i32
    %dma_start3A_528 = tpu.memref_slice %arg5[%dma_start3A_527] : memref<57600xf32, #tpu.memory_space<vmem>> -> memref<720xf32, #tpu.memory_space<vmem>>
    %dma_start3A_529 = tpu.memref_slice %arg3[%add3A_526] : memref<1843200xf32, #tpu.memory_space<hbm>> -> memref<720xf32, #tpu.memory_space<hbm>>
    %dma_start3A_530 = tpu.memref_slice %arg3[%add3A_526] : memref<1843200xf32, #tpu.memory_space<hbm>> -> memref<720xf32, #tpu.memory_space<hbm>>
    %dma_start3A_531 = arith.constant 46080 : i32
    %dma_start3A_532 = tpu.memref_slice %arg5[%dma_start3A_531] : memref<57600xf32, #tpu.memory_space<vmem>> -> memref<720xf32, #tpu.memory_space<vmem>>
    tpu.enqueue_dma source(%dma_start3A_532 : memref<720xf32, #tpu.memory_space<vmem>>) target(%dma_start3A_530 : memref<720xf32, #tpu.memory_space<hbm>>) target_semaphore(%arg6 : memref<!tpu.dma_semaphore, #tpu.memory_space<semaphore_mem>>)
    %add3A_533 = arith.constant 1497600 : i32
    %add3A_534 = arith.addi %add3A_533, %mul3A_2 : i32
    %dma_start3A_535 = arith.constant 46800 : i32
    %dma_start3A_536 = tpu.memref_slice %arg5[%dma_start3A_535] : memref<57600xf32, #tpu.memory_space<vmem>> -> memref<720xf32, #tpu.memory_space<vmem>>
    %dma_start3A_537 = tpu.memref_slice %arg3[%add3A_534] : memref<1843200xf32, #tpu.memory_space<hbm>> -> memref<720xf32, #tpu.memory_space<hbm>>
    %dma_start3A_538 = tpu.memref_slice %arg3[%add3A_534] : memref<1843200xf32, #tpu.memory_space<hbm>> -> memref<720xf32, #tpu.memory_space<hbm>>
    %dma_start3A_539 = arith.constant 46800 : i32
    %dma_start3A_540 = tpu.memref_slice %arg5[%dma_start3A_539] : memref<57600xf32, #tpu.memory_space<vmem>> -> memref<720xf32, #tpu.memory_space<vmem>>
    tpu.enqueue_dma source(%dma_start3A_540 : memref<720xf32, #tpu.memory_space<vmem>>) target(%dma_start3A_538 : memref<720xf32, #tpu.memory_space<hbm>>) target_semaphore(%arg6 : memref<!tpu.dma_semaphore, #tpu.memory_space<semaphore_mem>>)
    %add3A_541 = arith.constant 1520640 : i32
    %add3A_542 = arith.addi %add3A_541, %mul3A_2 : i32
    %dma_start3A_543 = arith.constant 47520 : i32
    %dma_start3A_544 = tpu.memref_slice %arg5[%dma_start3A_543] : memref<57600xf32, #tpu.memory_space<vmem>> -> memref<720xf32, #tpu.memory_space<vmem>>
    %dma_start3A_545 = tpu.memref_slice %arg3[%add3A_542] : memref<1843200xf32, #tpu.memory_space<hbm>> -> memref<720xf32, #tpu.memory_space<hbm>>
    %dma_start3A_546 = tpu.memref_slice %arg3[%add3A_542] : memref<1843200xf32, #tpu.memory_space<hbm>> -> memref<720xf32, #tpu.memory_space<hbm>>
    %dma_start3A_547 = arith.constant 47520 : i32
    %dma_start3A_548 = tpu.memref_slice %arg5[%dma_start3A_547] : memref<57600xf32, #tpu.memory_space<vmem>> -> memref<720xf32, #tpu.memory_space<vmem>>
    tpu.enqueue_dma source(%dma_start3A_548 : memref<720xf32, #tpu.memory_space<vmem>>) target(%dma_start3A_546 : memref<720xf32, #tpu.memory_space<hbm>>) target_semaphore(%arg6 : memref<!tpu.dma_semaphore, #tpu.memory_space<semaphore_mem>>)
    %add3A_549 = arith.constant 1543680 : i32
    %add3A_550 = arith.addi %add3A_549, %mul3A_2 : i32
    %dma_start3A_551 = arith.constant 48240 : i32
    %dma_start3A_552 = tpu.memref_slice %arg5[%dma_start3A_551] : memref<57600xf32, #tpu.memory_space<vmem>> -> memref<720xf32, #tpu.memory_space<vmem>>
    %dma_start3A_553 = tpu.memref_slice %arg3[%add3A_550] : memref<1843200xf32, #tpu.memory_space<hbm>> -> memref<720xf32, #tpu.memory_space<hbm>>
    %dma_start3A_554 = tpu.memref_slice %arg3[%add3A_550] : memref<1843200xf32, #tpu.memory_space<hbm>> -> memref<720xf32, #tpu.memory_space<hbm>>
    %dma_start3A_555 = arith.constant 48240 : i32
    %dma_start3A_556 = tpu.memref_slice %arg5[%dma_start3A_555] : memref<57600xf32, #tpu.memory_space<vmem>> -> memref<720xf32, #tpu.memory_space<vmem>>
    tpu.enqueue_dma source(%dma_start3A_556 : memref<720xf32, #tpu.memory_space<vmem>>) target(%dma_start3A_554 : memref<720xf32, #tpu.memory_space<hbm>>) target_semaphore(%arg6 : memref<!tpu.dma_semaphore, #tpu.memory_space<semaphore_mem>>)
    %add3A_557 = arith.constant 1566720 : i32
    %add3A_558 = arith.addi %add3A_557, %mul3A_2 : i32
    %dma_start3A_559 = arith.constant 48960 : i32
    %dma_start3A_560 = tpu.memref_slice %arg5[%dma_start3A_559] : memref<57600xf32, #tpu.memory_space<vmem>> -> memref<720xf32, #tpu.memory_space<vmem>>
    %dma_start3A_561 = tpu.memref_slice %arg3[%add3A_558] : memref<1843200xf32, #tpu.memory_space<hbm>> -> memref<720xf32, #tpu.memory_space<hbm>>
    %dma_start3A_562 = tpu.memref_slice %arg3[%add3A_558] : memref<1843200xf32, #tpu.memory_space<hbm>> -> memref<720xf32, #tpu.memory_space<hbm>>
    %dma_start3A_563 = arith.constant 48960 : i32
    %dma_start3A_564 = tpu.memref_slice %arg5[%dma_start3A_563] : memref<57600xf32, #tpu.memory_space<vmem>> -> memref<720xf32, #tpu.memory_space<vmem>>
    tpu.enqueue_dma source(%dma_start3A_564 : memref<720xf32, #tpu.memory_space<vmem>>) target(%dma_start3A_562 : memref<720xf32, #tpu.memory_space<hbm>>) target_semaphore(%arg6 : memref<!tpu.dma_semaphore, #tpu.memory_space<semaphore_mem>>)
    %add3A_565 = arith.constant 1589760 : i32
    %add3A_566 = arith.addi %add3A_565, %mul3A_2 : i32
    %dma_start3A_567 = arith.constant 49680 : i32
    %dma_start3A_568 = tpu.memref_slice %arg5[%dma_start3A_567] : memref<57600xf32, #tpu.memory_space<vmem>> -> memref<720xf32, #tpu.memory_space<vmem>>
    %dma_start3A_569 = tpu.memref_slice %arg3[%add3A_566] : memref<1843200xf32, #tpu.memory_space<hbm>> -> memref<720xf32, #tpu.memory_space<hbm>>
    %dma_start3A_570 = tpu.memref_slice %arg3[%add3A_566] : memref<1843200xf32, #tpu.memory_space<hbm>> -> memref<720xf32, #tpu.memory_space<hbm>>
    %dma_start3A_571 = arith.constant 49680 : i32
    %dma_start3A_572 = tpu.memref_slice %arg5[%dma_start3A_571] : memref<57600xf32, #tpu.memory_space<vmem>> -> memref<720xf32, #tpu.memory_space<vmem>>
    tpu.enqueue_dma source(%dma_start3A_572 : memref<720xf32, #tpu.memory_space<vmem>>) target(%dma_start3A_570 : memref<720xf32, #tpu.memory_space<hbm>>) target_semaphore(%arg6 : memref<!tpu.dma_semaphore, #tpu.memory_space<semaphore_mem>>)
    %add3A_573 = arith.constant 1612800 : i32
    %add3A_574 = arith.addi %add3A_573, %mul3A_2 : i32
    %dma_start3A_575 = arith.constant 50400 : i32
    %dma_start3A_576 = tpu.memref_slice %arg5[%dma_start3A_575] : memref<57600xf32, #tpu.memory_space<vmem>> -> memref<720xf32, #tpu.memory_space<vmem>>
    %dma_start3A_577 = tpu.memref_slice %arg3[%add3A_574] : memref<1843200xf32, #tpu.memory_space<hbm>> -> memref<720xf32, #tpu.memory_space<hbm>>
    %dma_start3A_578 = tpu.memref_slice %arg3[%add3A_574] : memref<1843200xf32, #tpu.memory_space<hbm>> -> memref<720xf32, #tpu.memory_space<hbm>>
    %dma_start3A_579 = arith.constant 50400 : i32
    %dma_start3A_580 = tpu.memref_slice %arg5[%dma_start3A_579] : memref<57600xf32, #tpu.memory_space<vmem>> -> memref<720xf32, #tpu.memory_space<vmem>>
    tpu.enqueue_dma source(%dma_start3A_580 : memref<720xf32, #tpu.memory_space<vmem>>) target(%dma_start3A_578 : memref<720xf32, #tpu.memory_space<hbm>>) target_semaphore(%arg6 : memref<!tpu.dma_semaphore, #tpu.memory_space<semaphore_mem>>)
    %add3A_581 = arith.constant 1635840 : i32
    %add3A_582 = arith.addi %add3A_581, %mul3A_2 : i32
    %dma_start3A_583 = arith.constant 51120 : i32
    %dma_start3A_584 = tpu.memref_slice %arg5[%dma_start3A_583] : memref<57600xf32, #tpu.memory_space<vmem>> -> memref<720xf32, #tpu.memory_space<vmem>>
    %dma_start3A_585 = tpu.memref_slice %arg3[%add3A_582] : memref<1843200xf32, #tpu.memory_space<hbm>> -> memref<720xf32, #tpu.memory_space<hbm>>
    %dma_start3A_586 = tpu.memref_slice %arg3[%add3A_582] : memref<1843200xf32, #tpu.memory_space<hbm>> -> memref<720xf32, #tpu.memory_space<hbm>>
    %dma_start3A_587 = arith.constant 51120 : i32
    %dma_start3A_588 = tpu.memref_slice %arg5[%dma_start3A_587] : memref<57600xf32, #tpu.memory_space<vmem>> -> memref<720xf32, #tpu.memory_space<vmem>>
    tpu.enqueue_dma source(%dma_start3A_588 : memref<720xf32, #tpu.memory_space<vmem>>) target(%dma_start3A_586 : memref<720xf32, #tpu.memory_space<hbm>>) target_semaphore(%arg6 : memref<!tpu.dma_semaphore, #tpu.memory_space<semaphore_mem>>)
    %add3A_589 = arith.constant 1658880 : i32
    %add3A_590 = arith.addi %add3A_589, %mul3A_2 : i32
    %dma_start3A_591 = arith.constant 51840 : i32
    %dma_start3A_592 = tpu.memref_slice %arg5[%dma_start3A_591] : memref<57600xf32, #tpu.memory_space<vmem>> -> memref<720xf32, #tpu.memory_space<vmem>>
    %dma_start3A_593 = tpu.memref_slice %arg3[%add3A_590] : memref<1843200xf32, #tpu.memory_space<hbm>> -> memref<720xf32, #tpu.memory_space<hbm>>
    %dma_start3A_594 = tpu.memref_slice %arg3[%add3A_590] : memref<1843200xf32, #tpu.memory_space<hbm>> -> memref<720xf32, #tpu.memory_space<hbm>>
    %dma_start3A_595 = arith.constant 51840 : i32
    %dma_start3A_596 = tpu.memref_slice %arg5[%dma_start3A_595] : memref<57600xf32, #tpu.memory_space<vmem>> -> memref<720xf32, #tpu.memory_space<vmem>>
    tpu.enqueue_dma source(%dma_start3A_596 : memref<720xf32, #tpu.memory_space<vmem>>) target(%dma_start3A_594 : memref<720xf32, #tpu.memory_space<hbm>>) target_semaphore(%arg6 : memref<!tpu.dma_semaphore, #tpu.memory_space<semaphore_mem>>)
    %add3A_597 = arith.constant 1681920 : i32
    %add3A_598 = arith.addi %add3A_597, %mul3A_2 : i32
    %dma_start3A_599 = arith.constant 52560 : i32
    %dma_start3A_600 = tpu.memref_slice %arg5[%dma_start3A_599] : memref<57600xf32, #tpu.memory_space<vmem>> -> memref<720xf32, #tpu.memory_space<vmem>>
    %dma_start3A_601 = tpu.memref_slice %arg3[%add3A_598] : memref<1843200xf32, #tpu.memory_space<hbm>> -> memref<720xf32, #tpu.memory_space<hbm>>
    %dma_start3A_602 = tpu.memref_slice %arg3[%add3A_598] : memref<1843200xf32, #tpu.memory_space<hbm>> -> memref<720xf32, #tpu.memory_space<hbm>>
    %dma_start3A_603 = arith.constant 52560 : i32
    %dma_start3A_604 = tpu.memref_slice %arg5[%dma_start3A_603] : memref<57600xf32, #tpu.memory_space<vmem>> -> memref<720xf32, #tpu.memory_space<vmem>>
    tpu.enqueue_dma source(%dma_start3A_604 : memref<720xf32, #tpu.memory_space<vmem>>) target(%dma_start3A_602 : memref<720xf32, #tpu.memory_space<hbm>>) target_semaphore(%arg6 : memref<!tpu.dma_semaphore, #tpu.memory_space<semaphore_mem>>)
    %add3A_605 = arith.constant 1704960 : i32
    %add3A_606 = arith.addi %add3A_605, %mul3A_2 : i32
    %dma_start3A_607 = arith.constant 53280 : i32
    %dma_start3A_608 = tpu.memref_slice %arg5[%dma_start3A_607] : memref<57600xf32, #tpu.memory_space<vmem>> -> memref<720xf32, #tpu.memory_space<vmem>>
    %dma_start3A_609 = tpu.memref_slice %arg3[%add3A_606] : memref<1843200xf32, #tpu.memory_space<hbm>> -> memref<720xf32, #tpu.memory_space<hbm>>
    %dma_start3A_610 = tpu.memref_slice %arg3[%add3A_606] : memref<1843200xf32, #tpu.memory_space<hbm>> -> memref<720xf32, #tpu.memory_space<hbm>>
    %dma_start3A_611 = arith.constant 53280 : i32
    %dma_start3A_612 = tpu.memref_slice %arg5[%dma_start3A_611] : memref<57600xf32, #tpu.memory_space<vmem>> -> memref<720xf32, #tpu.memory_space<vmem>>
    tpu.enqueue_dma source(%dma_start3A_612 : memref<720xf32, #tpu.memory_space<vmem>>) target(%dma_start3A_610 : memref<720xf32, #tpu.memory_space<hbm>>) target_semaphore(%arg6 : memref<!tpu.dma_semaphore, #tpu.memory_space<semaphore_mem>>)
    %add3A_613 = arith.constant 1728000 : i32
    %add3A_614 = arith.addi %add3A_613, %mul3A_2 : i32
    %dma_start3A_615 = arith.constant 54000 : i32
    %dma_start3A_616 = tpu.memref_slice %arg5[%dma_start3A_615] : memref<57600xf32, #tpu.memory_space<vmem>> -> memref<720xf32, #tpu.memory_space<vmem>>
    %dma_start3A_617 = tpu.memref_slice %arg3[%add3A_614] : memref<1843200xf32, #tpu.memory_space<hbm>> -> memref<720xf32, #tpu.memory_space<hbm>>
    %dma_start3A_618 = tpu.memref_slice %arg3[%add3A_614] : memref<1843200xf32, #tpu.memory_space<hbm>> -> memref<720xf32, #tpu.memory_space<hbm>>
    %dma_start3A_619 = arith.constant 54000 : i32
    %dma_start3A_620 = tpu.memref_slice %arg5[%dma_start3A_619] : memref<57600xf32, #tpu.memory_space<vmem>> -> memref<720xf32, #tpu.memory_space<vmem>>
    tpu.enqueue_dma source(%dma_start3A_620 : memref<720xf32, #tpu.memory_space<vmem>>) target(%dma_start3A_618 : memref<720xf32, #tpu.memory_space<hbm>>) target_semaphore(%arg6 : memref<!tpu.dma_semaphore, #tpu.memory_space<semaphore_mem>>)
    %add3A_621 = arith.constant 1751040 : i32
    %add3A_622 = arith.addi %add3A_621, %mul3A_2 : i32
    %dma_start3A_623 = arith.constant 54720 : i32
    %dma_start3A_624 = tpu.memref_slice %arg5[%dma_start3A_623] : memref<57600xf32, #tpu.memory_space<vmem>> -> memref<720xf32, #tpu.memory_space<vmem>>
    %dma_start3A_625 = tpu.memref_slice %arg3[%add3A_622] : memref<1843200xf32, #tpu.memory_space<hbm>> -> memref<720xf32, #tpu.memory_space<hbm>>
    %dma_start3A_626 = tpu.memref_slice %arg3[%add3A_622] : memref<1843200xf32, #tpu.memory_space<hbm>> -> memref<720xf32, #tpu.memory_space<hbm>>
    %dma_start3A_627 = arith.constant 54720 : i32
    %dma_start3A_628 = tpu.memref_slice %arg5[%dma_start3A_627] : memref<57600xf32, #tpu.memory_space<vmem>> -> memref<720xf32, #tpu.memory_space<vmem>>
    tpu.enqueue_dma source(%dma_start3A_628 : memref<720xf32, #tpu.memory_space<vmem>>) target(%dma_start3A_626 : memref<720xf32, #tpu.memory_space<hbm>>) target_semaphore(%arg6 : memref<!tpu.dma_semaphore, #tpu.memory_space<semaphore_mem>>)
    %add3A_629 = arith.constant 1774080 : i32
    %add3A_630 = arith.addi %add3A_629, %mul3A_2 : i32
    %dma_start3A_631 = arith.constant 55440 : i32
    %dma_start3A_632 = tpu.memref_slice %arg5[%dma_start3A_631] : memref<57600xf32, #tpu.memory_space<vmem>> -> memref<720xf32, #tpu.memory_space<vmem>>
    %dma_start3A_633 = tpu.memref_slice %arg3[%add3A_630] : memref<1843200xf32, #tpu.memory_space<hbm>> -> memref<720xf32, #tpu.memory_space<hbm>>
    %dma_start3A_634 = tpu.memref_slice %arg3[%add3A_630] : memref<1843200xf32, #tpu.memory_space<hbm>> -> memref<720xf32, #tpu.memory_space<hbm>>
    %dma_start3A_635 = arith.constant 55440 : i32
    %dma_start3A_636 = tpu.memref_slice %arg5[%dma_start3A_635] : memref<57600xf32, #tpu.memory_space<vmem>> -> memref<720xf32, #tpu.memory_space<vmem>>
    tpu.enqueue_dma source(%dma_start3A_636 : memref<720xf32, #tpu.memory_space<vmem>>) target(%dma_start3A_634 : memref<720xf32, #tpu.memory_space<hbm>>) target_semaphore(%arg6 : memref<!tpu.dma_semaphore, #tpu.memory_space<semaphore_mem>>)
    %add3A_637 = arith.constant 1797120 : i32
    %add3A_638 = arith.addi %add3A_637, %mul3A_2 : i32
    %dma_start3A_639 = arith.constant 56160 : i32
    %dma_start3A_640 = tpu.memref_slice %arg5[%dma_start3A_639] : memref<57600xf32, #tpu.memory_space<vmem>> -> memref<720xf32, #tpu.memory_space<vmem>>
    %dma_start3A_641 = tpu.memref_slice %arg3[%add3A_638] : memref<1843200xf32, #tpu.memory_space<hbm>> -> memref<720xf32, #tpu.memory_space<hbm>>
    %dma_start3A_642 = tpu.memref_slice %arg3[%add3A_638] : memref<1843200xf32, #tpu.memory_space<hbm>> -> memref<720xf32, #tpu.memory_space<hbm>>
    %dma_start3A_643 = arith.constant 56160 : i32
    %dma_start3A_644 = tpu.memref_slice %arg5[%dma_start3A_643] : memref<57600xf32, #tpu.memory_space<vmem>> -> memref<720xf32, #tpu.memory_space<vmem>>
    tpu.enqueue_dma source(%dma_start3A_644 : memref<720xf32, #tpu.memory_space<vmem>>) target(%dma_start3A_642 : memref<720xf32, #tpu.memory_space<hbm>>) target_semaphore(%arg6 : memref<!tpu.dma_semaphore, #tpu.memory_space<semaphore_mem>>)
    %add3A_645 = arith.constant 1820160 : i32
    %add3A_646 = arith.addi %add3A_645, %mul3A_2 : i32
    %dma_start3A_647 = arith.constant 56880 : i32
    %dma_start3A_648 = tpu.memref_slice %arg5[%dma_start3A_647] : memref<57600xf32, #tpu.memory_space<vmem>> -> memref<720xf32, #tpu.memory_space<vmem>>
    %dma_start3A_649 = tpu.memref_slice %arg3[%add3A_646] : memref<1843200xf32, #tpu.memory_space<hbm>> -> memref<720xf32, #tpu.memory_space<hbm>>
    %dma_start3A_650 = tpu.memref_slice %arg3[%add3A_646] : memref<1843200xf32, #tpu.memory_space<hbm>> -> memref<720xf32, #tpu.memory_space<hbm>>
    %dma_start3A_651 = arith.constant 56880 : i32
    %dma_start3A_652 = tpu.memref_slice %arg5[%dma_start3A_651] : memref<57600xf32, #tpu.memory_space<vmem>> -> memref<720xf32, #tpu.memory_space<vmem>>
    tpu.enqueue_dma source(%dma_start3A_652 : memref<720xf32, #tpu.memory_space<vmem>>) target(%dma_start3A_650 : memref<720xf32, #tpu.memory_space<hbm>>) target_semaphore(%arg6 : memref<!tpu.dma_semaphore, #tpu.memory_space<semaphore_mem>>)
    %dma_wait3A = arith.constant 0 : i32
    %dma_wait3A_653 = tpu.memref_slice %arg5[%dma_wait3A] : memref<57600xf32, #tpu.memory_space<vmem>> -> memref<720xf32, #tpu.memory_space<vmem>>
    %dma_wait3A_654 = tpu.memref_slice %arg3[%add3A_15] : memref<1843200xf32, #tpu.memory_space<hbm>> -> memref<720xf32, #tpu.memory_space<hbm>>
    %dma_wait3A_655 = tpu.memref_slice %arg3[%add3A_15] : memref<1843200xf32, #tpu.memory_space<hbm>> -> memref<720xf32, #tpu.memory_space<hbm>>
    %dma_wait3A_656 = arith.constant 0 : i32
    %dma_wait3A_657 = tpu.memref_slice %arg5[%dma_wait3A_656] : memref<57600xf32, #tpu.memory_space<vmem>> -> memref<720xf32, #tpu.memory_space<vmem>>
    tpu.wait_dma2 semaphore(%arg6 : memref<!tpu.dma_semaphore, #tpu.memory_space<semaphore_mem>>) src(%dma_wait3A_657 : memref<720xf32, #tpu.memory_space<vmem>>) dst(%dma_wait3A_655 : memref<720xf32, #tpu.memory_space<hbm>>)
    %dma_wait3A_658 = arith.constant 720 : i32
    %dma_wait3A_659 = tpu.memref_slice %arg5[%dma_wait3A_658] : memref<57600xf32, #tpu.memory_space<vmem>> -> memref<720xf32, #tpu.memory_space<vmem>>
    %dma_wait3A_660 = tpu.memref_slice %arg3[%add3A_22] : memref<1843200xf32, #tpu.memory_space<hbm>> -> memref<720xf32, #tpu.memory_space<hbm>>
    %dma_wait3A_661 = tpu.memref_slice %arg3[%add3A_22] : memref<1843200xf32, #tpu.memory_space<hbm>> -> memref<720xf32, #tpu.memory_space<hbm>>
    %dma_wait3A_662 = arith.constant 720 : i32
    %dma_wait3A_663 = tpu.memref_slice %arg5[%dma_wait3A_662] : memref<57600xf32, #tpu.memory_space<vmem>> -> memref<720xf32, #tpu.memory_space<vmem>>
    tpu.wait_dma2 semaphore(%arg6 : memref<!tpu.dma_semaphore, #tpu.memory_space<semaphore_mem>>) src(%dma_wait3A_663 : memref<720xf32, #tpu.memory_space<vmem>>) dst(%dma_wait3A_661 : memref<720xf32, #tpu.memory_space<hbm>>)
    %dma_wait3A_664 = arith.constant 1440 : i32
    %dma_wait3A_665 = tpu.memref_slice %arg5[%dma_wait3A_664] : memref<57600xf32, #tpu.memory_space<vmem>> -> memref<720xf32, #tpu.memory_space<vmem>>
    %dma_wait3A_666 = tpu.memref_slice %arg3[%add3A_30] : memref<1843200xf32, #tpu.memory_space<hbm>> -> memref<720xf32, #tpu.memory_space<hbm>>
    %dma_wait3A_667 = tpu.memref_slice %arg3[%add3A_30] : memref<1843200xf32, #tpu.memory_space<hbm>> -> memref<720xf32, #tpu.memory_space<hbm>>
    %dma_wait3A_668 = arith.constant 1440 : i32
    %dma_wait3A_669 = tpu.memref_slice %arg5[%dma_wait3A_668] : memref<57600xf32, #tpu.memory_space<vmem>> -> memref<720xf32, #tpu.memory_space<vmem>>
    tpu.wait_dma2 semaphore(%arg6 : memref<!tpu.dma_semaphore, #tpu.memory_space<semaphore_mem>>) src(%dma_wait3A_669 : memref<720xf32, #tpu.memory_space<vmem>>) dst(%dma_wait3A_667 : memref<720xf32, #tpu.memory_space<hbm>>)
    %dma_wait3A_670 = arith.constant 2160 : i32
    %dma_wait3A_671 = tpu.memref_slice %arg5[%dma_wait3A_670] : memref<57600xf32, #tpu.memory_space<vmem>> -> memref<720xf32, #tpu.memory_space<vmem>>
    %dma_wait3A_672 = tpu.memref_slice %arg3[%add3A_38] : memref<1843200xf32, #tpu.memory_space<hbm>> -> memref<720xf32, #tpu.memory_space<hbm>>
    %dma_wait3A_673 = tpu.memref_slice %arg3[%add3A_38] : memref<1843200xf32, #tpu.memory_space<hbm>> -> memref<720xf32, #tpu.memory_space<hbm>>
    %dma_wait3A_674 = arith.constant 2160 : i32
    %dma_wait3A_675 = tpu.memref_slice %arg5[%dma_wait3A_674] : memref<57600xf32, #tpu.memory_space<vmem>> -> memref<720xf32, #tpu.memory_space<vmem>>
    tpu.wait_dma2 semaphore(%arg6 : memref<!tpu.dma_semaphore, #tpu.memory_space<semaphore_mem>>) src(%dma_wait3A_675 : memref<720xf32, #tpu.memory_space<vmem>>) dst(%dma_wait3A_673 : memref<720xf32, #tpu.memory_space<hbm>>)
    %dma_wait3A_676 = arith.constant 2880 : i32
    %dma_wait3A_677 = tpu.memref_slice %arg5[%dma_wait3A_676] : memref<57600xf32, #tpu.memory_space<vmem>> -> memref<720xf32, #tpu.memory_space<vmem>>
    %dma_wait3A_678 = tpu.memref_slice %arg3[%add3A_46] : memref<1843200xf32, #tpu.memory_space<hbm>> -> memref<720xf32, #tpu.memory_space<hbm>>
    %dma_wait3A_679 = tpu.memref_slice %arg3[%add3A_46] : memref<1843200xf32, #tpu.memory_space<hbm>> -> memref<720xf32, #tpu.memory_space<hbm>>
    %dma_wait3A_680 = arith.constant 2880 : i32
    %dma_wait3A_681 = tpu.memref_slice %arg5[%dma_wait3A_680] : memref<57600xf32, #tpu.memory_space<vmem>> -> memref<720xf32, #tpu.memory_space<vmem>>
    tpu.wait_dma2 semaphore(%arg6 : memref<!tpu.dma_semaphore, #tpu.memory_space<semaphore_mem>>) src(%dma_wait3A_681 : memref<720xf32, #tpu.memory_space<vmem>>) dst(%dma_wait3A_679 : memref<720xf32, #tpu.memory_space<hbm>>)
    %dma_wait3A_682 = arith.constant 3600 : i32
    %dma_wait3A_683 = tpu.memref_slice %arg5[%dma_wait3A_682] : memref<57600xf32, #tpu.memory_space<vmem>> -> memref<720xf32, #tpu.memory_space<vmem>>
    %dma_wait3A_684 = tpu.memref_slice %arg3[%add3A_54] : memref<1843200xf32, #tpu.memory_space<hbm>> -> memref<720xf32, #tpu.memory_space<hbm>>
    %dma_wait3A_685 = tpu.memref_slice %arg3[%add3A_54] : memref<1843200xf32, #tpu.memory_space<hbm>> -> memref<720xf32, #tpu.memory_space<hbm>>
    %dma_wait3A_686 = arith.constant 3600 : i32
    %dma_wait3A_687 = tpu.memref_slice %arg5[%dma_wait3A_686] : memref<57600xf32, #tpu.memory_space<vmem>> -> memref<720xf32, #tpu.memory_space<vmem>>
    tpu.wait_dma2 semaphore(%arg6 : memref<!tpu.dma_semaphore, #tpu.memory_space<semaphore_mem>>) src(%dma_wait3A_687 : memref<720xf32, #tpu.memory_space<vmem>>) dst(%dma_wait3A_685 : memref<720xf32, #tpu.memory_space<hbm>>)
    %dma_wait3A_688 = arith.constant 4320 : i32
    %dma_wait3A_689 = tpu.memref_slice %arg5[%dma_wait3A_688] : memref<57600xf32, #tpu.memory_space<vmem>> -> memref<720xf32, #tpu.memory_space<vmem>>
    %dma_wait3A_690 = tpu.memref_slice %arg3[%add3A_62] : memref<1843200xf32, #tpu.memory_space<hbm>> -> memref<720xf32, #tpu.memory_space<hbm>>
    %dma_wait3A_691 = tpu.memref_slice %arg3[%add3A_62] : memref<1843200xf32, #tpu.memory_space<hbm>> -> memref<720xf32, #tpu.memory_space<hbm>>
    %dma_wait3A_692 = arith.constant 4320 : i32
    %dma_wait3A_693 = tpu.memref_slice %arg5[%dma_wait3A_692] : memref<57600xf32, #tpu.memory_space<vmem>> -> memref<720xf32, #tpu.memory_space<vmem>>
    tpu.wait_dma2 semaphore(%arg6 : memref<!tpu.dma_semaphore, #tpu.memory_space<semaphore_mem>>) src(%dma_wait3A_693 : memref<720xf32, #tpu.memory_space<vmem>>) dst(%dma_wait3A_691 : memref<720xf32, #tpu.memory_space<hbm>>)
    %dma_wait3A_694 = arith.constant 5040 : i32
    %dma_wait3A_695 = tpu.memref_slice %arg5[%dma_wait3A_694] : memref<57600xf32, #tpu.memory_space<vmem>> -> memref<720xf32, #tpu.memory_space<vmem>>
    %dma_wait3A_696 = tpu.memref_slice %arg3[%add3A_70] : memref<1843200xf32, #tpu.memory_space<hbm>> -> memref<720xf32, #tpu.memory_space<hbm>>
    %dma_wait3A_697 = tpu.memref_slice %arg3[%add3A_70] : memref<1843200xf32, #tpu.memory_space<hbm>> -> memref<720xf32, #tpu.memory_space<hbm>>
    %dma_wait3A_698 = arith.constant 5040 : i32
    %dma_wait3A_699 = tpu.memref_slice %arg5[%dma_wait3A_698] : memref<57600xf32, #tpu.memory_space<vmem>> -> memref<720xf32, #tpu.memory_space<vmem>>
    tpu.wait_dma2 semaphore(%arg6 : memref<!tpu.dma_semaphore, #tpu.memory_space<semaphore_mem>>) src(%dma_wait3A_699 : memref<720xf32, #tpu.memory_space<vmem>>) dst(%dma_wait3A_697 : memref<720xf32, #tpu.memory_space<hbm>>)
    %dma_wait3A_700 = arith.constant 5760 : i32
    %dma_wait3A_701 = tpu.memref_slice %arg5[%dma_wait3A_700] : memref<57600xf32, #tpu.memory_space<vmem>> -> memref<720xf32, #tpu.memory_space<vmem>>
    %dma_wait3A_702 = tpu.memref_slice %arg3[%add3A_78] : memref<1843200xf32, #tpu.memory_space<hbm>> -> memref<720xf32, #tpu.memory_space<hbm>>
    %dma_wait3A_703 = tpu.memref_slice %arg3[%add3A_78] : memref<1843200xf32, #tpu.memory_space<hbm>> -> memref<720xf32, #tpu.memory_space<hbm>>
    %dma_wait3A_704 = arith.constant 5760 : i32
    %dma_wait3A_705 = tpu.memref_slice %arg5[%dma_wait3A_704] : memref<57600xf32, #tpu.memory_space<vmem>> -> memref<720xf32, #tpu.memory_space<vmem>>
    tpu.wait_dma2 semaphore(%arg6 : memref<!tpu.dma_semaphore, #tpu.memory_space<semaphore_mem>>) src(%dma_wait3A_705 : memref<720xf32, #tpu.memory_space<vmem>>) dst(%dma_wait3A_703 : memref<720xf32, #tpu.memory_space<hbm>>)
    %dma_wait3A_706 = arith.constant 6480 : i32
    %dma_wait3A_707 = tpu.memref_slice %arg5[%dma_wait3A_706] : memref<57600xf32, #tpu.memory_space<vmem>> -> memref<720xf32, #tpu.memory_space<vmem>>
    %dma_wait3A_708 = tpu.memref_slice %arg3[%add3A_86] : memref<1843200xf32, #tpu.memory_space<hbm>> -> memref<720xf32, #tpu.memory_space<hbm>>
    %dma_wait3A_709 = tpu.memref_slice %arg3[%add3A_86] : memref<1843200xf32, #tpu.memory_space<hbm>> -> memref<720xf32, #tpu.memory_space<hbm>>
    %dma_wait3A_710 = arith.constant 6480 : i32
    %dma_wait3A_711 = tpu.memref_slice %arg5[%dma_wait3A_710] : memref<57600xf32, #tpu.memory_space<vmem>> -> memref<720xf32, #tpu.memory_space<vmem>>
    tpu.wait_dma2 semaphore(%arg6 : memref<!tpu.dma_semaphore, #tpu.memory_space<semaphore_mem>>) src(%dma_wait3A_711 : memref<720xf32, #tpu.memory_space<vmem>>) dst(%dma_wait3A_709 : memref<720xf32, #tpu.memory_space<hbm>>)
    %dma_wait3A_712 = arith.constant 7200 : i32
    %dma_wait3A_713 = tpu.memref_slice %arg5[%dma_wait3A_712] : memref<57600xf32, #tpu.memory_space<vmem>> -> memref<720xf32, #tpu.memory_space<vmem>>
    %dma_wait3A_714 = tpu.memref_slice %arg3[%add3A_94] : memref<1843200xf32, #tpu.memory_space<hbm>> -> memref<720xf32, #tpu.memory_space<hbm>>
    %dma_wait3A_715 = tpu.memref_slice %arg3[%add3A_94] : memref<1843200xf32, #tpu.memory_space<hbm>> -> memref<720xf32, #tpu.memory_space<hbm>>
    %dma_wait3A_716 = arith.constant 7200 : i32
    %dma_wait3A_717 = tpu.memref_slice %arg5[%dma_wait3A_716] : memref<57600xf32, #tpu.memory_space<vmem>> -> memref<720xf32, #tpu.memory_space<vmem>>
    tpu.wait_dma2 semaphore(%arg6 : memref<!tpu.dma_semaphore, #tpu.memory_space<semaphore_mem>>) src(%dma_wait3A_717 : memref<720xf32, #tpu.memory_space<vmem>>) dst(%dma_wait3A_715 : memref<720xf32, #tpu.memory_space<hbm>>)
    %dma_wait3A_718 = arith.constant 7920 : i32
    %dma_wait3A_719 = tpu.memref_slice %arg5[%dma_wait3A_718] : memref<57600xf32, #tpu.memory_space<vmem>> -> memref<720xf32, #tpu.memory_space<vmem>>
    %dma_wait3A_720 = tpu.memref_slice %arg3[%add3A_102] : memref<1843200xf32, #tpu.memory_space<hbm>> -> memref<720xf32, #tpu.memory_space<hbm>>
    %dma_wait3A_721 = tpu.memref_slice %arg3[%add3A_102] : memref<1843200xf32, #tpu.memory_space<hbm>> -> memref<720xf32, #tpu.memory_space<hbm>>
    %dma_wait3A_722 = arith.constant 7920 : i32
    %dma_wait3A_723 = tpu.memref_slice %arg5[%dma_wait3A_722] : memref<57600xf32, #tpu.memory_space<vmem>> -> memref<720xf32, #tpu.memory_space<vmem>>
    tpu.wait_dma2 semaphore(%arg6 : memref<!tpu.dma_semaphore, #tpu.memory_space<semaphore_mem>>) src(%dma_wait3A_723 : memref<720xf32, #tpu.memory_space<vmem>>) dst(%dma_wait3A_721 : memref<720xf32, #tpu.memory_space<hbm>>)
    %dma_wait3A_724 = arith.constant 8640 : i32
    %dma_wait3A_725 = tpu.memref_slice %arg5[%dma_wait3A_724] : memref<57600xf32, #tpu.memory_space<vmem>> -> memref<720xf32, #tpu.memory_space<vmem>>
    %dma_wait3A_726 = tpu.memref_slice %arg3[%add3A_110] : memref<1843200xf32, #tpu.memory_space<hbm>> -> memref<720xf32, #tpu.memory_space<hbm>>
    %dma_wait3A_727 = tpu.memref_slice %arg3[%add3A_110] : memref<1843200xf32, #tpu.memory_space<hbm>> -> memref<720xf32, #tpu.memory_space<hbm>>
    %dma_wait3A_728 = arith.constant 8640 : i32
    %dma_wait3A_729 = tpu.memref_slice %arg5[%dma_wait3A_728] : memref<57600xf32, #tpu.memory_space<vmem>> -> memref<720xf32, #tpu.memory_space<vmem>>
    tpu.wait_dma2 semaphore(%arg6 : memref<!tpu.dma_semaphore, #tpu.memory_space<semaphore_mem>>) src(%dma_wait3A_729 : memref<720xf32, #tpu.memory_space<vmem>>) dst(%dma_wait3A_727 : memref<720xf32, #tpu.memory_space<hbm>>)
    %dma_wait3A_730 = arith.constant 9360 : i32
    %dma_wait3A_731 = tpu.memref_slice %arg5[%dma_wait3A_730] : memref<57600xf32, #tpu.memory_space<vmem>> -> memref<720xf32, #tpu.memory_space<vmem>>
    %dma_wait3A_732 = tpu.memref_slice %arg3[%add3A_118] : memref<1843200xf32, #tpu.memory_space<hbm>> -> memref<720xf32, #tpu.memory_space<hbm>>
    %dma_wait3A_733 = tpu.memref_slice %arg3[%add3A_118] : memref<1843200xf32, #tpu.memory_space<hbm>> -> memref<720xf32, #tpu.memory_space<hbm>>
    %dma_wait3A_734 = arith.constant 9360 : i32
    %dma_wait3A_735 = tpu.memref_slice %arg5[%dma_wait3A_734] : memref<57600xf32, #tpu.memory_space<vmem>> -> memref<720xf32, #tpu.memory_space<vmem>>
    tpu.wait_dma2 semaphore(%arg6 : memref<!tpu.dma_semaphore, #tpu.memory_space<semaphore_mem>>) src(%dma_wait3A_735 : memref<720xf32, #tpu.memory_space<vmem>>) dst(%dma_wait3A_733 : memref<720xf32, #tpu.memory_space<hbm>>)
    %dma_wait3A_736 = arith.constant 10080 : i32
    %dma_wait3A_737 = tpu.memref_slice %arg5[%dma_wait3A_736] : memref<57600xf32, #tpu.memory_space<vmem>> -> memref<720xf32, #tpu.memory_space<vmem>>
    %dma_wait3A_738 = tpu.memref_slice %arg3[%add3A_126] : memref<1843200xf32, #tpu.memory_space<hbm>> -> memref<720xf32, #tpu.memory_space<hbm>>
    %dma_wait3A_739 = tpu.memref_slice %arg3[%add3A_126] : memref<1843200xf32, #tpu.memory_space<hbm>> -> memref<720xf32, #tpu.memory_space<hbm>>
    %dma_wait3A_740 = arith.constant 10080 : i32
    %dma_wait3A_741 = tpu.memref_slice %arg5[%dma_wait3A_740] : memref<57600xf32, #tpu.memory_space<vmem>> -> memref<720xf32, #tpu.memory_space<vmem>>
    tpu.wait_dma2 semaphore(%arg6 : memref<!tpu.dma_semaphore, #tpu.memory_space<semaphore_mem>>) src(%dma_wait3A_741 : memref<720xf32, #tpu.memory_space<vmem>>) dst(%dma_wait3A_739 : memref<720xf32, #tpu.memory_space<hbm>>)
    %dma_wait3A_742 = arith.constant 10800 : i32
    %dma_wait3A_743 = tpu.memref_slice %arg5[%dma_wait3A_742] : memref<57600xf32, #tpu.memory_space<vmem>> -> memref<720xf32, #tpu.memory_space<vmem>>
    %dma_wait3A_744 = tpu.memref_slice %arg3[%add3A_134] : memref<1843200xf32, #tpu.memory_space<hbm>> -> memref<720xf32, #tpu.memory_space<hbm>>
    %dma_wait3A_745 = tpu.memref_slice %arg3[%add3A_134] : memref<1843200xf32, #tpu.memory_space<hbm>> -> memref<720xf32, #tpu.memory_space<hbm>>
    %dma_wait3A_746 = arith.constant 10800 : i32
    %dma_wait3A_747 = tpu.memref_slice %arg5[%dma_wait3A_746] : memref<57600xf32, #tpu.memory_space<vmem>> -> memref<720xf32, #tpu.memory_space<vmem>>
    tpu.wait_dma2 semaphore(%arg6 : memref<!tpu.dma_semaphore, #tpu.memory_space<semaphore_mem>>) src(%dma_wait3A_747 : memref<720xf32, #tpu.memory_space<vmem>>) dst(%dma_wait3A_745 : memref<720xf32, #tpu.memory_space<hbm>>)
    %dma_wait3A_748 = arith.constant 11520 : i32
    %dma_wait3A_749 = tpu.memref_slice %arg5[%dma_wait3A_748] : memref<57600xf32, #tpu.memory_space<vmem>> -> memref<720xf32, #tpu.memory_space<vmem>>
    %dma_wait3A_750 = tpu.memref_slice %arg3[%add3A_142] : memref<1843200xf32, #tpu.memory_space<hbm>> -> memref<720xf32, #tpu.memory_space<hbm>>
    %dma_wait3A_751 = tpu.memref_slice %arg3[%add3A_142] : memref<1843200xf32, #tpu.memory_space<hbm>> -> memref<720xf32, #tpu.memory_space<hbm>>
    %dma_wait3A_752 = arith.constant 11520 : i32
    %dma_wait3A_753 = tpu.memref_slice %arg5[%dma_wait3A_752] : memref<57600xf32, #tpu.memory_space<vmem>> -> memref<720xf32, #tpu.memory_space<vmem>>
    tpu.wait_dma2 semaphore(%arg6 : memref<!tpu.dma_semaphore, #tpu.memory_space<semaphore_mem>>) src(%dma_wait3A_753 : memref<720xf32, #tpu.memory_space<vmem>>) dst(%dma_wait3A_751 : memref<720xf32, #tpu.memory_space<hbm>>)
    %dma_wait3A_754 = arith.constant 12240 : i32
    %dma_wait3A_755 = tpu.memref_slice %arg5[%dma_wait3A_754] : memref<57600xf32, #tpu.memory_space<vmem>> -> memref<720xf32, #tpu.memory_space<vmem>>
    %dma_wait3A_756 = tpu.memref_slice %arg3[%add3A_150] : memref<1843200xf32, #tpu.memory_space<hbm>> -> memref<720xf32, #tpu.memory_space<hbm>>
    %dma_wait3A_757 = tpu.memref_slice %arg3[%add3A_150] : memref<1843200xf32, #tpu.memory_space<hbm>> -> memref<720xf32, #tpu.memory_space<hbm>>
    %dma_wait3A_758 = arith.constant 12240 : i32
    %dma_wait3A_759 = tpu.memref_slice %arg5[%dma_wait3A_758] : memref<57600xf32, #tpu.memory_space<vmem>> -> memref<720xf32, #tpu.memory_space<vmem>>
    tpu.wait_dma2 semaphore(%arg6 : memref<!tpu.dma_semaphore, #tpu.memory_space<semaphore_mem>>) src(%dma_wait3A_759 : memref<720xf32, #tpu.memory_space<vmem>>) dst(%dma_wait3A_757 : memref<720xf32, #tpu.memory_space<hbm>>)
    %dma_wait3A_760 = arith.constant 12960 : i32
    %dma_wait3A_761 = tpu.memref_slice %arg5[%dma_wait3A_760] : memref<57600xf32, #tpu.memory_space<vmem>> -> memref<720xf32, #tpu.memory_space<vmem>>
    %dma_wait3A_762 = tpu.memref_slice %arg3[%add3A_158] : memref<1843200xf32, #tpu.memory_space<hbm>> -> memref<720xf32, #tpu.memory_space<hbm>>
    %dma_wait3A_763 = tpu.memref_slice %arg3[%add3A_158] : memref<1843200xf32, #tpu.memory_space<hbm>> -> memref<720xf32, #tpu.memory_space<hbm>>
    %dma_wait3A_764 = arith.constant 12960 : i32
    %dma_wait3A_765 = tpu.memref_slice %arg5[%dma_wait3A_764] : memref<57600xf32, #tpu.memory_space<vmem>> -> memref<720xf32, #tpu.memory_space<vmem>>
    tpu.wait_dma2 semaphore(%arg6 : memref<!tpu.dma_semaphore, #tpu.memory_space<semaphore_mem>>) src(%dma_wait3A_765 : memref<720xf32, #tpu.memory_space<vmem>>) dst(%dma_wait3A_763 : memref<720xf32, #tpu.memory_space<hbm>>)
    %dma_wait3A_766 = arith.constant 13680 : i32
    %dma_wait3A_767 = tpu.memref_slice %arg5[%dma_wait3A_766] : memref<57600xf32, #tpu.memory_space<vmem>> -> memref<720xf32, #tpu.memory_space<vmem>>
    %dma_wait3A_768 = tpu.memref_slice %arg3[%add3A_166] : memref<1843200xf32, #tpu.memory_space<hbm>> -> memref<720xf32, #tpu.memory_space<hbm>>
    %dma_wait3A_769 = tpu.memref_slice %arg3[%add3A_166] : memref<1843200xf32, #tpu.memory_space<hbm>> -> memref<720xf32, #tpu.memory_space<hbm>>
    %dma_wait3A_770 = arith.constant 13680 : i32
    %dma_wait3A_771 = tpu.memref_slice %arg5[%dma_wait3A_770] : memref<57600xf32, #tpu.memory_space<vmem>> -> memref<720xf32, #tpu.memory_space<vmem>>
    tpu.wait_dma2 semaphore(%arg6 : memref<!tpu.dma_semaphore, #tpu.memory_space<semaphore_mem>>) src(%dma_wait3A_771 : memref<720xf32, #tpu.memory_space<vmem>>) dst(%dma_wait3A_769 : memref<720xf32, #tpu.memory_space<hbm>>)
    %dma_wait3A_772 = arith.constant 14400 : i32
    %dma_wait3A_773 = tpu.memref_slice %arg5[%dma_wait3A_772] : memref<57600xf32, #tpu.memory_space<vmem>> -> memref<720xf32, #tpu.memory_space<vmem>>
    %dma_wait3A_774 = tpu.memref_slice %arg3[%add3A_174] : memref<1843200xf32, #tpu.memory_space<hbm>> -> memref<720xf32, #tpu.memory_space<hbm>>
    %dma_wait3A_775 = tpu.memref_slice %arg3[%add3A_174] : memref<1843200xf32, #tpu.memory_space<hbm>> -> memref<720xf32, #tpu.memory_space<hbm>>
    %dma_wait3A_776 = arith.constant 14400 : i32
    %dma_wait3A_777 = tpu.memref_slice %arg5[%dma_wait3A_776] : memref<57600xf32, #tpu.memory_space<vmem>> -> memref<720xf32, #tpu.memory_space<vmem>>
    tpu.wait_dma2 semaphore(%arg6 : memref<!tpu.dma_semaphore, #tpu.memory_space<semaphore_mem>>) src(%dma_wait3A_777 : memref<720xf32, #tpu.memory_space<vmem>>) dst(%dma_wait3A_775 : memref<720xf32, #tpu.memory_space<hbm>>)
    %dma_wait3A_778 = arith.constant 15120 : i32
    %dma_wait3A_779 = tpu.memref_slice %arg5[%dma_wait3A_778] : memref<57600xf32, #tpu.memory_space<vmem>> -> memref<720xf32, #tpu.memory_space<vmem>>
    %dma_wait3A_780 = tpu.memref_slice %arg3[%add3A_182] : memref<1843200xf32, #tpu.memory_space<hbm>> -> memref<720xf32, #tpu.memory_space<hbm>>
    %dma_wait3A_781 = tpu.memref_slice %arg3[%add3A_182] : memref<1843200xf32, #tpu.memory_space<hbm>> -> memref<720xf32, #tpu.memory_space<hbm>>
    %dma_wait3A_782 = arith.constant 15120 : i32
    %dma_wait3A_783 = tpu.memref_slice %arg5[%dma_wait3A_782] : memref<57600xf32, #tpu.memory_space<vmem>> -> memref<720xf32, #tpu.memory_space<vmem>>
    tpu.wait_dma2 semaphore(%arg6 : memref<!tpu.dma_semaphore, #tpu.memory_space<semaphore_mem>>) src(%dma_wait3A_783 : memref<720xf32, #tpu.memory_space<vmem>>) dst(%dma_wait3A_781 : memref<720xf32, #tpu.memory_space<hbm>>)
    %dma_wait3A_784 = arith.constant 15840 : i32
    %dma_wait3A_785 = tpu.memref_slice %arg5[%dma_wait3A_784] : memref<57600xf32, #tpu.memory_space<vmem>> -> memref<720xf32, #tpu.memory_space<vmem>>
    %dma_wait3A_786 = tpu.memref_slice %arg3[%add3A_190] : memref<1843200xf32, #tpu.memory_space<hbm>> -> memref<720xf32, #tpu.memory_space<hbm>>
    %dma_wait3A_787 = tpu.memref_slice %arg3[%add3A_190] : memref<1843200xf32, #tpu.memory_space<hbm>> -> memref<720xf32, #tpu.memory_space<hbm>>
    %dma_wait3A_788 = arith.constant 15840 : i32
    %dma_wait3A_789 = tpu.memref_slice %arg5[%dma_wait3A_788] : memref<57600xf32, #tpu.memory_space<vmem>> -> memref<720xf32, #tpu.memory_space<vmem>>
    tpu.wait_dma2 semaphore(%arg6 : memref<!tpu.dma_semaphore, #tpu.memory_space<semaphore_mem>>) src(%dma_wait3A_789 : memref<720xf32, #tpu.memory_space<vmem>>) dst(%dma_wait3A_787 : memref<720xf32, #tpu.memory_space<hbm>>)
    %dma_wait3A_790 = arith.constant 16560 : i32
    %dma_wait3A_791 = tpu.memref_slice %arg5[%dma_wait3A_790] : memref<57600xf32, #tpu.memory_space<vmem>> -> memref<720xf32, #tpu.memory_space<vmem>>
    %dma_wait3A_792 = tpu.memref_slice %arg3[%add3A_198] : memref<1843200xf32, #tpu.memory_space<hbm>> -> memref<720xf32, #tpu.memory_space<hbm>>
    %dma_wait3A_793 = tpu.memref_slice %arg3[%add3A_198] : memref<1843200xf32, #tpu.memory_space<hbm>> -> memref<720xf32, #tpu.memory_space<hbm>>
    %dma_wait3A_794 = arith.constant 16560 : i32
    %dma_wait3A_795 = tpu.memref_slice %arg5[%dma_wait3A_794] : memref<57600xf32, #tpu.memory_space<vmem>> -> memref<720xf32, #tpu.memory_space<vmem>>
    tpu.wait_dma2 semaphore(%arg6 : memref<!tpu.dma_semaphore, #tpu.memory_space<semaphore_mem>>) src(%dma_wait3A_795 : memref<720xf32, #tpu.memory_space<vmem>>) dst(%dma_wait3A_793 : memref<720xf32, #tpu.memory_space<hbm>>)
    %dma_wait3A_796 = arith.constant 17280 : i32
    %dma_wait3A_797 = tpu.memref_slice %arg5[%dma_wait3A_796] : memref<57600xf32, #tpu.memory_space<vmem>> -> memref<720xf32, #tpu.memory_space<vmem>>
    %dma_wait3A_798 = tpu.memref_slice %arg3[%add3A_206] : memref<1843200xf32, #tpu.memory_space<hbm>> -> memref<720xf32, #tpu.memory_space<hbm>>
    %dma_wait3A_799 = tpu.memref_slice %arg3[%add3A_206] : memref<1843200xf32, #tpu.memory_space<hbm>> -> memref<720xf32, #tpu.memory_space<hbm>>
    %dma_wait3A_800 = arith.constant 17280 : i32
    %dma_wait3A_801 = tpu.memref_slice %arg5[%dma_wait3A_800] : memref<57600xf32, #tpu.memory_space<vmem>> -> memref<720xf32, #tpu.memory_space<vmem>>
    tpu.wait_dma2 semaphore(%arg6 : memref<!tpu.dma_semaphore, #tpu.memory_space<semaphore_mem>>) src(%dma_wait3A_801 : memref<720xf32, #tpu.memory_space<vmem>>) dst(%dma_wait3A_799 : memref<720xf32, #tpu.memory_space<hbm>>)
    %dma_wait3A_802 = arith.constant 18000 : i32
    %dma_wait3A_803 = tpu.memref_slice %arg5[%dma_wait3A_802] : memref<57600xf32, #tpu.memory_space<vmem>> -> memref<720xf32, #tpu.memory_space<vmem>>
    %dma_wait3A_804 = tpu.memref_slice %arg3[%add3A_214] : memref<1843200xf32, #tpu.memory_space<hbm>> -> memref<720xf32, #tpu.memory_space<hbm>>
    %dma_wait3A_805 = tpu.memref_slice %arg3[%add3A_214] : memref<1843200xf32, #tpu.memory_space<hbm>> -> memref<720xf32, #tpu.memory_space<hbm>>
    %dma_wait3A_806 = arith.constant 18000 : i32
    %dma_wait3A_807 = tpu.memref_slice %arg5[%dma_wait3A_806] : memref<57600xf32, #tpu.memory_space<vmem>> -> memref<720xf32, #tpu.memory_space<vmem>>
    tpu.wait_dma2 semaphore(%arg6 : memref<!tpu.dma_semaphore, #tpu.memory_space<semaphore_mem>>) src(%dma_wait3A_807 : memref<720xf32, #tpu.memory_space<vmem>>) dst(%dma_wait3A_805 : memref<720xf32, #tpu.memory_space<hbm>>)
    %dma_wait3A_808 = arith.constant 18720 : i32
    %dma_wait3A_809 = tpu.memref_slice %arg5[%dma_wait3A_808] : memref<57600xf32, #tpu.memory_space<vmem>> -> memref<720xf32, #tpu.memory_space<vmem>>
    %dma_wait3A_810 = tpu.memref_slice %arg3[%add3A_222] : memref<1843200xf32, #tpu.memory_space<hbm>> -> memref<720xf32, #tpu.memory_space<hbm>>
    %dma_wait3A_811 = tpu.memref_slice %arg3[%add3A_222] : memref<1843200xf32, #tpu.memory_space<hbm>> -> memref<720xf32, #tpu.memory_space<hbm>>
    %dma_wait3A_812 = arith.constant 18720 : i32
    %dma_wait3A_813 = tpu.memref_slice %arg5[%dma_wait3A_812] : memref<57600xf32, #tpu.memory_space<vmem>> -> memref<720xf32, #tpu.memory_space<vmem>>
    tpu.wait_dma2 semaphore(%arg6 : memref<!tpu.dma_semaphore, #tpu.memory_space<semaphore_mem>>) src(%dma_wait3A_813 : memref<720xf32, #tpu.memory_space<vmem>>) dst(%dma_wait3A_811 : memref<720xf32, #tpu.memory_space<hbm>>)
    %dma_wait3A_814 = arith.constant 19440 : i32
    %dma_wait3A_815 = tpu.memref_slice %arg5[%dma_wait3A_814] : memref<57600xf32, #tpu.memory_space<vmem>> -> memref<720xf32, #tpu.memory_space<vmem>>
    %dma_wait3A_816 = tpu.memref_slice %arg3[%add3A_230] : memref<1843200xf32, #tpu.memory_space<hbm>> -> memref<720xf32, #tpu.memory_space<hbm>>
    %dma_wait3A_817 = tpu.memref_slice %arg3[%add3A_230] : memref<1843200xf32, #tpu.memory_space<hbm>> -> memref<720xf32, #tpu.memory_space<hbm>>
    %dma_wait3A_818 = arith.constant 19440 : i32
    %dma_wait3A_819 = tpu.memref_slice %arg5[%dma_wait3A_818] : memref<57600xf32, #tpu.memory_space<vmem>> -> memref<720xf32, #tpu.memory_space<vmem>>
    tpu.wait_dma2 semaphore(%arg6 : memref<!tpu.dma_semaphore, #tpu.memory_space<semaphore_mem>>) src(%dma_wait3A_819 : memref<720xf32, #tpu.memory_space<vmem>>) dst(%dma_wait3A_817 : memref<720xf32, #tpu.memory_space<hbm>>)
    %dma_wait3A_820 = arith.constant 20160 : i32
    %dma_wait3A_821 = tpu.memref_slice %arg5[%dma_wait3A_820] : memref<57600xf32, #tpu.memory_space<vmem>> -> memref<720xf32, #tpu.memory_space<vmem>>
    %dma_wait3A_822 = tpu.memref_slice %arg3[%add3A_238] : memref<1843200xf32, #tpu.memory_space<hbm>> -> memref<720xf32, #tpu.memory_space<hbm>>
    %dma_wait3A_823 = tpu.memref_slice %arg3[%add3A_238] : memref<1843200xf32, #tpu.memory_space<hbm>> -> memref<720xf32, #tpu.memory_space<hbm>>
    %dma_wait3A_824 = arith.constant 20160 : i32
    %dma_wait3A_825 = tpu.memref_slice %arg5[%dma_wait3A_824] : memref<57600xf32, #tpu.memory_space<vmem>> -> memref<720xf32, #tpu.memory_space<vmem>>
    tpu.wait_dma2 semaphore(%arg6 : memref<!tpu.dma_semaphore, #tpu.memory_space<semaphore_mem>>) src(%dma_wait3A_825 : memref<720xf32, #tpu.memory_space<vmem>>) dst(%dma_wait3A_823 : memref<720xf32, #tpu.memory_space<hbm>>)
    %dma_wait3A_826 = arith.constant 20880 : i32
    %dma_wait3A_827 = tpu.memref_slice %arg5[%dma_wait3A_826] : memref<57600xf32, #tpu.memory_space<vmem>> -> memref<720xf32, #tpu.memory_space<vmem>>
    %dma_wait3A_828 = tpu.memref_slice %arg3[%add3A_246] : memref<1843200xf32, #tpu.memory_space<hbm>> -> memref<720xf32, #tpu.memory_space<hbm>>
    %dma_wait3A_829 = tpu.memref_slice %arg3[%add3A_246] : memref<1843200xf32, #tpu.memory_space<hbm>> -> memref<720xf32, #tpu.memory_space<hbm>>
    %dma_wait3A_830 = arith.constant 20880 : i32
    %dma_wait3A_831 = tpu.memref_slice %arg5[%dma_wait3A_830] : memref<57600xf32, #tpu.memory_space<vmem>> -> memref<720xf32, #tpu.memory_space<vmem>>
    tpu.wait_dma2 semaphore(%arg6 : memref<!tpu.dma_semaphore, #tpu.memory_space<semaphore_mem>>) src(%dma_wait3A_831 : memref<720xf32, #tpu.memory_space<vmem>>) dst(%dma_wait3A_829 : memref<720xf32, #tpu.memory_space<hbm>>)
    %dma_wait3A_832 = arith.constant 21600 : i32
    %dma_wait3A_833 = tpu.memref_slice %arg5[%dma_wait3A_832] : memref<57600xf32, #tpu.memory_space<vmem>> -> memref<720xf32, #tpu.memory_space<vmem>>
    %dma_wait3A_834 = tpu.memref_slice %arg3[%add3A_254] : memref<1843200xf32, #tpu.memory_space<hbm>> -> memref<720xf32, #tpu.memory_space<hbm>>
    %dma_wait3A_835 = tpu.memref_slice %arg3[%add3A_254] : memref<1843200xf32, #tpu.memory_space<hbm>> -> memref<720xf32, #tpu.memory_space<hbm>>
    %dma_wait3A_836 = arith.constant 21600 : i32
    %dma_wait3A_837 = tpu.memref_slice %arg5[%dma_wait3A_836] : memref<57600xf32, #tpu.memory_space<vmem>> -> memref<720xf32, #tpu.memory_space<vmem>>
    tpu.wait_dma2 semaphore(%arg6 : memref<!tpu.dma_semaphore, #tpu.memory_space<semaphore_mem>>) src(%dma_wait3A_837 : memref<720xf32, #tpu.memory_space<vmem>>) dst(%dma_wait3A_835 : memref<720xf32, #tpu.memory_space<hbm>>)
    %dma_wait3A_838 = arith.constant 22320 : i32
    %dma_wait3A_839 = tpu.memref_slice %arg5[%dma_wait3A_838] : memref<57600xf32, #tpu.memory_space<vmem>> -> memref<720xf32, #tpu.memory_space<vmem>>
    %dma_wait3A_840 = tpu.memref_slice %arg3[%add3A_262] : memref<1843200xf32, #tpu.memory_space<hbm>> -> memref<720xf32, #tpu.memory_space<hbm>>
    %dma_wait3A_841 = tpu.memref_slice %arg3[%add3A_262] : memref<1843200xf32, #tpu.memory_space<hbm>> -> memref<720xf32, #tpu.memory_space<hbm>>
    %dma_wait3A_842 = arith.constant 22320 : i32
    %dma_wait3A_843 = tpu.memref_slice %arg5[%dma_wait3A_842] : memref<57600xf32, #tpu.memory_space<vmem>> -> memref<720xf32, #tpu.memory_space<vmem>>
    tpu.wait_dma2 semaphore(%arg6 : memref<!tpu.dma_semaphore, #tpu.memory_space<semaphore_mem>>) src(%dma_wait3A_843 : memref<720xf32, #tpu.memory_space<vmem>>) dst(%dma_wait3A_841 : memref<720xf32, #tpu.memory_space<hbm>>)
    %dma_wait3A_844 = arith.constant 23040 : i32
    %dma_wait3A_845 = tpu.memref_slice %arg5[%dma_wait3A_844] : memref<57600xf32, #tpu.memory_space<vmem>> -> memref<720xf32, #tpu.memory_space<vmem>>
    %dma_wait3A_846 = tpu.memref_slice %arg3[%add3A_270] : memref<1843200xf32, #tpu.memory_space<hbm>> -> memref<720xf32, #tpu.memory_space<hbm>>
    %dma_wait3A_847 = tpu.memref_slice %arg3[%add3A_270] : memref<1843200xf32, #tpu.memory_space<hbm>> -> memref<720xf32, #tpu.memory_space<hbm>>
    %dma_wait3A_848 = arith.constant 23040 : i32
    %dma_wait3A_849 = tpu.memref_slice %arg5[%dma_wait3A_848] : memref<57600xf32, #tpu.memory_space<vmem>> -> memref<720xf32, #tpu.memory_space<vmem>>
    tpu.wait_dma2 semaphore(%arg6 : memref<!tpu.dma_semaphore, #tpu.memory_space<semaphore_mem>>) src(%dma_wait3A_849 : memref<720xf32, #tpu.memory_space<vmem>>) dst(%dma_wait3A_847 : memref<720xf32, #tpu.memory_space<hbm>>)
    %dma_wait3A_850 = arith.constant 23760 : i32
    %dma_wait3A_851 = tpu.memref_slice %arg5[%dma_wait3A_850] : memref<57600xf32, #tpu.memory_space<vmem>> -> memref<720xf32, #tpu.memory_space<vmem>>
    %dma_wait3A_852 = tpu.memref_slice %arg3[%add3A_278] : memref<1843200xf32, #tpu.memory_space<hbm>> -> memref<720xf32, #tpu.memory_space<hbm>>
    %dma_wait3A_853 = tpu.memref_slice %arg3[%add3A_278] : memref<1843200xf32, #tpu.memory_space<hbm>> -> memref<720xf32, #tpu.memory_space<hbm>>
    %dma_wait3A_854 = arith.constant 23760 : i32
    %dma_wait3A_855 = tpu.memref_slice %arg5[%dma_wait3A_854] : memref<57600xf32, #tpu.memory_space<vmem>> -> memref<720xf32, #tpu.memory_space<vmem>>
    tpu.wait_dma2 semaphore(%arg6 : memref<!tpu.dma_semaphore, #tpu.memory_space<semaphore_mem>>) src(%dma_wait3A_855 : memref<720xf32, #tpu.memory_space<vmem>>) dst(%dma_wait3A_853 : memref<720xf32, #tpu.memory_space<hbm>>)
    %dma_wait3A_856 = arith.constant 24480 : i32
    %dma_wait3A_857 = tpu.memref_slice %arg5[%dma_wait3A_856] : memref<57600xf32, #tpu.memory_space<vmem>> -> memref<720xf32, #tpu.memory_space<vmem>>
    %dma_wait3A_858 = tpu.memref_slice %arg3[%add3A_286] : memref<1843200xf32, #tpu.memory_space<hbm>> -> memref<720xf32, #tpu.memory_space<hbm>>
    %dma_wait3A_859 = tpu.memref_slice %arg3[%add3A_286] : memref<1843200xf32, #tpu.memory_space<hbm>> -> memref<720xf32, #tpu.memory_space<hbm>>
    %dma_wait3A_860 = arith.constant 24480 : i32
    %dma_wait3A_861 = tpu.memref_slice %arg5[%dma_wait3A_860] : memref<57600xf32, #tpu.memory_space<vmem>> -> memref<720xf32, #tpu.memory_space<vmem>>
    tpu.wait_dma2 semaphore(%arg6 : memref<!tpu.dma_semaphore, #tpu.memory_space<semaphore_mem>>) src(%dma_wait3A_861 : memref<720xf32, #tpu.memory_space<vmem>>) dst(%dma_wait3A_859 : memref<720xf32, #tpu.memory_space<hbm>>)
    %dma_wait3A_862 = arith.constant 25200 : i32
    %dma_wait3A_863 = tpu.memref_slice %arg5[%dma_wait3A_862] : memref<57600xf32, #tpu.memory_space<vmem>> -> memref<720xf32, #tpu.memory_space<vmem>>
    %dma_wait3A_864 = tpu.memref_slice %arg3[%add3A_294] : memref<1843200xf32, #tpu.memory_space<hbm>> -> memref<720xf32, #tpu.memory_space<hbm>>
    %dma_wait3A_865 = tpu.memref_slice %arg3[%add3A_294] : memref<1843200xf32, #tpu.memory_space<hbm>> -> memref<720xf32, #tpu.memory_space<hbm>>
    %dma_wait3A_866 = arith.constant 25200 : i32
    %dma_wait3A_867 = tpu.memref_slice %arg5[%dma_wait3A_866] : memref<57600xf32, #tpu.memory_space<vmem>> -> memref<720xf32, #tpu.memory_space<vmem>>
    tpu.wait_dma2 semaphore(%arg6 : memref<!tpu.dma_semaphore, #tpu.memory_space<semaphore_mem>>) src(%dma_wait3A_867 : memref<720xf32, #tpu.memory_space<vmem>>) dst(%dma_wait3A_865 : memref<720xf32, #tpu.memory_space<hbm>>)
    %dma_wait3A_868 = arith.constant 25920 : i32
    %dma_wait3A_869 = tpu.memref_slice %arg5[%dma_wait3A_868] : memref<57600xf32, #tpu.memory_space<vmem>> -> memref<720xf32, #tpu.memory_space<vmem>>
    %dma_wait3A_870 = tpu.memref_slice %arg3[%add3A_302] : memref<1843200xf32, #tpu.memory_space<hbm>> -> memref<720xf32, #tpu.memory_space<hbm>>
    %dma_wait3A_871 = tpu.memref_slice %arg3[%add3A_302] : memref<1843200xf32, #tpu.memory_space<hbm>> -> memref<720xf32, #tpu.memory_space<hbm>>
    %dma_wait3A_872 = arith.constant 25920 : i32
    %dma_wait3A_873 = tpu.memref_slice %arg5[%dma_wait3A_872] : memref<57600xf32, #tpu.memory_space<vmem>> -> memref<720xf32, #tpu.memory_space<vmem>>
    tpu.wait_dma2 semaphore(%arg6 : memref<!tpu.dma_semaphore, #tpu.memory_space<semaphore_mem>>) src(%dma_wait3A_873 : memref<720xf32, #tpu.memory_space<vmem>>) dst(%dma_wait3A_871 : memref<720xf32, #tpu.memory_space<hbm>>)
    %dma_wait3A_874 = arith.constant 26640 : i32
    %dma_wait3A_875 = tpu.memref_slice %arg5[%dma_wait3A_874] : memref<57600xf32, #tpu.memory_space<vmem>> -> memref<720xf32, #tpu.memory_space<vmem>>
    %dma_wait3A_876 = tpu.memref_slice %arg3[%add3A_310] : memref<1843200xf32, #tpu.memory_space<hbm>> -> memref<720xf32, #tpu.memory_space<hbm>>
    %dma_wait3A_877 = tpu.memref_slice %arg3[%add3A_310] : memref<1843200xf32, #tpu.memory_space<hbm>> -> memref<720xf32, #tpu.memory_space<hbm>>
    %dma_wait3A_878 = arith.constant 26640 : i32
    %dma_wait3A_879 = tpu.memref_slice %arg5[%dma_wait3A_878] : memref<57600xf32, #tpu.memory_space<vmem>> -> memref<720xf32, #tpu.memory_space<vmem>>
    tpu.wait_dma2 semaphore(%arg6 : memref<!tpu.dma_semaphore, #tpu.memory_space<semaphore_mem>>) src(%dma_wait3A_879 : memref<720xf32, #tpu.memory_space<vmem>>) dst(%dma_wait3A_877 : memref<720xf32, #tpu.memory_space<hbm>>)
    %dma_wait3A_880 = arith.constant 27360 : i32
    %dma_wait3A_881 = tpu.memref_slice %arg5[%dma_wait3A_880] : memref<57600xf32, #tpu.memory_space<vmem>> -> memref<720xf32, #tpu.memory_space<vmem>>
    %dma_wait3A_882 = tpu.memref_slice %arg3[%add3A_318] : memref<1843200xf32, #tpu.memory_space<hbm>> -> memref<720xf32, #tpu.memory_space<hbm>>
    %dma_wait3A_883 = tpu.memref_slice %arg3[%add3A_318] : memref<1843200xf32, #tpu.memory_space<hbm>> -> memref<720xf32, #tpu.memory_space<hbm>>
    %dma_wait3A_884 = arith.constant 27360 : i32
    %dma_wait3A_885 = tpu.memref_slice %arg5[%dma_wait3A_884] : memref<57600xf32, #tpu.memory_space<vmem>> -> memref<720xf32, #tpu.memory_space<vmem>>
    tpu.wait_dma2 semaphore(%arg6 : memref<!tpu.dma_semaphore, #tpu.memory_space<semaphore_mem>>) src(%dma_wait3A_885 : memref<720xf32, #tpu.memory_space<vmem>>) dst(%dma_wait3A_883 : memref<720xf32, #tpu.memory_space<hbm>>)
    %dma_wait3A_886 = arith.constant 28080 : i32
    %dma_wait3A_887 = tpu.memref_slice %arg5[%dma_wait3A_886] : memref<57600xf32, #tpu.memory_space<vmem>> -> memref<720xf32, #tpu.memory_space<vmem>>
    %dma_wait3A_888 = tpu.memref_slice %arg3[%add3A_326] : memref<1843200xf32, #tpu.memory_space<hbm>> -> memref<720xf32, #tpu.memory_space<hbm>>
    %dma_wait3A_889 = tpu.memref_slice %arg3[%add3A_326] : memref<1843200xf32, #tpu.memory_space<hbm>> -> memref<720xf32, #tpu.memory_space<hbm>>
    %dma_wait3A_890 = arith.constant 28080 : i32
    %dma_wait3A_891 = tpu.memref_slice %arg5[%dma_wait3A_890] : memref<57600xf32, #tpu.memory_space<vmem>> -> memref<720xf32, #tpu.memory_space<vmem>>
    tpu.wait_dma2 semaphore(%arg6 : memref<!tpu.dma_semaphore, #tpu.memory_space<semaphore_mem>>) src(%dma_wait3A_891 : memref<720xf32, #tpu.memory_space<vmem>>) dst(%dma_wait3A_889 : memref<720xf32, #tpu.memory_space<hbm>>)
    %dma_wait3A_892 = arith.constant 28800 : i32
    %dma_wait3A_893 = tpu.memref_slice %arg5[%dma_wait3A_892] : memref<57600xf32, #tpu.memory_space<vmem>> -> memref<720xf32, #tpu.memory_space<vmem>>
    %dma_wait3A_894 = tpu.memref_slice %arg3[%add3A_334] : memref<1843200xf32, #tpu.memory_space<hbm>> -> memref<720xf32, #tpu.memory_space<hbm>>
    %dma_wait3A_895 = tpu.memref_slice %arg3[%add3A_334] : memref<1843200xf32, #tpu.memory_space<hbm>> -> memref<720xf32, #tpu.memory_space<hbm>>
    %dma_wait3A_896 = arith.constant 28800 : i32
    %dma_wait3A_897 = tpu.memref_slice %arg5[%dma_wait3A_896] : memref<57600xf32, #tpu.memory_space<vmem>> -> memref<720xf32, #tpu.memory_space<vmem>>
    tpu.wait_dma2 semaphore(%arg6 : memref<!tpu.dma_semaphore, #tpu.memory_space<semaphore_mem>>) src(%dma_wait3A_897 : memref<720xf32, #tpu.memory_space<vmem>>) dst(%dma_wait3A_895 : memref<720xf32, #tpu.memory_space<hbm>>)
    %dma_wait3A_898 = arith.constant 29520 : i32
    %dma_wait3A_899 = tpu.memref_slice %arg5[%dma_wait3A_898] : memref<57600xf32, #tpu.memory_space<vmem>> -> memref<720xf32, #tpu.memory_space<vmem>>
    %dma_wait3A_900 = tpu.memref_slice %arg3[%add3A_342] : memref<1843200xf32, #tpu.memory_space<hbm>> -> memref<720xf32, #tpu.memory_space<hbm>>
    %dma_wait3A_901 = tpu.memref_slice %arg3[%add3A_342] : memref<1843200xf32, #tpu.memory_space<hbm>> -> memref<720xf32, #tpu.memory_space<hbm>>
    %dma_wait3A_902 = arith.constant 29520 : i32
    %dma_wait3A_903 = tpu.memref_slice %arg5[%dma_wait3A_902] : memref<57600xf32, #tpu.memory_space<vmem>> -> memref<720xf32, #tpu.memory_space<vmem>>
    tpu.wait_dma2 semaphore(%arg6 : memref<!tpu.dma_semaphore, #tpu.memory_space<semaphore_mem>>) src(%dma_wait3A_903 : memref<720xf32, #tpu.memory_space<vmem>>) dst(%dma_wait3A_901 : memref<720xf32, #tpu.memory_space<hbm>>)
    %dma_wait3A_904 = arith.constant 30240 : i32
    %dma_wait3A_905 = tpu.memref_slice %arg5[%dma_wait3A_904] : memref<57600xf32, #tpu.memory_space<vmem>> -> memref<720xf32, #tpu.memory_space<vmem>>
    %dma_wait3A_906 = tpu.memref_slice %arg3[%add3A_350] : memref<1843200xf32, #tpu.memory_space<hbm>> -> memref<720xf32, #tpu.memory_space<hbm>>
    %dma_wait3A_907 = tpu.memref_slice %arg3[%add3A_350] : memref<1843200xf32, #tpu.memory_space<hbm>> -> memref<720xf32, #tpu.memory_space<hbm>>
    %dma_wait3A_908 = arith.constant 30240 : i32
    %dma_wait3A_909 = tpu.memref_slice %arg5[%dma_wait3A_908] : memref<57600xf32, #tpu.memory_space<vmem>> -> memref<720xf32, #tpu.memory_space<vmem>>
    tpu.wait_dma2 semaphore(%arg6 : memref<!tpu.dma_semaphore, #tpu.memory_space<semaphore_mem>>) src(%dma_wait3A_909 : memref<720xf32, #tpu.memory_space<vmem>>) dst(%dma_wait3A_907 : memref<720xf32, #tpu.memory_space<hbm>>)
    %dma_wait3A_910 = arith.constant 30960 : i32
    %dma_wait3A_911 = tpu.memref_slice %arg5[%dma_wait3A_910] : memref<57600xf32, #tpu.memory_space<vmem>> -> memref<720xf32, #tpu.memory_space<vmem>>
    %dma_wait3A_912 = tpu.memref_slice %arg3[%add3A_358] : memref<1843200xf32, #tpu.memory_space<hbm>> -> memref<720xf32, #tpu.memory_space<hbm>>
    %dma_wait3A_913 = tpu.memref_slice %arg3[%add3A_358] : memref<1843200xf32, #tpu.memory_space<hbm>> -> memref<720xf32, #tpu.memory_space<hbm>>
    %dma_wait3A_914 = arith.constant 30960 : i32
    %dma_wait3A_915 = tpu.memref_slice %arg5[%dma_wait3A_914] : memref<57600xf32, #tpu.memory_space<vmem>> -> memref<720xf32, #tpu.memory_space<vmem>>
    tpu.wait_dma2 semaphore(%arg6 : memref<!tpu.dma_semaphore, #tpu.memory_space<semaphore_mem>>) src(%dma_wait3A_915 : memref<720xf32, #tpu.memory_space<vmem>>) dst(%dma_wait3A_913 : memref<720xf32, #tpu.memory_space<hbm>>)
    %dma_wait3A_916 = arith.constant 31680 : i32
    %dma_wait3A_917 = tpu.memref_slice %arg5[%dma_wait3A_916] : memref<57600xf32, #tpu.memory_space<vmem>> -> memref<720xf32, #tpu.memory_space<vmem>>
    %dma_wait3A_918 = tpu.memref_slice %arg3[%add3A_366] : memref<1843200xf32, #tpu.memory_space<hbm>> -> memref<720xf32, #tpu.memory_space<hbm>>
    %dma_wait3A_919 = tpu.memref_slice %arg3[%add3A_366] : memref<1843200xf32, #tpu.memory_space<hbm>> -> memref<720xf32, #tpu.memory_space<hbm>>
    %dma_wait3A_920 = arith.constant 31680 : i32
    %dma_wait3A_921 = tpu.memref_slice %arg5[%dma_wait3A_920] : memref<57600xf32, #tpu.memory_space<vmem>> -> memref<720xf32, #tpu.memory_space<vmem>>
    tpu.wait_dma2 semaphore(%arg6 : memref<!tpu.dma_semaphore, #tpu.memory_space<semaphore_mem>>) src(%dma_wait3A_921 : memref<720xf32, #tpu.memory_space<vmem>>) dst(%dma_wait3A_919 : memref<720xf32, #tpu.memory_space<hbm>>)
    %dma_wait3A_922 = arith.constant 32400 : i32
    %dma_wait3A_923 = tpu.memref_slice %arg5[%dma_wait3A_922] : memref<57600xf32, #tpu.memory_space<vmem>> -> memref<720xf32, #tpu.memory_space<vmem>>
    %dma_wait3A_924 = tpu.memref_slice %arg3[%add3A_374] : memref<1843200xf32, #tpu.memory_space<hbm>> -> memref<720xf32, #tpu.memory_space<hbm>>
    %dma_wait3A_925 = tpu.memref_slice %arg3[%add3A_374] : memref<1843200xf32, #tpu.memory_space<hbm>> -> memref<720xf32, #tpu.memory_space<hbm>>
    %dma_wait3A_926 = arith.constant 32400 : i32
    %dma_wait3A_927 = tpu.memref_slice %arg5[%dma_wait3A_926] : memref<57600xf32, #tpu.memory_space<vmem>> -> memref<720xf32, #tpu.memory_space<vmem>>
    tpu.wait_dma2 semaphore(%arg6 : memref<!tpu.dma_semaphore, #tpu.memory_space<semaphore_mem>>) src(%dma_wait3A_927 : memref<720xf32, #tpu.memory_space<vmem>>) dst(%dma_wait3A_925 : memref<720xf32, #tpu.memory_space<hbm>>)
    %dma_wait3A_928 = arith.constant 33120 : i32
    %dma_wait3A_929 = tpu.memref_slice %arg5[%dma_wait3A_928] : memref<57600xf32, #tpu.memory_space<vmem>> -> memref<720xf32, #tpu.memory_space<vmem>>
    %dma_wait3A_930 = tpu.memref_slice %arg3[%add3A_382] : memref<1843200xf32, #tpu.memory_space<hbm>> -> memref<720xf32, #tpu.memory_space<hbm>>
    %dma_wait3A_931 = tpu.memref_slice %arg3[%add3A_382] : memref<1843200xf32, #tpu.memory_space<hbm>> -> memref<720xf32, #tpu.memory_space<hbm>>
    %dma_wait3A_932 = arith.constant 33120 : i32
    %dma_wait3A_933 = tpu.memref_slice %arg5[%dma_wait3A_932] : memref<57600xf32, #tpu.memory_space<vmem>> -> memref<720xf32, #tpu.memory_space<vmem>>
    tpu.wait_dma2 semaphore(%arg6 : memref<!tpu.dma_semaphore, #tpu.memory_space<semaphore_mem>>) src(%dma_wait3A_933 : memref<720xf32, #tpu.memory_space<vmem>>) dst(%dma_wait3A_931 : memref<720xf32, #tpu.memory_space<hbm>>)
    %dma_wait3A_934 = arith.constant 33840 : i32
    %dma_wait3A_935 = tpu.memref_slice %arg5[%dma_wait3A_934] : memref<57600xf32, #tpu.memory_space<vmem>> -> memref<720xf32, #tpu.memory_space<vmem>>
    %dma_wait3A_936 = tpu.memref_slice %arg3[%add3A_390] : memref<1843200xf32, #tpu.memory_space<hbm>> -> memref<720xf32, #tpu.memory_space<hbm>>
    %dma_wait3A_937 = tpu.memref_slice %arg3[%add3A_390] : memref<1843200xf32, #tpu.memory_space<hbm>> -> memref<720xf32, #tpu.memory_space<hbm>>
    %dma_wait3A_938 = arith.constant 33840 : i32
    %dma_wait3A_939 = tpu.memref_slice %arg5[%dma_wait3A_938] : memref<57600xf32, #tpu.memory_space<vmem>> -> memref<720xf32, #tpu.memory_space<vmem>>
    tpu.wait_dma2 semaphore(%arg6 : memref<!tpu.dma_semaphore, #tpu.memory_space<semaphore_mem>>) src(%dma_wait3A_939 : memref<720xf32, #tpu.memory_space<vmem>>) dst(%dma_wait3A_937 : memref<720xf32, #tpu.memory_space<hbm>>)
    %dma_wait3A_940 = arith.constant 34560 : i32
    %dma_wait3A_941 = tpu.memref_slice %arg5[%dma_wait3A_940] : memref<57600xf32, #tpu.memory_space<vmem>> -> memref<720xf32, #tpu.memory_space<vmem>>
    %dma_wait3A_942 = tpu.memref_slice %arg3[%add3A_398] : memref<1843200xf32, #tpu.memory_space<hbm>> -> memref<720xf32, #tpu.memory_space<hbm>>
    %dma_wait3A_943 = tpu.memref_slice %arg3[%add3A_398] : memref<1843200xf32, #tpu.memory_space<hbm>> -> memref<720xf32, #tpu.memory_space<hbm>>
    %dma_wait3A_944 = arith.constant 34560 : i32
    %dma_wait3A_945 = tpu.memref_slice %arg5[%dma_wait3A_944] : memref<57600xf32, #tpu.memory_space<vmem>> -> memref<720xf32, #tpu.memory_space<vmem>>
    tpu.wait_dma2 semaphore(%arg6 : memref<!tpu.dma_semaphore, #tpu.memory_space<semaphore_mem>>) src(%dma_wait3A_945 : memref<720xf32, #tpu.memory_space<vmem>>) dst(%dma_wait3A_943 : memref<720xf32, #tpu.memory_space<hbm>>)
    %dma_wait3A_946 = arith.constant 35280 : i32
    %dma_wait3A_947 = tpu.memref_slice %arg5[%dma_wait3A_946] : memref<57600xf32, #tpu.memory_space<vmem>> -> memref<720xf32, #tpu.memory_space<vmem>>
    %dma_wait3A_948 = tpu.memref_slice %arg3[%add3A_406] : memref<1843200xf32, #tpu.memory_space<hbm>> -> memref<720xf32, #tpu.memory_space<hbm>>
    %dma_wait3A_949 = tpu.memref_slice %arg3[%add3A_406] : memref<1843200xf32, #tpu.memory_space<hbm>> -> memref<720xf32, #tpu.memory_space<hbm>>
    %dma_wait3A_950 = arith.constant 35280 : i32
    %dma_wait3A_951 = tpu.memref_slice %arg5[%dma_wait3A_950] : memref<57600xf32, #tpu.memory_space<vmem>> -> memref<720xf32, #tpu.memory_space<vmem>>
    tpu.wait_dma2 semaphore(%arg6 : memref<!tpu.dma_semaphore, #tpu.memory_space<semaphore_mem>>) src(%dma_wait3A_951 : memref<720xf32, #tpu.memory_space<vmem>>) dst(%dma_wait3A_949 : memref<720xf32, #tpu.memory_space<hbm>>)
    %dma_wait3A_952 = arith.constant 36000 : i32
    %dma_wait3A_953 = tpu.memref_slice %arg5[%dma_wait3A_952] : memref<57600xf32, #tpu.memory_space<vmem>> -> memref<720xf32, #tpu.memory_space<vmem>>
    %dma_wait3A_954 = tpu.memref_slice %arg3[%add3A_414] : memref<1843200xf32, #tpu.memory_space<hbm>> -> memref<720xf32, #tpu.memory_space<hbm>>
    %dma_wait3A_955 = tpu.memref_slice %arg3[%add3A_414] : memref<1843200xf32, #tpu.memory_space<hbm>> -> memref<720xf32, #tpu.memory_space<hbm>>
    %dma_wait3A_956 = arith.constant 36000 : i32
    %dma_wait3A_957 = tpu.memref_slice %arg5[%dma_wait3A_956] : memref<57600xf32, #tpu.memory_space<vmem>> -> memref<720xf32, #tpu.memory_space<vmem>>
    tpu.wait_dma2 semaphore(%arg6 : memref<!tpu.dma_semaphore, #tpu.memory_space<semaphore_mem>>) src(%dma_wait3A_957 : memref<720xf32, #tpu.memory_space<vmem>>) dst(%dma_wait3A_955 : memref<720xf32, #tpu.memory_space<hbm>>)
    %dma_wait3A_958 = arith.constant 36720 : i32
    %dma_wait3A_959 = tpu.memref_slice %arg5[%dma_wait3A_958] : memref<57600xf32, #tpu.memory_space<vmem>> -> memref<720xf32, #tpu.memory_space<vmem>>
    %dma_wait3A_960 = tpu.memref_slice %arg3[%add3A_422] : memref<1843200xf32, #tpu.memory_space<hbm>> -> memref<720xf32, #tpu.memory_space<hbm>>
    %dma_wait3A_961 = tpu.memref_slice %arg3[%add3A_422] : memref<1843200xf32, #tpu.memory_space<hbm>> -> memref<720xf32, #tpu.memory_space<hbm>>
    %dma_wait3A_962 = arith.constant 36720 : i32
    %dma_wait3A_963 = tpu.memref_slice %arg5[%dma_wait3A_962] : memref<57600xf32, #tpu.memory_space<vmem>> -> memref<720xf32, #tpu.memory_space<vmem>>
    tpu.wait_dma2 semaphore(%arg6 : memref<!tpu.dma_semaphore, #tpu.memory_space<semaphore_mem>>) src(%dma_wait3A_963 : memref<720xf32, #tpu.memory_space<vmem>>) dst(%dma_wait3A_961 : memref<720xf32, #tpu.memory_space<hbm>>)
    %dma_wait3A_964 = arith.constant 37440 : i32
    %dma_wait3A_965 = tpu.memref_slice %arg5[%dma_wait3A_964] : memref<57600xf32, #tpu.memory_space<vmem>> -> memref<720xf32, #tpu.memory_space<vmem>>
    %dma_wait3A_966 = tpu.memref_slice %arg3[%add3A_430] : memref<1843200xf32, #tpu.memory_space<hbm>> -> memref<720xf32, #tpu.memory_space<hbm>>
    %dma_wait3A_967 = tpu.memref_slice %arg3[%add3A_430] : memref<1843200xf32, #tpu.memory_space<hbm>> -> memref<720xf32, #tpu.memory_space<hbm>>
    %dma_wait3A_968 = arith.constant 37440 : i32
    %dma_wait3A_969 = tpu.memref_slice %arg5[%dma_wait3A_968] : memref<57600xf32, #tpu.memory_space<vmem>> -> memref<720xf32, #tpu.memory_space<vmem>>
    tpu.wait_dma2 semaphore(%arg6 : memref<!tpu.dma_semaphore, #tpu.memory_space<semaphore_mem>>) src(%dma_wait3A_969 : memref<720xf32, #tpu.memory_space<vmem>>) dst(%dma_wait3A_967 : memref<720xf32, #tpu.memory_space<hbm>>)
    %dma_wait3A_970 = arith.constant 38160 : i32
    %dma_wait3A_971 = tpu.memref_slice %arg5[%dma_wait3A_970] : memref<57600xf32, #tpu.memory_space<vmem>> -> memref<720xf32, #tpu.memory_space<vmem>>
    %dma_wait3A_972 = tpu.memref_slice %arg3[%add3A_438] : memref<1843200xf32, #tpu.memory_space<hbm>> -> memref<720xf32, #tpu.memory_space<hbm>>
    %dma_wait3A_973 = tpu.memref_slice %arg3[%add3A_438] : memref<1843200xf32, #tpu.memory_space<hbm>> -> memref<720xf32, #tpu.memory_space<hbm>>
    %dma_wait3A_974 = arith.constant 38160 : i32
    %dma_wait3A_975 = tpu.memref_slice %arg5[%dma_wait3A_974] : memref<57600xf32, #tpu.memory_space<vmem>> -> memref<720xf32, #tpu.memory_space<vmem>>
    tpu.wait_dma2 semaphore(%arg6 : memref<!tpu.dma_semaphore, #tpu.memory_space<semaphore_mem>>) src(%dma_wait3A_975 : memref<720xf32, #tpu.memory_space<vmem>>) dst(%dma_wait3A_973 : memref<720xf32, #tpu.memory_space<hbm>>)
    %dma_wait3A_976 = arith.constant 38880 : i32
    %dma_wait3A_977 = tpu.memref_slice %arg5[%dma_wait3A_976] : memref<57600xf32, #tpu.memory_space<vmem>> -> memref<720xf32, #tpu.memory_space<vmem>>
    %dma_wait3A_978 = tpu.memref_slice %arg3[%add3A_446] : memref<1843200xf32, #tpu.memory_space<hbm>> -> memref<720xf32, #tpu.memory_space<hbm>>
    %dma_wait3A_979 = tpu.memref_slice %arg3[%add3A_446] : memref<1843200xf32, #tpu.memory_space<hbm>> -> memref<720xf32, #tpu.memory_space<hbm>>
    %dma_wait3A_980 = arith.constant 38880 : i32
    %dma_wait3A_981 = tpu.memref_slice %arg5[%dma_wait3A_980] : memref<57600xf32, #tpu.memory_space<vmem>> -> memref<720xf32, #tpu.memory_space<vmem>>
    tpu.wait_dma2 semaphore(%arg6 : memref<!tpu.dma_semaphore, #tpu.memory_space<semaphore_mem>>) src(%dma_wait3A_981 : memref<720xf32, #tpu.memory_space<vmem>>) dst(%dma_wait3A_979 : memref<720xf32, #tpu.memory_space<hbm>>)
    %dma_wait3A_982 = arith.constant 39600 : i32
    %dma_wait3A_983 = tpu.memref_slice %arg5[%dma_wait3A_982] : memref<57600xf32, #tpu.memory_space<vmem>> -> memref<720xf32, #tpu.memory_space<vmem>>
    %dma_wait3A_984 = tpu.memref_slice %arg3[%add3A_454] : memref<1843200xf32, #tpu.memory_space<hbm>> -> memref<720xf32, #tpu.memory_space<hbm>>
    %dma_wait3A_985 = tpu.memref_slice %arg3[%add3A_454] : memref<1843200xf32, #tpu.memory_space<hbm>> -> memref<720xf32, #tpu.memory_space<hbm>>
    %dma_wait3A_986 = arith.constant 39600 : i32
    %dma_wait3A_987 = tpu.memref_slice %arg5[%dma_wait3A_986] : memref<57600xf32, #tpu.memory_space<vmem>> -> memref<720xf32, #tpu.memory_space<vmem>>
    tpu.wait_dma2 semaphore(%arg6 : memref<!tpu.dma_semaphore, #tpu.memory_space<semaphore_mem>>) src(%dma_wait3A_987 : memref<720xf32, #tpu.memory_space<vmem>>) dst(%dma_wait3A_985 : memref<720xf32, #tpu.memory_space<hbm>>)
    %dma_wait3A_988 = arith.constant 40320 : i32
    %dma_wait3A_989 = tpu.memref_slice %arg5[%dma_wait3A_988] : memref<57600xf32, #tpu.memory_space<vmem>> -> memref<720xf32, #tpu.memory_space<vmem>>
    %dma_wait3A_990 = tpu.memref_slice %arg3[%add3A_462] : memref<1843200xf32, #tpu.memory_space<hbm>> -> memref<720xf32, #tpu.memory_space<hbm>>
    %dma_wait3A_991 = tpu.memref_slice %arg3[%add3A_462] : memref<1843200xf32, #tpu.memory_space<hbm>> -> memref<720xf32, #tpu.memory_space<hbm>>
    %dma_wait3A_992 = arith.constant 40320 : i32
    %dma_wait3A_993 = tpu.memref_slice %arg5[%dma_wait3A_992] : memref<57600xf32, #tpu.memory_space<vmem>> -> memref<720xf32, #tpu.memory_space<vmem>>
    tpu.wait_dma2 semaphore(%arg6 : memref<!tpu.dma_semaphore, #tpu.memory_space<semaphore_mem>>) src(%dma_wait3A_993 : memref<720xf32, #tpu.memory_space<vmem>>) dst(%dma_wait3A_991 : memref<720xf32, #tpu.memory_space<hbm>>)
    %dma_wait3A_994 = arith.constant 41040 : i32
    %dma_wait3A_995 = tpu.memref_slice %arg5[%dma_wait3A_994] : memref<57600xf32, #tpu.memory_space<vmem>> -> memref<720xf32, #tpu.memory_space<vmem>>
    %dma_wait3A_996 = tpu.memref_slice %arg3[%add3A_470] : memref<1843200xf32, #tpu.memory_space<hbm>> -> memref<720xf32, #tpu.memory_space<hbm>>
    %dma_wait3A_997 = tpu.memref_slice %arg3[%add3A_470] : memref<1843200xf32, #tpu.memory_space<hbm>> -> memref<720xf32, #tpu.memory_space<hbm>>
    %dma_wait3A_998 = arith.constant 41040 : i32
    %dma_wait3A_999 = tpu.memref_slice %arg5[%dma_wait3A_998] : memref<57600xf32, #tpu.memory_space<vmem>> -> memref<720xf32, #tpu.memory_space<vmem>>
    tpu.wait_dma2 semaphore(%arg6 : memref<!tpu.dma_semaphore, #tpu.memory_space<semaphore_mem>>) src(%dma_wait3A_999 : memref<720xf32, #tpu.memory_space<vmem>>) dst(%dma_wait3A_997 : memref<720xf32, #tpu.memory_space<hbm>>)
    %dma_wait3A_1000 = arith.constant 41760 : i32
    %dma_wait3A_1001 = tpu.memref_slice %arg5[%dma_wait3A_1000] : memref<57600xf32, #tpu.memory_space<vmem>> -> memref<720xf32, #tpu.memory_space<vmem>>
    %dma_wait3A_1002 = tpu.memref_slice %arg3[%add3A_478] : memref<1843200xf32, #tpu.memory_space<hbm>> -> memref<720xf32, #tpu.memory_space<hbm>>
    %dma_wait3A_1003 = tpu.memref_slice %arg3[%add3A_478] : memref<1843200xf32, #tpu.memory_space<hbm>> -> memref<720xf32, #tpu.memory_space<hbm>>
    %dma_wait3A_1004 = arith.constant 41760 : i32
    %dma_wait3A_1005 = tpu.memref_slice %arg5[%dma_wait3A_1004] : memref<57600xf32, #tpu.memory_space<vmem>> -> memref<720xf32, #tpu.memory_space<vmem>>
    tpu.wait_dma2 semaphore(%arg6 : memref<!tpu.dma_semaphore, #tpu.memory_space<semaphore_mem>>) src(%dma_wait3A_1005 : memref<720xf32, #tpu.memory_space<vmem>>) dst(%dma_wait3A_1003 : memref<720xf32, #tpu.memory_space<hbm>>)
    %dma_wait3A_1006 = arith.constant 42480 : i32
    %dma_wait3A_1007 = tpu.memref_slice %arg5[%dma_wait3A_1006] : memref<57600xf32, #tpu.memory_space<vmem>> -> memref<720xf32, #tpu.memory_space<vmem>>
    %dma_wait3A_1008 = tpu.memref_slice %arg3[%add3A_486] : memref<1843200xf32, #tpu.memory_space<hbm>> -> memref<720xf32, #tpu.memory_space<hbm>>
    %dma_wait3A_1009 = tpu.memref_slice %arg3[%add3A_486] : memref<1843200xf32, #tpu.memory_space<hbm>> -> memref<720xf32, #tpu.memory_space<hbm>>
    %dma_wait3A_1010 = arith.constant 42480 : i32
    %dma_wait3A_1011 = tpu.memref_slice %arg5[%dma_wait3A_1010] : memref<57600xf32, #tpu.memory_space<vmem>> -> memref<720xf32, #tpu.memory_space<vmem>>
    tpu.wait_dma2 semaphore(%arg6 : memref<!tpu.dma_semaphore, #tpu.memory_space<semaphore_mem>>) src(%dma_wait3A_1011 : memref<720xf32, #tpu.memory_space<vmem>>) dst(%dma_wait3A_1009 : memref<720xf32, #tpu.memory_space<hbm>>)
    %dma_wait3A_1012 = arith.constant 43200 : i32
    %dma_wait3A_1013 = tpu.memref_slice %arg5[%dma_wait3A_1012] : memref<57600xf32, #tpu.memory_space<vmem>> -> memref<720xf32, #tpu.memory_space<vmem>>
    %dma_wait3A_1014 = tpu.memref_slice %arg3[%add3A_494] : memref<1843200xf32, #tpu.memory_space<hbm>> -> memref<720xf32, #tpu.memory_space<hbm>>
    %dma_wait3A_1015 = tpu.memref_slice %arg3[%add3A_494] : memref<1843200xf32, #tpu.memory_space<hbm>> -> memref<720xf32, #tpu.memory_space<hbm>>
    %dma_wait3A_1016 = arith.constant 43200 : i32
    %dma_wait3A_1017 = tpu.memref_slice %arg5[%dma_wait3A_1016] : memref<57600xf32, #tpu.memory_space<vmem>> -> memref<720xf32, #tpu.memory_space<vmem>>
    tpu.wait_dma2 semaphore(%arg6 : memref<!tpu.dma_semaphore, #tpu.memory_space<semaphore_mem>>) src(%dma_wait3A_1017 : memref<720xf32, #tpu.memory_space<vmem>>) dst(%dma_wait3A_1015 : memref<720xf32, #tpu.memory_space<hbm>>)
    %dma_wait3A_1018 = arith.constant 43920 : i32
    %dma_wait3A_1019 = tpu.memref_slice %arg5[%dma_wait3A_1018] : memref<57600xf32, #tpu.memory_space<vmem>> -> memref<720xf32, #tpu.memory_space<vmem>>
    %dma_wait3A_1020 = tpu.memref_slice %arg3[%add3A_502] : memref<1843200xf32, #tpu.memory_space<hbm>> -> memref<720xf32, #tpu.memory_space<hbm>>
    %dma_wait3A_1021 = tpu.memref_slice %arg3[%add3A_502] : memref<1843200xf32, #tpu.memory_space<hbm>> -> memref<720xf32, #tpu.memory_space<hbm>>
    %dma_wait3A_1022 = arith.constant 43920 : i32
    %dma_wait3A_1023 = tpu.memref_slice %arg5[%dma_wait3A_1022] : memref<57600xf32, #tpu.memory_space<vmem>> -> memref<720xf32, #tpu.memory_space<vmem>>
    tpu.wait_dma2 semaphore(%arg6 : memref<!tpu.dma_semaphore, #tpu.memory_space<semaphore_mem>>) src(%dma_wait3A_1023 : memref<720xf32, #tpu.memory_space<vmem>>) dst(%dma_wait3A_1021 : memref<720xf32, #tpu.memory_space<hbm>>)
    %dma_wait3A_1024 = arith.constant 44640 : i32
    %dma_wait3A_1025 = tpu.memref_slice %arg5[%dma_wait3A_1024] : memref<57600xf32, #tpu.memory_space<vmem>> -> memref<720xf32, #tpu.memory_space<vmem>>
    %dma_wait3A_1026 = tpu.memref_slice %arg3[%add3A_510] : memref<1843200xf32, #tpu.memory_space<hbm>> -> memref<720xf32, #tpu.memory_space<hbm>>
    %dma_wait3A_1027 = tpu.memref_slice %arg3[%add3A_510] : memref<1843200xf32, #tpu.memory_space<hbm>> -> memref<720xf32, #tpu.memory_space<hbm>>
    %dma_wait3A_1028 = arith.constant 44640 : i32
    %dma_wait3A_1029 = tpu.memref_slice %arg5[%dma_wait3A_1028] : memref<57600xf32, #tpu.memory_space<vmem>> -> memref<720xf32, #tpu.memory_space<vmem>>
    tpu.wait_dma2 semaphore(%arg6 : memref<!tpu.dma_semaphore, #tpu.memory_space<semaphore_mem>>) src(%dma_wait3A_1029 : memref<720xf32, #tpu.memory_space<vmem>>) dst(%dma_wait3A_1027 : memref<720xf32, #tpu.memory_space<hbm>>)
    %dma_wait3A_1030 = arith.constant 45360 : i32
    %dma_wait3A_1031 = tpu.memref_slice %arg5[%dma_wait3A_1030] : memref<57600xf32, #tpu.memory_space<vmem>> -> memref<720xf32, #tpu.memory_space<vmem>>
    %dma_wait3A_1032 = tpu.memref_slice %arg3[%add3A_518] : memref<1843200xf32, #tpu.memory_space<hbm>> -> memref<720xf32, #tpu.memory_space<hbm>>
    %dma_wait3A_1033 = tpu.memref_slice %arg3[%add3A_518] : memref<1843200xf32, #tpu.memory_space<hbm>> -> memref<720xf32, #tpu.memory_space<hbm>>
    %dma_wait3A_1034 = arith.constant 45360 : i32
    %dma_wait3A_1035 = tpu.memref_slice %arg5[%dma_wait3A_1034] : memref<57600xf32, #tpu.memory_space<vmem>> -> memref<720xf32, #tpu.memory_space<vmem>>
    tpu.wait_dma2 semaphore(%arg6 : memref<!tpu.dma_semaphore, #tpu.memory_space<semaphore_mem>>) src(%dma_wait3A_1035 : memref<720xf32, #tpu.memory_space<vmem>>) dst(%dma_wait3A_1033 : memref<720xf32, #tpu.memory_space<hbm>>)
    %dma_wait3A_1036 = arith.constant 46080 : i32
    %dma_wait3A_1037 = tpu.memref_slice %arg5[%dma_wait3A_1036] : memref<57600xf32, #tpu.memory_space<vmem>> -> memref<720xf32, #tpu.memory_space<vmem>>
    %dma_wait3A_1038 = tpu.memref_slice %arg3[%add3A_526] : memref<1843200xf32, #tpu.memory_space<hbm>> -> memref<720xf32, #tpu.memory_space<hbm>>
    %dma_wait3A_1039 = tpu.memref_slice %arg3[%add3A_526] : memref<1843200xf32, #tpu.memory_space<hbm>> -> memref<720xf32, #tpu.memory_space<hbm>>
    %dma_wait3A_1040 = arith.constant 46080 : i32
    %dma_wait3A_1041 = tpu.memref_slice %arg5[%dma_wait3A_1040] : memref<57600xf32, #tpu.memory_space<vmem>> -> memref<720xf32, #tpu.memory_space<vmem>>
    tpu.wait_dma2 semaphore(%arg6 : memref<!tpu.dma_semaphore, #tpu.memory_space<semaphore_mem>>) src(%dma_wait3A_1041 : memref<720xf32, #tpu.memory_space<vmem>>) dst(%dma_wait3A_1039 : memref<720xf32, #tpu.memory_space<hbm>>)
    %dma_wait3A_1042 = arith.constant 46800 : i32
    %dma_wait3A_1043 = tpu.memref_slice %arg5[%dma_wait3A_1042] : memref<57600xf32, #tpu.memory_space<vmem>> -> memref<720xf32, #tpu.memory_space<vmem>>
    %dma_wait3A_1044 = tpu.memref_slice %arg3[%add3A_534] : memref<1843200xf32, #tpu.memory_space<hbm>> -> memref<720xf32, #tpu.memory_space<hbm>>
    %dma_wait3A_1045 = tpu.memref_slice %arg3[%add3A_534] : memref<1843200xf32, #tpu.memory_space<hbm>> -> memref<720xf32, #tpu.memory_space<hbm>>
    %dma_wait3A_1046 = arith.constant 46800 : i32
    %dma_wait3A_1047 = tpu.memref_slice %arg5[%dma_wait3A_1046] : memref<57600xf32, #tpu.memory_space<vmem>> -> memref<720xf32, #tpu.memory_space<vmem>>
    tpu.wait_dma2 semaphore(%arg6 : memref<!tpu.dma_semaphore, #tpu.memory_space<semaphore_mem>>) src(%dma_wait3A_1047 : memref<720xf32, #tpu.memory_space<vmem>>) dst(%dma_wait3A_1045 : memref<720xf32, #tpu.memory_space<hbm>>)
    %dma_wait3A_1048 = arith.constant 47520 : i32
    %dma_wait3A_1049 = tpu.memref_slice %arg5[%dma_wait3A_1048] : memref<57600xf32, #tpu.memory_space<vmem>> -> memref<720xf32, #tpu.memory_space<vmem>>
    %dma_wait3A_1050 = tpu.memref_slice %arg3[%add3A_542] : memref<1843200xf32, #tpu.memory_space<hbm>> -> memref<720xf32, #tpu.memory_space<hbm>>
    %dma_wait3A_1051 = tpu.memref_slice %arg3[%add3A_542] : memref<1843200xf32, #tpu.memory_space<hbm>> -> memref<720xf32, #tpu.memory_space<hbm>>
    %dma_wait3A_1052 = arith.constant 47520 : i32
    %dma_wait3A_1053 = tpu.memref_slice %arg5[%dma_wait3A_1052] : memref<57600xf32, #tpu.memory_space<vmem>> -> memref<720xf32, #tpu.memory_space<vmem>>
    tpu.wait_dma2 semaphore(%arg6 : memref<!tpu.dma_semaphore, #tpu.memory_space<semaphore_mem>>) src(%dma_wait3A_1053 : memref<720xf32, #tpu.memory_space<vmem>>) dst(%dma_wait3A_1051 : memref<720xf32, #tpu.memory_space<hbm>>)
    %dma_wait3A_1054 = arith.constant 48240 : i32
    %dma_wait3A_1055 = tpu.memref_slice %arg5[%dma_wait3A_1054] : memref<57600xf32, #tpu.memory_space<vmem>> -> memref<720xf32, #tpu.memory_space<vmem>>
    %dma_wait3A_1056 = tpu.memref_slice %arg3[%add3A_550] : memref<1843200xf32, #tpu.memory_space<hbm>> -> memref<720xf32, #tpu.memory_space<hbm>>
    %dma_wait3A_1057 = tpu.memref_slice %arg3[%add3A_550] : memref<1843200xf32, #tpu.memory_space<hbm>> -> memref<720xf32, #tpu.memory_space<hbm>>
    %dma_wait3A_1058 = arith.constant 48240 : i32
    %dma_wait3A_1059 = tpu.memref_slice %arg5[%dma_wait3A_1058] : memref<57600xf32, #tpu.memory_space<vmem>> -> memref<720xf32, #tpu.memory_space<vmem>>
    tpu.wait_dma2 semaphore(%arg6 : memref<!tpu.dma_semaphore, #tpu.memory_space<semaphore_mem>>) src(%dma_wait3A_1059 : memref<720xf32, #tpu.memory_space<vmem>>) dst(%dma_wait3A_1057 : memref<720xf32, #tpu.memory_space<hbm>>)
    %dma_wait3A_1060 = arith.constant 48960 : i32
    %dma_wait3A_1061 = tpu.memref_slice %arg5[%dma_wait3A_1060] : memref<57600xf32, #tpu.memory_space<vmem>> -> memref<720xf32, #tpu.memory_space<vmem>>
    %dma_wait3A_1062 = tpu.memref_slice %arg3[%add3A_558] : memref<1843200xf32, #tpu.memory_space<hbm>> -> memref<720xf32, #tpu.memory_space<hbm>>
    %dma_wait3A_1063 = tpu.memref_slice %arg3[%add3A_558] : memref<1843200xf32, #tpu.memory_space<hbm>> -> memref<720xf32, #tpu.memory_space<hbm>>
    %dma_wait3A_1064 = arith.constant 48960 : i32
    %dma_wait3A_1065 = tpu.memref_slice %arg5[%dma_wait3A_1064] : memref<57600xf32, #tpu.memory_space<vmem>> -> memref<720xf32, #tpu.memory_space<vmem>>
    tpu.wait_dma2 semaphore(%arg6 : memref<!tpu.dma_semaphore, #tpu.memory_space<semaphore_mem>>) src(%dma_wait3A_1065 : memref<720xf32, #tpu.memory_space<vmem>>) dst(%dma_wait3A_1063 : memref<720xf32, #tpu.memory_space<hbm>>)
    %dma_wait3A_1066 = arith.constant 49680 : i32
    %dma_wait3A_1067 = tpu.memref_slice %arg5[%dma_wait3A_1066] : memref<57600xf32, #tpu.memory_space<vmem>> -> memref<720xf32, #tpu.memory_space<vmem>>
    %dma_wait3A_1068 = tpu.memref_slice %arg3[%add3A_566] : memref<1843200xf32, #tpu.memory_space<hbm>> -> memref<720xf32, #tpu.memory_space<hbm>>
    %dma_wait3A_1069 = tpu.memref_slice %arg3[%add3A_566] : memref<1843200xf32, #tpu.memory_space<hbm>> -> memref<720xf32, #tpu.memory_space<hbm>>
    %dma_wait3A_1070 = arith.constant 49680 : i32
    %dma_wait3A_1071 = tpu.memref_slice %arg5[%dma_wait3A_1070] : memref<57600xf32, #tpu.memory_space<vmem>> -> memref<720xf32, #tpu.memory_space<vmem>>
    tpu.wait_dma2 semaphore(%arg6 : memref<!tpu.dma_semaphore, #tpu.memory_space<semaphore_mem>>) src(%dma_wait3A_1071 : memref<720xf32, #tpu.memory_space<vmem>>) dst(%dma_wait3A_1069 : memref<720xf32, #tpu.memory_space<hbm>>)
    %dma_wait3A_1072 = arith.constant 50400 : i32
    %dma_wait3A_1073 = tpu.memref_slice %arg5[%dma_wait3A_1072] : memref<57600xf32, #tpu.memory_space<vmem>> -> memref<720xf32, #tpu.memory_space<vmem>>
    %dma_wait3A_1074 = tpu.memref_slice %arg3[%add3A_574] : memref<1843200xf32, #tpu.memory_space<hbm>> -> memref<720xf32, #tpu.memory_space<hbm>>
    %dma_wait3A_1075 = tpu.memref_slice %arg3[%add3A_574] : memref<1843200xf32, #tpu.memory_space<hbm>> -> memref<720xf32, #tpu.memory_space<hbm>>
    %dma_wait3A_1076 = arith.constant 50400 : i32
    %dma_wait3A_1077 = tpu.memref_slice %arg5[%dma_wait3A_1076] : memref<57600xf32, #tpu.memory_space<vmem>> -> memref<720xf32, #tpu.memory_space<vmem>>
    tpu.wait_dma2 semaphore(%arg6 : memref<!tpu.dma_semaphore, #tpu.memory_space<semaphore_mem>>) src(%dma_wait3A_1077 : memref<720xf32, #tpu.memory_space<vmem>>) dst(%dma_wait3A_1075 : memref<720xf32, #tpu.memory_space<hbm>>)
    %dma_wait3A_1078 = arith.constant 51120 : i32
    %dma_wait3A_1079 = tpu.memref_slice %arg5[%dma_wait3A_1078] : memref<57600xf32, #tpu.memory_space<vmem>> -> memref<720xf32, #tpu.memory_space<vmem>>
    %dma_wait3A_1080 = tpu.memref_slice %arg3[%add3A_582] : memref<1843200xf32, #tpu.memory_space<hbm>> -> memref<720xf32, #tpu.memory_space<hbm>>
    %dma_wait3A_1081 = tpu.memref_slice %arg3[%add3A_582] : memref<1843200xf32, #tpu.memory_space<hbm>> -> memref<720xf32, #tpu.memory_space<hbm>>
    %dma_wait3A_1082 = arith.constant 51120 : i32
    %dma_wait3A_1083 = tpu.memref_slice %arg5[%dma_wait3A_1082] : memref<57600xf32, #tpu.memory_space<vmem>> -> memref<720xf32, #tpu.memory_space<vmem>>
    tpu.wait_dma2 semaphore(%arg6 : memref<!tpu.dma_semaphore, #tpu.memory_space<semaphore_mem>>) src(%dma_wait3A_1083 : memref<720xf32, #tpu.memory_space<vmem>>) dst(%dma_wait3A_1081 : memref<720xf32, #tpu.memory_space<hbm>>)
    %dma_wait3A_1084 = arith.constant 51840 : i32
    %dma_wait3A_1085 = tpu.memref_slice %arg5[%dma_wait3A_1084] : memref<57600xf32, #tpu.memory_space<vmem>> -> memref<720xf32, #tpu.memory_space<vmem>>
    %dma_wait3A_1086 = tpu.memref_slice %arg3[%add3A_590] : memref<1843200xf32, #tpu.memory_space<hbm>> -> memref<720xf32, #tpu.memory_space<hbm>>
    %dma_wait3A_1087 = tpu.memref_slice %arg3[%add3A_590] : memref<1843200xf32, #tpu.memory_space<hbm>> -> memref<720xf32, #tpu.memory_space<hbm>>
    %dma_wait3A_1088 = arith.constant 51840 : i32
    %dma_wait3A_1089 = tpu.memref_slice %arg5[%dma_wait3A_1088] : memref<57600xf32, #tpu.memory_space<vmem>> -> memref<720xf32, #tpu.memory_space<vmem>>
    tpu.wait_dma2 semaphore(%arg6 : memref<!tpu.dma_semaphore, #tpu.memory_space<semaphore_mem>>) src(%dma_wait3A_1089 : memref<720xf32, #tpu.memory_space<vmem>>) dst(%dma_wait3A_1087 : memref<720xf32, #tpu.memory_space<hbm>>)
    %dma_wait3A_1090 = arith.constant 52560 : i32
    %dma_wait3A_1091 = tpu.memref_slice %arg5[%dma_wait3A_1090] : memref<57600xf32, #tpu.memory_space<vmem>> -> memref<720xf32, #tpu.memory_space<vmem>>
    %dma_wait3A_1092 = tpu.memref_slice %arg3[%add3A_598] : memref<1843200xf32, #tpu.memory_space<hbm>> -> memref<720xf32, #tpu.memory_space<hbm>>
    %dma_wait3A_1093 = tpu.memref_slice %arg3[%add3A_598] : memref<1843200xf32, #tpu.memory_space<hbm>> -> memref<720xf32, #tpu.memory_space<hbm>>
    %dma_wait3A_1094 = arith.constant 52560 : i32
    %dma_wait3A_1095 = tpu.memref_slice %arg5[%dma_wait3A_1094] : memref<57600xf32, #tpu.memory_space<vmem>> -> memref<720xf32, #tpu.memory_space<vmem>>
    tpu.wait_dma2 semaphore(%arg6 : memref<!tpu.dma_semaphore, #tpu.memory_space<semaphore_mem>>) src(%dma_wait3A_1095 : memref<720xf32, #tpu.memory_space<vmem>>) dst(%dma_wait3A_1093 : memref<720xf32, #tpu.memory_space<hbm>>)
    %dma_wait3A_1096 = arith.constant 53280 : i32
    %dma_wait3A_1097 = tpu.memref_slice %arg5[%dma_wait3A_1096] : memref<57600xf32, #tpu.memory_space<vmem>> -> memref<720xf32, #tpu.memory_space<vmem>>
    %dma_wait3A_1098 = tpu.memref_slice %arg3[%add3A_606] : memref<1843200xf32, #tpu.memory_space<hbm>> -> memref<720xf32, #tpu.memory_space<hbm>>
    %dma_wait3A_1099 = tpu.memref_slice %arg3[%add3A_606] : memref<1843200xf32, #tpu.memory_space<hbm>> -> memref<720xf32, #tpu.memory_space<hbm>>
    %dma_wait3A_1100 = arith.constant 53280 : i32
    %dma_wait3A_1101 = tpu.memref_slice %arg5[%dma_wait3A_1100] : memref<57600xf32, #tpu.memory_space<vmem>> -> memref<720xf32, #tpu.memory_space<vmem>>
    tpu.wait_dma2 semaphore(%arg6 : memref<!tpu.dma_semaphore, #tpu.memory_space<semaphore_mem>>) src(%dma_wait3A_1101 : memref<720xf32, #tpu.memory_space<vmem>>) dst(%dma_wait3A_1099 : memref<720xf32, #tpu.memory_space<hbm>>)
    %dma_wait3A_1102 = arith.constant 54000 : i32
    %dma_wait3A_1103 = tpu.memref_slice %arg5[%dma_wait3A_1102] : memref<57600xf32, #tpu.memory_space<vmem>> -> memref<720xf32, #tpu.memory_space<vmem>>
    %dma_wait3A_1104 = tpu.memref_slice %arg3[%add3A_614] : memref<1843200xf32, #tpu.memory_space<hbm>> -> memref<720xf32, #tpu.memory_space<hbm>>
    %dma_wait3A_1105 = tpu.memref_slice %arg3[%add3A_614] : memref<1843200xf32, #tpu.memory_space<hbm>> -> memref<720xf32, #tpu.memory_space<hbm>>
    %dma_wait3A_1106 = arith.constant 54000 : i32
    %dma_wait3A_1107 = tpu.memref_slice %arg5[%dma_wait3A_1106] : memref<57600xf32, #tpu.memory_space<vmem>> -> memref<720xf32, #tpu.memory_space<vmem>>
    tpu.wait_dma2 semaphore(%arg6 : memref<!tpu.dma_semaphore, #tpu.memory_space<semaphore_mem>>) src(%dma_wait3A_1107 : memref<720xf32, #tpu.memory_space<vmem>>) dst(%dma_wait3A_1105 : memref<720xf32, #tpu.memory_space<hbm>>)
    %dma_wait3A_1108 = arith.constant 54720 : i32
    %dma_wait3A_1109 = tpu.memref_slice %arg5[%dma_wait3A_1108] : memref<57600xf32, #tpu.memory_space<vmem>> -> memref<720xf32, #tpu.memory_space<vmem>>
    %dma_wait3A_1110 = tpu.memref_slice %arg3[%add3A_622] : memref<1843200xf32, #tpu.memory_space<hbm>> -> memref<720xf32, #tpu.memory_space<hbm>>
    %dma_wait3A_1111 = tpu.memref_slice %arg3[%add3A_622] : memref<1843200xf32, #tpu.memory_space<hbm>> -> memref<720xf32, #tpu.memory_space<hbm>>
    %dma_wait3A_1112 = arith.constant 54720 : i32
    %dma_wait3A_1113 = tpu.memref_slice %arg5[%dma_wait3A_1112] : memref<57600xf32, #tpu.memory_space<vmem>> -> memref<720xf32, #tpu.memory_space<vmem>>
    tpu.wait_dma2 semaphore(%arg6 : memref<!tpu.dma_semaphore, #tpu.memory_space<semaphore_mem>>) src(%dma_wait3A_1113 : memref<720xf32, #tpu.memory_space<vmem>>) dst(%dma_wait3A_1111 : memref<720xf32, #tpu.memory_space<hbm>>)
    %dma_wait3A_1114 = arith.constant 55440 : i32
    %dma_wait3A_1115 = tpu.memref_slice %arg5[%dma_wait3A_1114] : memref<57600xf32, #tpu.memory_space<vmem>> -> memref<720xf32, #tpu.memory_space<vmem>>
    %dma_wait3A_1116 = tpu.memref_slice %arg3[%add3A_630] : memref<1843200xf32, #tpu.memory_space<hbm>> -> memref<720xf32, #tpu.memory_space<hbm>>
    %dma_wait3A_1117 = tpu.memref_slice %arg3[%add3A_630] : memref<1843200xf32, #tpu.memory_space<hbm>> -> memref<720xf32, #tpu.memory_space<hbm>>
    %dma_wait3A_1118 = arith.constant 55440 : i32
    %dma_wait3A_1119 = tpu.memref_slice %arg5[%dma_wait3A_1118] : memref<57600xf32, #tpu.memory_space<vmem>> -> memref<720xf32, #tpu.memory_space<vmem>>
    tpu.wait_dma2 semaphore(%arg6 : memref<!tpu.dma_semaphore, #tpu.memory_space<semaphore_mem>>) src(%dma_wait3A_1119 : memref<720xf32, #tpu.memory_space<vmem>>) dst(%dma_wait3A_1117 : memref<720xf32, #tpu.memory_space<hbm>>)
    %dma_wait3A_1120 = arith.constant 56160 : i32
    %dma_wait3A_1121 = tpu.memref_slice %arg5[%dma_wait3A_1120] : memref<57600xf32, #tpu.memory_space<vmem>> -> memref<720xf32, #tpu.memory_space<vmem>>
    %dma_wait3A_1122 = tpu.memref_slice %arg3[%add3A_638] : memref<1843200xf32, #tpu.memory_space<hbm>> -> memref<720xf32, #tpu.memory_space<hbm>>
    %dma_wait3A_1123 = tpu.memref_slice %arg3[%add3A_638] : memref<1843200xf32, #tpu.memory_space<hbm>> -> memref<720xf32, #tpu.memory_space<hbm>>
    %dma_wait3A_1124 = arith.constant 56160 : i32
    %dma_wait3A_1125 = tpu.memref_slice %arg5[%dma_wait3A_1124] : memref<57600xf32, #tpu.memory_space<vmem>> -> memref<720xf32, #tpu.memory_space<vmem>>
    tpu.wait_dma2 semaphore(%arg6 : memref<!tpu.dma_semaphore, #tpu.memory_space<semaphore_mem>>) src(%dma_wait3A_1125 : memref<720xf32, #tpu.memory_space<vmem>>) dst(%dma_wait3A_1123 : memref<720xf32, #tpu.memory_space<hbm>>)
    %dma_wait3A_1126 = arith.constant 56880 : i32
    %dma_wait3A_1127 = tpu.memref_slice %arg5[%dma_wait3A_1126] : memref<57600xf32, #tpu.memory_space<vmem>> -> memref<720xf32, #tpu.memory_space<vmem>>
    %dma_wait3A_1128 = tpu.memref_slice %arg3[%add3A_646] : memref<1843200xf32, #tpu.memory_space<hbm>> -> memref<720xf32, #tpu.memory_space<hbm>>
    %dma_wait3A_1129 = tpu.memref_slice %arg3[%add3A_646] : memref<1843200xf32, #tpu.memory_space<hbm>> -> memref<720xf32, #tpu.memory_space<hbm>>
    %dma_wait3A_1130 = arith.constant 56880 : i32
    %dma_wait3A_1131 = tpu.memref_slice %arg5[%dma_wait3A_1130] : memref<57600xf32, #tpu.memory_space<vmem>> -> memref<720xf32, #tpu.memory_space<vmem>>
    tpu.wait_dma2 semaphore(%arg6 : memref<!tpu.dma_semaphore, #tpu.memory_space<semaphore_mem>>) src(%dma_wait3A_1131 : memref<720xf32, #tpu.memory_space<vmem>>) dst(%dma_wait3A_1129 : memref<720xf32, #tpu.memory_space<hbm>>)
    return
  }
}

</mosaic_0001>

<sc_bundles>
// kernel: _sc_decode.3.cloned.1.call-start
scs
__scs_entry_jumppad:
0x0: {  	(pc) =	sbr.rel $0x88, $3  }
0x1: {  	(tag) =	ssettag $0x0;
	lr =	simm.s32 $0x1  }
0x2: {  	[smem:$0x3FA0] =	sst lr;
	_ =	strace $0xD0000000  }
0x3: {  	_ = 	snop  }
0x4: {  	_ = 	snop  }
0x5: {  	_ = 	snop  }
0x6: {  	_ = 	snop  }
0x7: {  	_ = 	snop  }
__scs_overlays_trampoline_lowered:
0x8: {  	[smem:$0x3FAF] =	sst s0  }
0x9: {  	[smem:$0x3FB0] =	sst s1  }
0xa: {  	[smem:$0x3FB1] =	sst s2  }
0xb: {  	[smem:$0x3FB2] =	sst s3  }
0xc: {  	[smem:$0x3FB3] =	sst s4  }
0xd: {  	[smem:$0x3FB4] =	sst s5  }
0xe: {  	[smem:$0x3FB5] =	sst s6  }
0xf: {  	[smem:$0x3FB6] =	sst s7  }
0x10: {  	[smem:$0x3FB7] =	sst s8  }
0x11: {  	[smem:$0x3FB8] =	sst s9;
	s0 =	simm.s32 @!p0 $0x0  }
0x12: {  	s1 =	sld [smem:$0x3F9E];
	s0 =	simm.s32 @p0 $0x1  }
0x13: {  	[smem:$0x3FB9] =	sst s0;
	s0 =	simm.s32 @!p1 $0x0  }
0x14: {  	s2 =	sld [smem:$0x3F9D];
	s0 =	simm.s32 @p1 $0x1  }
0x15: {  	[smem:$0x3FBA] =	sst s0;
	s0 =	simm.s32 @!p2 $0x0  }
0x16: {  	s3 =	sld [smem:$0x3FDB];
	s0 =	simm.s32 @p2 $0x1  }
0x17: {  	s4 =	simm.s32 $0x1BF5;
	[smem:$0x3FBC] =	sst s0  }
0x18: {  	s0 =	sld [smem:$0x3F9F];
	_ =	swait.ge [sflag:s4], $0x0  }
0x19: {  	s7 =	sld [smem:$0x3FA0]  }
0x1a: {  	s8 =	sadd.s32 $0xFFFFE003, lr  }
0x1b: {  	s9 =	sadd.s32 $0xFFFFFEF7, lr;
	s5 =	simm.s32 $0xFFFFFFFF;
	p2 =	slt.u32 s8, $0xFFFFF086  }
0x1c: {  	p1 =	slt.u32 s9, $0xF7A;
	s5 =	simm.s32 @!p2 $0x0  }
0x1d: {  	s5 =	simm.s32 @p1 $0x1;
	p0 =	seq.s32 s7, s2  }
0x1e: {  	s7 =	smul.u32 @!p0 $0xF7A, s2;
	p2 =	seq.s32 @!p0 s5, $0x0  }
0x1f: {  	s9 =	smul.u32 $0xF7A, s1;
	s8 =	simm.s32 @!p0 $0x1BF5;
	p2 =	por !p2, p0  }
0x20: {  	[sflag:s8] =	ssyncset.s32 @!p0 $0xFFFFF086;
	s6 =	sadd.s32 @!p0 s3, s7;
	s7 =	simm.s32 @!p0 $0x108  }
0x21: {  	s3 =	sadd.s32 s3, s9;
	s6 =	sadd.s32 @!p0 $0x88, s6;
	s7 =	simm.s32 @p2 $0x1082  }
0x22: {  	[simem:s7], [sflag:s8] =	dma.local @!p0 [hbm:s6], $0xF7A  }
0x23: {  	s9 =	sor.u32 $0xD0000000, s2;
	s6 =	simm.s32 $0x108;
	_ =	swait.ge @!p0 [sflag:s8], $0x0  }
0x24: {  	s3 =	sadd.s32 $0x88, s3;
	s6 =	simm.s32 @!p1 $0x1082;
	[sflag:s4] =	ssyncset.s32 $0xFFFFF086  }
0x25: {  	[simem:s6], [sflag:s4] =	dma.local [hbm:s3], $0xF7A  }
0x26: {  	[smem:$0x3FA0] =	sst s1;
	(tag) =	ssettag s2;
	_ =	strace s9  }
0x27: {  	s1 =	sld [smem:$0x3FB0]  }
0x28: {  	s2 =	sld [smem:$0x3FB1]  }
0x29: {  	s4 =	sld [smem:$0x3FB3]  }
0x2a: {  	p0 =	seq.s32 s5, $0x0;
	s5 =	sld [smem:$0x3FB4]  }
0x2b: {  	s6 =	sld [smem:$0x3FB5]  }
0x2c: {  	s7 =	sld [smem:$0x3FB6]  }
0x2d: {  	s3 =	simm.s32 $0x108;
	s8 =	sld [smem:$0x3FB7]  }
0x2e: {  	s3 =	simm.s32 @!p0 $0x1082;
	s9 =	sld [smem:$0x3FB8]  }
0x2f: {  	lr =	sadd.s32 s0, s3;
	s0 =	sld [smem:$0x3FAF]  }
0x30: {  	s3 =	sld [smem:$0x3FB2]  }
0x31: {  	[smem:$0x3FBB] =	sst s10  }
0x32: {  	s10 =	sld [smem:$0x3FB9];
	_ =	sdelay $0x3  }
0x33: {  	p0 =	seq.s32 s10, $0x1;
	s10 =	sld [smem:$0x3FBB];
	_ =	sdelay $0x3  }
0x34: {  	[smem:$0x3FBB] =	sst s10  }
0x35: {  	s10 =	sld [smem:$0x3FBA];
	_ =	sdelay $0x3  }
0x36: {  	p1 =	seq.s32 s10, $0x1;
	s10 =	sld [smem:$0x3FBB];
	_ =	sdelay $0x3  }
0x37: {  	[smem:$0x3FBB] =	sst s10  }
0x38: {  	s10 =	sld [smem:$0x3FBC]  }
0x39: {  	_ = 	snop;
	(pc) =	sbr.ind lr, $3  }
0x3a: {  	_ = 	snop  }
0x3b: {  	_ = 	snop  }
0x3c: {  	p2 =	seq.s32 s10, $0x1;
	s10 =	sld [smem:$0x3FBB]  }
0x3d: {  	_ =	shalt  }
0x3e: {  	_ =	shalt  }
0x3f: {  	_ =	shalt  }
0x40: {  	_ =	shalt  }
0x41: {  	_ =	shalt  }
0x42: {  	_ =	shalt  }
0x43: {  	_ =	shalt  }
0x44: {  	_ =	shalt  }
0x45: {  	_ =	shalt  }
0x46: {  	_ =	shalt  }
0x47: {  	_ =	shalt  }
0x48: {  	_ =	shalt  }
0x49: {  	_ =	shalt  }
0x4a: {  	_ =	shalt  }
0x4b: {  	_ =	shalt  }
0x4c: {  	_ =	shalt  }
0x4d: {  	_ =	shalt  }
0x4e: {  	_ =	shalt  }
0x4f: {  	_ =	shalt  }
0x50: {  	_ =	shalt  }
0x51: {  	_ =	shalt  }
0x52: {  	_ =	shalt  }
0x53: {  	_ =	shalt  }
0x54: {  	_ =	shalt  }
0x55: {  	_ =	shalt  }
0x56: {  	_ =	shalt  }
0x57: {  	_ =	shalt  }
0x58: {  	_ =	shalt  }
0x59: {  	_ =	shalt  }
0x5a: {  	_ =	shalt  }
0x5b: {  	_ =	shalt  }
0x5c: {  	_ =	shalt  }
0x5d: {  	_ =	shalt  }
0x5e: {  	_ =	shalt  }
0x5f: {  	_ =	shalt  }
0x60: {  	_ =	shalt  }
0x61: {  	_ =	shalt  }
0x62: {  	_ =	shalt  }
0x63: {  	_ =	shalt  }
0x64: {  	_ =	shalt  }
0x65: {  	_ =	shalt  }
0x66: {  	_ =	shalt  }
0x67: {  	_ =	shalt  }
0x68: {  	_ =	shalt  }
0x69: {  	_ =	shalt  }
0x6a: {  	_ =	shalt  }
0x6b: {  	_ =	shalt  }
0x6c: {  	_ =	shalt  }
0x6d: {  	_ =	shalt  }
0x6e: {  	_ =	shalt  }
0x6f: {  	_ =	shalt  }
0x70: {  	_ =	shalt  }
0x71: {  	_ =	shalt  }
0x72: {  	_ =	shalt  }
0x73: {  	_ =	shalt  }
0x74: {  	_ =	shalt  }
0x75: {  	_ =	shalt  }
0x76: {  	_ =	shalt  }
0x77: {  	_ =	shalt  }
0x78: {  	_ =	shalt  }
0x79: {  	_ =	shalt  }
0x7a: {  	_ =	shalt  }
0x7b: {  	_ =	shalt  }
0x7c: {  	_ =	shalt  }
0x7d: {  	_ =	shalt  }
0x7e: {  	_ =	shalt  }
0x7f: {  	_ =	shalt  }
0x80: {  	_ =	shalt  }
0x81: {  	_ =	shalt  }
0x82: {  	_ =	shalt  }
0x83: {  	_ =	shalt  }
0x84: {  	_ =	shalt  }
0x85: {  	_ =	shalt  }
0x86: {  	_ =	shalt  }
0x87: {  	_ =	shalt  }
.Lfunc_end0:
.L_simem_size_0:
called_computation_lowered:
.L_overlay_start_0:
0x88: {  	s2 =	sld [smem:$0x3FD9]  }
0x89: {  	s3 =	sld [smem:$0x3FFE];
	_ =	sdelay $0x1  }
0x8a: {  	s1 =	srdreg.scid  }
0x8b: {  	s0 =	sand.u32 $0x1, s1  }
0x8c: {  	s18 =	sshll.u32 s0, $0xA;
	s2 =	sadd.s32 s3, s2  }
0x8d: {  	s2 =	sadd.s32 s2, s18  }
0x8e: {  	[smem:$0x3FC7] =	sst s2  }
0x8f: {  	_ = 	snop  }
0x90: {  	s2 =	sld [smem:$0x3FC9]  }
0x91: {  	s19 =	sld [smem:$0x3FD0];
	(tm) =	ssettm $0x1  }
0x92: {  	s4 =	sld [smem:$0x3FFB];
	_ =	sdelay $0x3  }
0x93: {  	_ =	strace s4  }
0x94: {  	s4 =	sld [smem:$0x3FFC];
	_ =	sdelay $0x3  }
0x95: {  	_ =	strace s4  }
0x96: {  	s4 =	sld [smem:$0x3FFD];
	_ =	sdelay $0x3  }
0x97: {  	_ =	strace s4  }
0x98: {  	_ =	strace $0x8FFFFFFF  }
0x99: {  	s20 =	sld [smem:$0x3FDB];
	_ =	sdelay $0x1  }
0x9a: {  	s5 =	simm.s32 $_scs_section_size  }
0x9b: {  	s6 =	simm.s32 $_size__tile_overlayer_lowered;
	s7 =	simm.s32 $_tile_overlayer_lowered  }
0x9c: {  	s23 =	simm.s32 $0x1BFF;
	s22 =	sshll.u32 s7, $0x1;
	s4 =	sadd.s32 s5, s20  }
0x9d: {  	s8 =	simm.s32 $0x0;
	s21 =	sshll.u32 s6, $0x1;
	s6 =	sadd.s32 s22, s4  }
0x9e: {  	[timem:s8], [sflag:s23] =	dma.local [hbm:s6], s21  }
0x9f: {  	_ =	swait.ge [sflag:s23], s21  }
0xa0: {  	s5 =	ssub.s32 $0x0, s21;
	[sflag:s23] =	ssyncset.done $0x0  }
0xa1: {  	[sflag:s23] =	ssyncadd.s32 s5;
	_ =	sdelay $0x1  }
0xa2: {  	s24 =	simm.s32 $0x1B8B  }
0xa3: {  	_ =	swait.ge [sflag:s24], $0x1  }
0xa4: {  	[sflag:s24] =	ssyncset.done $0x0  }
0xa5: {  	s25 =	simm.s32 $0x1B8E;
	[sflag:s24] =	ssyncadd.s32 $0xFFFFFFFF  }
0xa6: {  	s26 =	simm.s32 $execute0_lowered;
	[smem:$0x3FD2] =	sst s25  }
0xa7: {  	s5 =	sshll.u32 s26, $0x1;
	_ =	strace $0x80000046;
	[dreg:$0x1] =	wrdreg $0xFFFFFFFF  }
0xa8: {  	s28 =	simm.s32 $_size_execute0_lowered;
	s4 =	sadd.s32 s4, s5;
	[dreg:$0x0] =	wrdreg $0x0  }
0xa9: {  	s5 =	sshll.u32 s28, $0x1;
	[dreg:$0x2] =	wrdreg s4  }
0xaa: {  	[dreg:$0x3] =	wrdreg s5  }
0xab: {  	[dreg:$0x4] =	wrdreg $0xC0  }
0xac: {  	_ =	task [dreg:s8], $0x5FFFF  }
0xad: {  	[dreg:$0x1] =	wrdreg $0xFFFFFFFF  }
0xae: {  	[dreg:$0x0] =	wrdreg $0x60  }
0xaf: {  	[dreg:$0x2] =	wrdreg s2  }
0xb0: {  	[dreg:$0x3] =	wrdreg s19  }
0xb1: {  	[dreg:$0x4] =	wrdreg $0x9  }
0xb2: {  	_ =	task.clear_ibuf [dreg:s8], $0x5FFFF;
	_ =	strace $0x90000046  }
0xb3: {  	s29 =	simm.s32 $0x9;
	_ =	strace $0x80000048  }
0xb4: {  	_ =	swait.ge [sflag:s29], $0x1  }
0xb5: {  	[sflag:s29] =	ssyncadd.s32 $0xFFFFFFFF  }
0xb6: {  	_ =	strace $0x90000048  }
0xb7: {  	_ =	sfence  }
0xb8: {  	s30 =	sld [smem:$0x0];
	_ =	sdelay $0x2  }
0xb9: {  	s31 =	sshll.u32 s1, $0xD;
	s1 =	sshrl.u32 s1, $0x2  }
0xba: {  	s3 =	sand.u32 $0x4000, s31;
	s1 =	sadd.s32 s1, s30  }
0xbb: {  	s0 =	sor.u32 s3, s0;
	s1 =	sshll.u32 s1, $0x11  }
0xbc: {  	s0 =	sor.u32 s1, s0  }
0xbd: {  	s0 =	sadd.s32 $0x8F2B, s0  }
0xbe: {  	[sflag:s0] =	ssyncadd.remote.s32 $0x1  }
0xbf: {  	_ =	sfence.sel $0xFFFF  }
0xc0: {  	[dreg:$0x0] =	wrdreg $0xFFFFFFFF;
	(pc) =	sbr.abs _section_cstart, $3  }
0xc1: {  	[dreg:$0x1] =	wrdreg $0xFFFFFFFF  }
0xc2: {  	_ =	task.clear_ibuf [dreg:s8], $0x2FFFF;
	_ =	strace $0x9FFFFFFF  }
0xc3: {  	(tm) =	ssettm $0x7FFFFFFF  }
tec
execute0_lowered:
.L_overlay_start_1:
0x0: {  	(tag) =	ssettag $0x1  }
0x1: {  	s0 =	srdreg.scid;
	s2 =	stileid.u32  }
0x2: {  	s1 =	rddreg [dreg:$0x0];
	s0 =	sand.u32 $0x1, s0;
	s2 =	sshll.u32 s2, $0x1  }
0x3: {  	s4 =	rddreg [dreg:$0x1];
	s5 =	sor.u32 s0, s2  }
0x4: {  	s2 =	simm.s32 $0x0;
	s0 =	ssub.s32 $0x2, s0;
	s7 =	smul.u32 $0x1DE2, s5  }
0x5: {  	s3 =	smul.u32 $0x2D0, s5;
	[smem:$0x7FF] =	sst s2;
	s6 =	sshrl.u32 s0, $0x1  }
0x6: {  	_ =	strace $0x80000047;
	s0 =	ssub.s32 s0, s6;
	s11 =	sadd.s32 s1, s7  }
0x7: {  	s8 =	sshrl.u32 s3, $0x3;
	s1 =	sadd.s32 $0x39E5E, s1;
	[dreg:$0x3] =	wrdreg s11  }
0x8: {  	s0 =	smax.u32 s0, $0x1;
	s4 =	sadd.s32 s4, s8;
	[dreg:$0x4] =	wrdreg s1  }
0x9: {  	[dreg:$0x17] =	wrdreg s0;
	s12 =	sadd.s32 $0xB40, s4  }
0xa: {  	s13 =	sadd.s32 $0x1680, s4;
	[dreg:$0x5] =	wrdreg s12  }
0xb: {  	s14 =	sadd.s32 $0x21C0, s4;
	[dreg:$0x6] =	wrdreg s13  }
0xc: {  	s15 =	sadd.s32 $0x2D00, s4;
	[dreg:$0x7] =	wrdreg s14  }
0xd: {  	s16 =	sadd.s32 $0x3840, s4;
	[dreg:$0x8] =	wrdreg s15  }
0xe: {  	s17 =	sadd.s32 $0x4380, s4;
	[dreg:$0x9] =	wrdreg s16  }
0xf: {  	s18 =	sadd.s32 $0x4EC0, s4;
	[dreg:$0xa] =	wrdreg s17  }
0x10: {  	s19 =	sadd.s32 $0x5A00, s4;
	[dreg:$0xb] =	wrdreg s18  }
0x11: {  	s20 =	sadd.s32 $0x6540, s4;
	[dreg:$0xc] =	wrdreg s19  }
0x12: {  	s21 =	sadd.s32 $0x7080, s4;
	[dreg:$0xd] =	wrdreg s20  }
0x13: {  	s22 =	sadd.s32 $0x7BC0, s4;
	[dreg:$0xe] =	wrdreg s21  }
0x14: {  	s23 =	sadd.s32 $0x8700, s4;
	[dreg:$0xf] =	wrdreg s22  }
0x15: {  	s24 =	sadd.s32 $0x9240, s4;
	[dreg:$0x10] =	wrdreg s23  }
0x16: {  	s25 =	sadd.s32 $0x9D80, s4;
	[dreg:$0x11] =	wrdreg s24  }
0x17: {  	s26 =	sadd.s32 $0xA8C0, s4;
	[dreg:$0x12] =	wrdreg s25  }
0x18: {  	s6 =	sadd.s32 $0xB400, s4;
	[dreg:$0x13] =	wrdreg s26  }
0x19: {  	s7 =	sadd.s32 $0xBF40, s4;
	[dreg:$0x14] =	wrdreg s6  }
0x1a: {  	s8 =	sadd.s32 $0xCA80, s4;
	[dreg:$0x15] =	wrdreg s7  }
0x1b: {  	s9 =	sadd.s32 $0xD5C0, s4;
	[dreg:$0x16] =	wrdreg s8  }
0x1c: {  	s10 =	sadd.s32 $0xE100, s4;
	[dreg:$0x18] =	wrdreg s9  }
0x1d: {  	s11 =	sadd.s32 $0xEC40, s4;
	[dreg:$0x19] =	wrdreg s10  }
0x1e: {  	s1 =	sadd.s32 $0x1A040, s4;
	[dreg:$0x1a] =	wrdreg s11  }
0x1f: {  	p0 =	seq.s32 s5, $0x1F;
	s5 =	sadd.s32 $0x1AB80, s4;
	[smem:$0x7E7] =	sst s1  }
0x20: {  	s12 =	sadd.s32 $0xF780, s4;
	[smem:$0x7E8] =	sst s5  }
0x21: {  	s13 =	sadd.s32 $0x102C0, s4;
	[dreg:$0x1b] =	wrdreg s12  }
0x22: {  	s14 =	sadd.s32 $0x10E00, s4;
	[dreg:$0x1c] =	wrdreg s13  }
0x23: {  	s15 =	sadd.s32 $0x11940, s4;
	[dreg:$0x1d] =	wrdreg s14  }
0x24: {  	s16 =	sadd.s32 $0x12480, s4;
	[dreg:$0x1e] =	wrdreg s15  }
0x25: {  	s17 =	sadd.s32 $0x12FC0, s4;
	[dreg:$0x1f] =	wrdreg s16  }
0x26: {  	s18 =	sadd.s32 $0x13B00, s4;
	[smem:$0x7DD] =	sst s17  }
0x27: {  	s19 =	sadd.s32 $0x14640, s4;
	[smem:$0x7DE] =	sst s18  }
0x28: {  	s20 =	sadd.s32 $0x15180, s4;
	[smem:$0x7DF] =	sst s19  }
0x29: {  	s21 =	sadd.s32 $0x15CC0, s4;
	[smem:$0x7E0] =	sst s20  }
0x2a: {  	s22 =	sadd.s32 $0x16800, s4;
	[smem:$0x7E1] =	sst s21  }
0x2b: {  	s23 =	sadd.s32 $0x17340, s4;
	[smem:$0x7E2] =	sst s22  }
0x2c: {  	s24 =	sadd.s32 $0x17E80, s4;
	[smem:$0x7E3] =	sst s23  }
0x2d: {  	s25 =	sadd.s32 $0x189C0, s4;
	[smem:$0x7E4] =	sst s24  }
0x2e: {  	s26 =	sadd.s32 $0x19500, s4;
	[smem:$0x7E5] =	sst s25  }
0x2f: {  	s6 =	sadd.s32 $0x1B6C0, s4;
	[smem:$0x7E6] =	sst s26  }
0x30: {  	s7 =	sadd.s32 $0x1C200, s4;
	[smem:$0x7E9] =	sst s6  }
0x31: {  	s8 =	sadd.s32 $0x1CD40, s4;
	[smem:$0x7EA] =	sst s7  }
0x32: {  	s9 =	sadd.s32 $0x1D880, s4;
	[smem:$0x7EB] =	sst s8  }
0x33: {  	s10 =	sadd.s32 $0x1E3C0, s4;
	[smem:$0x7EC] =	sst s9  }
0x34: {  	s11 =	sadd.s32 $0x1EF00, s4;
	[smem:$0x7ED] =	sst s10  }
0x35: {  	[smem:$0x7EE] =	sst s11;
	s12 =	sadd.s32 $0x1FA40, s4  }
0x36: {  	s13 =	sadd.s32 $0x20580, s4;
	[smem:$0x7EF] =	sst s12  }
0x37: {  	s14 =	sadd.s32 $0x210C0, s4;
	[smem:$0x7F0] =	sst s13  }
0x38: {  	s15 =	sadd.s32 $0x21C00, s4;
	[smem:$0x7F1] =	sst s14  }
0x39: {  	s16 =	sadd.s32 $0x22740, s4;
	[smem:$0x7F2] =	sst s15  }
0x3a: {  	s17 =	sadd.s32 $0x23280, s4;
	[smem:$0x7F3] =	sst s16  }
0x3b: {  	s18 =	sadd.s32 $0x23DC0, s4;
	[smem:$0x7F4] =	sst s17  }
0x3c: {  	s19 =	sadd.s32 $0x24900, s4;
	[smem:$0x7F5] =	sst s18  }
0x3d: {  	s20 =	sadd.s32 $0x25440, s4;
	[smem:$0x7F6] =	sst s19  }
0x3e: {  	s21 =	sadd.s32 $0x25F80, s4;
	[smem:$0x7F7] =	sst s20  }
0x3f: {  	s0 =	simm.s32 $0x0;
	s22 =	sadd.s32 $0x26AC0, s4;
	[smem:$0x7F8] =	sst s21  }
0x40: {  	s28 =	sadd.s32 $0x35700, s4;
	s23 =	sadd.s32 $0x27600, s4;
	[smem:$0x7F9] =	sst s22  }
0x41: {  	s29 =	sadd.s32 $0x36240, s4;
	s24 =	sadd.s32 $0x28140, s4;
	[smem:$0x7FA] =	sst s23  }
0x42: {  	s30 =	sadd.s32 $0x36D80, s4;
	s25 =	sadd.s32 $0x28C80, s4;
	[smem:$0x7FB] =	sst s24  }
0x43: {  	s31 =	sadd.s32 $0x378C0, s4;
	s26 =	sadd.s32 $0x297C0, s4;
	[smem:$0x7FC] =	sst s25  }
0x44: {  	s1 =	simm.s32 $0x1;
	s11 =	sadd.s32 $0x2A300, s4;
	[smem:$0x7FD] =	sst s26  }
0x45: {  	s12 =	sadd.s32 $0x2AE40, s4;
	s13 =	sadd.s32 $0x2B980, s4;
	s14 =	sadd.s32 $0x2C4C0, s4  }
0x46: {  	v1 =	vlaneseq.u32;
	s15 =	sadd.s32 $0x2D000, s4;
	s16 =	sadd.s32 $0x2DB40, s4;
	s17 =	sadd.s32 $0x2E680, s4  }
0x47: {  	v0 =	vmul.u32 $0x55, v1;
	v2 =	vmul.u32 $0xFFFFFFFF, v1;
	s18 =	sadd.s32 $0x2F1C0, s4;
	s19 =	sadd.s32 $0x2FD00, s4;
	s20 =	sadd.s32 $0x30840, s4  }
0x48: {  	s21 =	sadd.s32 $0x31380, s4;
	s22 =	sadd.s32 $0x31EC0, s4;
	s23 =	sadd.s32 $0x32A00, s4  }
0x49: {  	v1 =	vadd.s32 $0x4, v0;
	v2 =	vadd.s32 $0x58D7, v2;
	s24 =	sadd.s32 $0x33540, s4;
	s25 =	sadd.s32 $0x34080, s4;
	s26 =	sadd.s32 $0x34BC0, s4  }
.LBB2_1:
0x4a: {  	s5 =	simm.s32 @p0 $0x0;
	s6 =	rddreg [dreg:$0x4]  }
0x4b: {  	[tilespmem:s5], [sflag:$0x2] =	stream.linear.gather @p0 [hbm4b:s6+s5], $0x8C73, $0x38;
	[tilespmem:$0x1D080] =	vst v63  }
0x4c: {  	s5 =	simm.s32 @p0 $0x2  }
0x4d: {  	_ =	swait.ge @p0 [sflag:s5], $0x8C73  }
0x4e: {  	[sflag:s5] =	ssyncset.done @p0 $0x0  }
0x4f: {  	s6 =	rddreg [dreg:$0x3];
	[sflag:s5] =	ssyncadd.s32 @p0 $0xFFFF738D;
	s5 =	simm.s32 @!p0 $0x0  }
0x50: {  	[tilespmem:s5], [sflag:$0x2] =	stream.linear.gather @!p0 [hbm4b:s6+s5], $0xEF10, $0x38;
	[tilespmem:$0x1D080] =	vst v63  }
0x51: {  	s5 =	simm.s32 @!p0 $0x2  }
0x52: {  	_ =	swait.ge @!p0 [sflag:s5], $0xEF10  }
0x53: {  	[sflag:s5] =	ssyncset.done @!p0 $0x0  }
0x54: {  	s8 =	simm.s32 $0xFD90;
	s6 =	simm.s32 $0x0;
	[sflag:s5] =	ssyncadd.s32 @!p0 $0xFFFF10F0  }
.LBB2_2:
0x55: {  	s5 =	sshll.u32 s6, $0x4  }
0x56: {  	v3 =	vmov s5  }
0x57: {  	v3 =	vmul.u32 $0x55, v3;
	_ =	sdelay $0x1  }
0x58: {  	v3 =	vbroadcast v3, $0x0;
	_ =	sdelay $0x1  }
0x59: {  	v4 =	vadd.s32 v1, v3;
	_ =	sdelay $0x4  }
0x5a: {  	v4 =	vld.idx.msk [tilespmem:v4+s2+$0x0], $0xffff;
	_ =	sdelay $0x4  }
0x5b: {  	v5 =	vsub.f32 $0.0e+00, v4;
	_ =	sdelay $0x1  }
0x5c: {  	s7 =	simm.s32 $0x5;
	v4 =	vadd.s32 v0, v3;
	v3 =	vmul.f32 $1.442695020e+00, v5  }
0x5d: {  	v5 =	vadd.s32 s7, v4  }
0x5e: {  	(erf) = vpow2.f32 v3;
	_ =	sdelay $0x3  }
0x5f: {  	v3 =	vld.idx.msk [tilespmem:v5+s2+$0x0], $0xffff;
	_ =	sdelay $0x4  }
0x60: {  	v3 =	vsub.f32 $0.0e+00, v3;
	v5 =	vpop (erf)  }
0x61: {  	v5 =	vadd.f32 $1.000000000e+00, v5  }
0x62: {  	v3 =	vmul.f32 $1.442695020e+00, v3  }
0x63: {  	(erf) = vrcp.f32 v5  }
0x64: {  	(erf) = vpow2.f32 v3;
	_ =	sdelay $0x7  }
0x65: {  	v3 =	vpop (erf)  }
0x66: {  	v5 =	vpop (erf)  }
0x67: {  	v5 =	vadd.f32 $1.000000000e+00, v5;
	_ =	sdelay $0x1  }
0x68: {  	(erf) = vrcp.f32 v5;
	_ =	sdelay $0x8  }
0x69: {  	v5 =	vpop (erf)  }
0x6a: {  	s10 =	simm.s32 $0x6;
	s5 =	sadd.s32 s3, s5;
	v5 =	vmul.f32 v5, v3  }
0x6b: {  	v6 =	vmov s5;
	v7 =	vadd.s32 s10, v4  }
0x6c: {  	vm0 =	vlt.u32 v6, v2;
	vm1 =	vge.f32 v5, $2.000000030e-01  }
0x6d: {  	vm1 =	vmand vm0, vm1  }
0x6e: {  	v5 =	vnsel vm1, $0xFF800000, v5  }
0x6f: {  	[tilespmem:s8+$0xFFFFF1F0] =	vst v5  }
0x70: {  	v5 =	vld.idx.msk [tilespmem:v7+s2+$0x0], $0xffff;
	_ =	sdelay $0x4  }
0x71: {  	v5 =	vsub.f32 $0.0e+00, v5;
	_ =	sdelay $0x1  }
0x72: {  	v5 =	vmul.f32 $1.442695020e+00, v5;
	_ =	sdelay $0x1  }
0x73: {  	(erf) = vpow2.f32 v5;
	_ =	sdelay $0x8  }
0x74: {  	v5 =	vpop (erf)  }
0x75: {  	v5 =	vadd.f32 $1.000000000e+00, v5;
	_ =	sdelay $0x1  }
0x76: {  	(erf) = vrcp.f32 v5;
	_ =	sdelay $0x8  }
0x77: {  	v5 =	vpop (erf)  }
0x78: {  	s9 =	simm.s32 $0x7;
	v5 =	vmul.f32 v5, v3  }
0x79: {  	v6 =	vadd.s32 s9, v4  }
0x7a: {  	vm1 =	vge.f32 v5, $2.000000030e-01  }
0x7b: {  	vm1 =	vmand vm0, vm1  }
0x7c: {  	v5 =	vnsel vm1, $0xFF800000, v5  }
0x7d: {  	[tilespmem:s8+$0xFFFFF4C0] =	vst v5  }
0x7e: {  	v5 =	vld.idx.msk [tilespmem:v6+s2+$0x0], $0xffff;
	_ =	sdelay $0x4  }
0x7f: {  	v5 =	vsub.f32 $0.0e+00, v5;
	_ =	sdelay $0x1  }
0x80: {  	v5 =	vmul.f32 $1.442695020e+00, v5;
	_ =	sdelay $0x1  }
0x81: {  	(erf) = vpow2.f32 v5;
	_ =	sdelay $0x8  }
0x82: {  	v5 =	vpop (erf)  }
0x83: {  	v5 =	vadd.f32 $1.000000000e+00, v5;
	_ =	sdelay $0x1  }
0x84: {  	(erf) = vrcp.f32 v5;
	_ =	sdelay $0x8  }
0x85: {  	v5 =	vpop (erf)  }
0x86: {  	s10 =	simm.s32 $0x8;
	v5 =	vmul.f32 v5, v3  }
0x87: {  	v6 =	vadd.s32 s10, v4  }
0x88: {  	vm1 =	vge.f32 v5, $2.000000030e-01  }
0x89: {  	vm1 =	vmand vm0, vm1  }
0x8a: {  	v5 =	vnsel vm1, $0xFF800000, v5  }
0x8b: {  	[tilespmem:s8+$0xFFFFF790] =	vst v5  }
0x8c: {  	v5 =	vld.idx.msk [tilespmem:v6+s2+$0x0], $0xffff;
	_ =	sdelay $0x4  }
0x8d: {  	v5 =	vsub.f32 $0.0e+00, v5;
	_ =	sdelay $0x1  }
0x8e: {  	v5 =	vmul.f32 $1.442695020e+00, v5;
	_ =	sdelay $0x1  }
0x8f: {  	(erf) = vpow2.f32 v5;
	_ =	sdelay $0x8  }
0x90: {  	v5 =	vpop (erf)  }
0x91: {  	v5 =	vadd.f32 $1.000000000e+00, v5;
	_ =	sdelay $0x1  }
0x92: {  	(erf) = vrcp.f32 v5;
	_ =	sdelay $0x8  }
0x93: {  	v5 =	vpop (erf)  }
0x94: {  	s7 =	simm.s32 $0x9;
	v5 =	vmul.f32 v5, v3  }
0x95: {  	v6 =	vadd.s32 s7, v4  }
0x96: {  	vm1 =	vge.f32 v5, $2.000000030e-01  }
0x97: {  	vm1 =	vmand vm0, vm1  }
0x98: {  	v5 =	vnsel vm1, $0xFF800000, v5  }
0x99: {  	[tilespmem:s8+$0xFFFFFA60] =	vst v5  }
0x9a: {  	v5 =	vld.idx.msk [tilespmem:v6+s2+$0x0], $0xffff;
	_ =	sdelay $0x4  }
0x9b: {  	v5 =	vsub.f32 $0.0e+00, v5;
	_ =	sdelay $0x1  }
0x9c: {  	v5 =	vmul.f32 $1.442695020e+00, v5;
	_ =	sdelay $0x1  }
0x9d: {  	(erf) = vpow2.f32 v5;
	_ =	sdelay $0x8  }
0x9e: {  	v5 =	vpop (erf)  }
0x9f: {  	v5 =	vadd.f32 $1.000000000e+00, v5;
	_ =	sdelay $0x1  }
0xa0: {  	(erf) = vrcp.f32 v5;
	_ =	sdelay $0x8  }
0xa1: {  	v5 =	vpop (erf)  }
0xa2: {  	s9 =	simm.s32 $0xA;
	v5 =	vmul.f32 v5, v3  }
0xa3: {  	v6 =	vadd.s32 s9, v4  }
0xa4: {  	vm1 =	vge.f32 v5, $2.000000030e-01  }
0xa5: {  	vm1 =	vmand vm0, vm1  }
0xa6: {  	v5 =	vnsel vm1, $0xFF800000, v5  }
0xa7: {  	[tilespmem:s8+$0xFFFFFD30] =	vst v5  }
0xa8: {  	v5 =	vld.idx.msk [tilespmem:v6+s2+$0x0], $0xffff;
	_ =	sdelay $0x4  }
0xa9: {  	v5 =	vsub.f32 $0.0e+00, v5;
	_ =	sdelay $0x1  }
0xaa: {  	v5 =	vmul.f32 $1.442695020e+00, v5;
	_ =	sdelay $0x1  }
0xab: {  	(erf) = vpow2.f32 v5;
	_ =	sdelay $0x8  }
0xac: {  	v5 =	vpop (erf)  }
0xad: {  	v5 =	vadd.f32 $1.000000000e+00, v5;
	_ =	sdelay $0x1  }
0xae: {  	(erf) = vrcp.f32 v5;
	_ =	sdelay $0x8  }
0xaf: {  	v5 =	vpop (erf)  }
0xb0: {  	s10 =	simm.s32 $0xB;
	v5 =	vmul.f32 v5, v3  }
0xb1: {  	v6 =	vadd.s32 s10, v4  }
0xb2: {  	vm1 =	vge.f32 v5, $2.000000030e-01  }
0xb3: {  	vm1 =	vmand vm0, vm1  }
0xb4: {  	v5 =	vnsel vm1, $0xFF800000, v5  }
0xb5: {  	[tilespmem:s8+$0x0] =	vst v5  }
0xb6: {  	v5 =	vld.idx.msk [tilespmem:v6+s2+$0x0], $0xffff;
	_ =	sdelay $0x4  }
0xb7: {  	v5 =	vsub.f32 $0.0e+00, v5;
	_ =	sdelay $0x1  }
0xb8: {  	v5 =	vmul.f32 $1.442695020e+00, v5;
	_ =	sdelay $0x1  }
0xb9: {  	(erf) = vpow2.f32 v5;
	_ =	sdelay $0x8  }
0xba: {  	v5 =	vpop (erf)  }
0xbb: {  	v5 =	vadd.f32 $1.000000000e+00, v5;
	_ =	sdelay $0x1  }
0xbc: {  	(erf) = vrcp.f32 v5;
	_ =	sdelay $0x8  }
0xbd: {  	v5 =	vpop (erf)  }
0xbe: {  	s7 =	simm.s32 $0xC;
	v5 =	vmul.f32 v5, v3  }
0xbf: {  	v6 =	vadd.s32 s7, v4  }
0xc0: {  	vm1 =	vge.f32 v5, $2.000000030e-01  }
0xc1: {  	vm1 =	vmand vm0, vm1  }
0xc2: {  	v5 =	vnsel vm1, $0xFF800000, v5  }
0xc3: {  	[tilespmem:s8+$0x2D0] =	vst v5  }
0xc4: {  	v5 =	vld.idx.msk [tilespmem:v6+s2+$0x0], $0xffff;
	_ =	sdelay $0x4  }
0xc5: {  	v5 =	vsub.f32 $0.0e+00, v5;
	_ =	sdelay $0x1  }
0xc6: {  	v5 =	vmul.f32 $1.442695020e+00, v5;
	_ =	sdelay $0x1  }
0xc7: {  	(erf) = vpow2.f32 v5;
	_ =	sdelay $0x8  }
0xc8: {  	v5 =	vpop (erf)  }
0xc9: {  	v5 =	vadd.f32 $1.000000000e+00, v5;
	_ =	sdelay $0x1  }
0xca: {  	(erf) = vrcp.f32 v5;
	_ =	sdelay $0x8  }
0xcb: {  	v5 =	vpop (erf)  }
0xcc: {  	s9 =	simm.s32 $0xD;
	v5 =	vmul.f32 v5, v3  }
0xcd: {  	v6 =	vadd.s32 s9, v4  }
0xce: {  	vm1 =	vge.f32 v5, $2.000000030e-01  }
0xcf: {  	vm1 =	vmand vm0, vm1  }
0xd0: {  	v5 =	vnsel vm1, $0xFF800000, v5  }
0xd1: {  	[tilespmem:s8+$0x5A0] =	vst v5  }
0xd2: {  	v5 =	vld.idx.msk [tilespmem:v6+s2+$0x0], $0xffff;
	_ =	sdelay $0x4  }
0xd3: {  	v5 =	vsub.f32 $0.0e+00, v5;
	_ =	sdelay $0x1  }
0xd4: {  	v5 =	vmul.f32 $1.442695020e+00, v5;
	_ =	sdelay $0x1  }
0xd5: {  	(erf) = vpow2.f32 v5;
	_ =	sdelay $0x8  }
0xd6: {  	v5 =	vpop (erf)  }
0xd7: {  	v5 =	vadd.f32 $1.000000000e+00, v5;
	_ =	sdelay $0x1  }
0xd8: {  	(erf) = vrcp.f32 v5;
	_ =	sdelay $0x8  }
0xd9: {  	v5 =	vpop (erf)  }
0xda: {  	s10 =	simm.s32 $0xE;
	v5 =	vmul.f32 v5, v3  }
0xdb: {  	v6 =	vadd.s32 s10, v4  }
0xdc: {  	vm1 =	vge.f32 v5, $2.000000030e-01  }
0xdd: {  	vm1 =	vmand vm0, vm1  }
0xde: {  	v5 =	vnsel vm1, $0xFF800000, v5  }
0xdf: {  	[tilespmem:s8+$0x870] =	vst v5  }
0xe0: {  	v5 =	vld.idx.msk [tilespmem:v6+s2+$0x0], $0xffff;
	_ =	sdelay $0x4  }
0xe1: {  	v5 =	vsub.f32 $0.0e+00, v5;
	_ =	sdelay $0x1  }
0xe2: {  	v5 =	vmul.f32 $1.442695020e+00, v5;
	_ =	sdelay $0x1  }
0xe3: {  	(erf) = vpow2.f32 v5;
	_ =	sdelay $0x8  }
0xe4: {  	v5 =	vpop (erf)  }
0xe5: {  	v5 =	vadd.f32 $1.000000000e+00, v5;
	_ =	sdelay $0x1  }
0xe6: {  	(erf) = vrcp.f32 v5;
	_ =	sdelay $0x8  }
0xe7: {  	s5 =	smov.u32 s8;
	v5 =	vpop (erf)  }
0xe8: {  	s7 =	simm.s32 $0x18;
	s9 =	simm.s32 $0x22;
	s10 =	simm.s32 $0xF;
	v5 =	vmul.f32 v5, v3  }
.LBB2_3:
0xe9: {  	p1 =	sne.s32 s9, $0x54;
	v6 =	vadd.s32 s10, v4  }
0xea: {  	vm1 =	vge.f32 v5, $2.000000030e-01  }
0xeb: {  	vm1 =	vmand vm0, vm1  }
0xec: {  	v5 =	vnsel vm1, $0xFF800000, v5  }
0xed: {  	[tilespmem:s5+$0xB40] =	vst v5  }
0xee: {  	v5 =	vld.idx.msk [tilespmem:v6+s2+$0x0], $0xffff;
	_ =	sdelay $0x5  }
0xef: {  	v5 =	vsub.f32 $0.0e+00, v5;
	_ =	sdelay $0x1  }
0xf0: {  	v5 =	vmul.f32 $1.442695020e+00, v5;
	_ =	sdelay $0x1  }
0xf1: {  	(erf) = vpow2.f32 v5;
	_ =	sdelay $0x8  }
0xf2: {  	v5 =	vpop (erf)  }
0xf3: {  	v5 =	vadd.f32 $1.000000000e+00, v5;
	_ =	sdelay $0x1  }
0xf4: {  	(erf) = vrcp.f32 v5;
	_ =	sdelay $0x8  }
0xf5: {  	v5 =	vpop (erf)  }
0xf6: {  	s10 =	sadd.s32 $0xFFFFFFF8, s7;
	v5 =	vmul.f32 v5, v3  }
0xf7: {  	v6 =	vadd.s32 s10, v4  }
0xf8: {  	vm1 =	vge.f32 v5, $2.000000030e-01  }
0xf9: {  	vm1 =	vmand vm0, vm1  }
0xfa: {  	s5 =	sadd.s32 $0x1C20, s5;
	v5 =	vnsel vm1, $0xFF800000, v5  }
0xfb: {  	[tilespmem:s5+$0xFFFFF1F0] =	vst v5  }
0xfc: {  	v5 =	vld.idx.msk [tilespmem:v6+s2+$0x0], $0xffff;
	_ =	sdelay $0x5  }
0xfd: {  	v5 =	vsub.f32 $0.0e+00, v5;
	_ =	sdelay $0x1  }
0xfe: {  	v5 =	vmul.f32 $1.442695020e+00, v5;
	_ =	sdelay $0x1  }
0xff: {  	(erf) = vpow2.f32 v5;
	_ =	sdelay $0x8  }
0x100: {  	v5 =	vpop (erf)  }
0x101: {  	v5 =	vadd.f32 $1.000000000e+00, v5;
	_ =	sdelay $0x1  }
0x102: {  	(erf) = vrcp.f32 v5;
	_ =	sdelay $0x8  }
0x103: {  	v5 =	vpop (erf)  }
0x104: {  	s10 =	sadd.s32 $0xFFFFFFF9, s7;
	v5 =	vmul.f32 v5, v3  }
0x105: {  	v6 =	vadd.s32 s10, v4  }
0x106: {  	vm1 =	vge.f32 v5, $2.000000030e-01  }
0x107: {  	vm1 =	vmand vm0, vm1  }
0x108: {  	v5 =	vnsel vm1, $0xFF800000, v5  }
0x109: {  	[tilespmem:s5+$0xFFFFF4C0] =	vst v5  }
0x10a: {  	v5 =	vld.idx.msk [tilespmem:v6+s2+$0x0], $0xffff;
	_ =	sdelay $0x5  }
0x10b: {  	v5 =	vsub.f32 $0.0e+00, v5;
	_ =	sdelay $0x1  }
0x10c: {  	v5 =	vmul.f32 $1.442695020e+00, v5;
	_ =	sdelay $0x1  }
0x10d: {  	(erf) = vpow2.f32 v5;
	_ =	sdelay $0x8  }
0x10e: {  	v5 =	vpop (erf)  }
0x10f: {  	v5 =	vadd.f32 $1.000000000e+00, v5;
	_ =	sdelay $0x1  }
0x110: {  	(erf) = vrcp.f32 v5;
	_ =	sdelay $0x8  }
0x111: {  	v5 =	vpop (erf)  }
0x112: {  	s10 =	sadd.s32 $0xFFFFFFFA, s7;
	v5 =	vmul.f32 v5, v3  }
0x113: {  	v6 =	vadd.s32 s10, v4  }
0x114: {  	vm1 =	vge.f32 v5, $2.000000030e-01  }
0x115: {  	vm1 =	vmand vm0, vm1  }
0x116: {  	v5 =	vnsel vm1, $0xFF800000, v5  }
0x117: {  	[tilespmem:s5+$0xFFFFF790] =	vst v5  }
0x118: {  	v5 =	vld.idx.msk [tilespmem:v6+s2+$0x0], $0xffff;
	_ =	sdelay $0x5  }
0x119: {  	v5 =	vsub.f32 $0.0e+00, v5;
	_ =	sdelay $0x1  }
0x11a: {  	v5 =	vmul.f32 $1.442695020e+00, v5;
	_ =	sdelay $0x1  }
0x11b: {  	(erf) = vpow2.f32 v5;
	_ =	sdelay $0x8  }
0x11c: {  	v5 =	vpop (erf)  }
0x11d: {  	v5 =	vadd.f32 $1.000000000e+00, v5;
	_ =	sdelay $0x1  }
0x11e: {  	(erf) = vrcp.f32 v5;
	_ =	sdelay $0x8  }
0x11f: {  	v5 =	vpop (erf)  }
0x120: {  	s10 =	sadd.s32 $0xFFFFFFFB, s7;
	v5 =	vmul.f32 v5, v3  }
0x121: {  	v6 =	vadd.s32 s10, v4  }
0x122: {  	vm1 =	vge.f32 v5, $2.000000030e-01  }
0x123: {  	vm1 =	vmand vm0, vm1  }
0x124: {  	v5 =	vnsel vm1, $0xFF800000, v5  }
0x125: {  	[tilespmem:s5+$0xFFFFFA60] =	vst v5  }
0x126: {  	v5 =	vld.idx.msk [tilespmem:v6+s2+$0x0], $0xffff;
	_ =	sdelay $0x5  }
0x127: {  	v5 =	vsub.f32 $0.0e+00, v5;
	_ =	sdelay $0x1  }
0x128: {  	v5 =	vmul.f32 $1.442695020e+00, v5;
	_ =	sdelay $0x1  }
0x129: {  	(erf) = vpow2.f32 v5;
	_ =	sdelay $0x8  }
0x12a: {  	v5 =	vpop (erf)  }
0x12b: {  	v5 =	vadd.f32 $1.000000000e+00, v5;
	_ =	sdelay $0x1  }
0x12c: {  	(erf) = vrcp.f32 v5;
	_ =	sdelay $0x8  }
0x12d: {  	v5 =	vpop (erf)  }
0x12e: {  	s10 =	sadd.s32 $0xFFFFFFFC, s7;
	v5 =	vmul.f32 v5, v3  }
0x12f: {  	v6 =	vadd.s32 s10, v4  }
0x130: {  	vm1 =	vge.f32 v5, $2.000000030e-01  }
0x131: {  	vm1 =	vmand vm0, vm1  }
0x132: {  	v5 =	vnsel vm1, $0xFF800000, v5  }
0x133: {  	[tilespmem:s5+$0xFFFFFD30] =	vst v5  }
0x134: {  	v5 =	vld.idx.msk [tilespmem:v6+s2+$0x0], $0xffff;
	_ =	sdelay $0x5  }
0x135: {  	v5 =	vsub.f32 $0.0e+00, v5;
	_ =	sdelay $0x1  }
0x136: {  	v5 =	vmul.f32 $1.442695020e+00, v5;
	_ =	sdelay $0x1  }
0x137: {  	(erf) = vpow2.f32 v5;
	_ =	sdelay $0x8  }
0x138: {  	v5 =	vpop (erf)  }
0x139: {  	v5 =	vadd.f32 $1.000000000e+00, v5;
	_ =	sdelay $0x1  }
0x13a: {  	(erf) = vrcp.f32 v5;
	_ =	sdelay $0x8  }
0x13b: {  	v5 =	vpop (erf)  }
0x13c: {  	s10 =	sadd.s32 $0xFFFFFFFD, s7;
	v5 =	vmul.f32 v5, v3  }
0x13d: {  	v6 =	vadd.s32 s10, v4  }
0x13e: {  	vm1 =	vge.f32 v5, $2.000000030e-01  }
0x13f: {  	vm1 =	vmand vm0, vm1  }
0x140: {  	v5 =	vnsel vm1, $0xFF800000, v5  }
0x141: {  	[tilespmem:s5+$0x0] =	vst v5  }
0x142: {  	v5 =	vld.idx.msk [tilespmem:v6+s2+$0x0], $0xffff;
	_ =	sdelay $0x5  }
0x143: {  	v5 =	vsub.f32 $0.0e+00, v5;
	_ =	sdelay $0x1  }
0x144: {  	v5 =	vmul.f32 $1.442695020e+00, v5;
	_ =	sdelay $0x1  }
0x145: {  	(erf) = vpow2.f32 v5;
	_ =	sdelay $0x8  }
0x146: {  	v5 =	vpop (erf)  }
0x147: {  	v5 =	vadd.f32 $1.000000000e+00, v5;
	_ =	sdelay $0x1  }
0x148: {  	(erf) = vrcp.f32 v5;
	_ =	sdelay $0x8  }
0x149: {  	v5 =	vpop (erf)  }
0x14a: {  	s10 =	sadd.s32 $0xFFFFFFFE, s7;
	v5 =	vmul.f32 v5, v3  }
0x14b: {  	v6 =	vadd.s32 s10, v4  }
0x14c: {  	vm1 =	vge.f32 v5, $2.000000030e-01  }
0x14d: {  	vm1 =	vmand vm0, vm1  }
0x14e: {  	v5 =	vnsel vm1, $0xFF800000, v5  }
0x14f: {  	[tilespmem:s5+$0x2D0] =	vst v5  }
0x150: {  	v5 =	vld.idx.msk [tilespmem:v6+s2+$0x0], $0xffff;
	_ =	sdelay $0x5  }
0x151: {  	v5 =	vsub.f32 $0.0e+00, v5;
	_ =	sdelay $0x1  }
0x152: {  	v5 =	vmul.f32 $1.442695020e+00, v5;
	_ =	sdelay $0x1  }
0x153: {  	(erf) = vpow2.f32 v5;
	_ =	sdelay $0x8  }
0x154: {  	v5 =	vpop (erf)  }
0x155: {  	v5 =	vadd.f32 $1.000000000e+00, v5;
	_ =	sdelay $0x1  }
0x156: {  	(erf) = vrcp.f32 v5;
	_ =	sdelay $0x8  }
0x157: {  	v5 =	vpop (erf)  }
0x158: {  	s10 =	sadd.s32 $0xFFFFFFFF, s7;
	v5 =	vmul.f32 v5, v3  }
0x159: {  	v6 =	vadd.s32 s10, v4  }
0x15a: {  	vm1 =	vge.f32 v5, $2.000000030e-01  }
0x15b: {  	vm1 =	vmand vm0, vm1  }
0x15c: {  	v5 =	vnsel vm1, $0xFF800000, v5  }
0x15d: {  	[tilespmem:s5+$0x5A0] =	vst v5  }
0x15e: {  	v5 =	vld.idx.msk [tilespmem:v6+s2+$0x0], $0xffff;
	_ =	sdelay $0x5  }
0x15f: {  	v5 =	vsub.f32 $0.0e+00, v5;
	_ =	sdelay $0x1  }
0x160: {  	v5 =	vmul.f32 $1.442695020e+00, v5;
	_ =	sdelay $0x1  }
0x161: {  	(erf) = vpow2.f32 v5;
	_ =	sdelay $0x8  }
0x162: {  	v5 =	vpop (erf)  }
0x163: {  	v5 =	vadd.f32 $1.000000000e+00, v5;
	_ =	sdelay $0x1  }
0x164: {  	(erf) = vrcp.f32 v5;
	_ =	sdelay $0x8  }
0x165: {  	v5 =	vpop (erf)  }
0x166: {  	v5 =	vmul.f32 v5, v3  }
0x167: {  	v6 =	vadd.s32 s7, v4;
	s7 =	smov.u32 s9  }
0x168: {  	vm1 =	vge.f32 v5, $2.000000030e-01  }
0x169: {  	vm1 =	vmand vm0, vm1  }
0x16a: {  	v5 =	vnsel vm1, $0xFF800000, v5  }
0x16b: {  	[tilespmem:s5+$0x870] =	vst v5  }
0x16c: {  	v5 =	vld.idx.msk [tilespmem:v6+s2+$0x0], $0xffff;
	_ =	sdelay $0x5  }
0x16d: {  	v5 =	vsub.f32 $0.0e+00, v5;
	_ =	sdelay $0x1  }
0x16e: {  	v5 =	vmul.f32 $1.442695020e+00, v5;
	_ =	sdelay $0x1  }
0x16f: {  	(erf) = vpow2.f32 v5;
	_ =	sdelay $0x8  }
0x170: {  	v5 =	vpop (erf)  }
0x171: {  	v5 =	vadd.f32 $1.000000000e+00, v5;
	_ =	sdelay $0x1  }
0x172: {  	(erf) = vrcp.f32 v5;
	_ =	sdelay $0x5  }
.Ltmp0:
0x173: {  	(pc) =	sbr.rel @p1 .LBB2_3-.Ltmp0, $3  }
0x174: {  	_ =	sdelay $0x1  }
0x175: {  	v5 =	vpop (erf)  }
0x176: {  	s9 =	sadd.s32 $0xA, s9;
	s10 =	sadd.s32 $0xFFFFFFF7, s7;
	v5 =	vmul.f32 v5, v3  }
0x177: {  	v6 =	vadd.s32 s10, v4  }
0x178: {  	vm1 =	vge.f32 v5, $2.000000030e-01  }
0x179: {  	vm1 =	vmand vm0, vm1  }
0x17a: {  	v54 =	vnsel vm1, $0xFF800000, v5  }
0x17b: {  	[tilespmem:s5+$0xB40] =	vst v54  }
0x17c: {  	v5 =	vld.idx.msk [tilespmem:v6+s2+$0x0], $0xffff;
	_ =	sdelay $0x4  }
0x17d: {  	v5 =	vsub.f32 $0.0e+00, v5;
	_ =	sdelay $0x1  }
0x17e: {  	v5 =	vmul.f32 $1.442695020e+00, v5;
	_ =	sdelay $0x1  }
0x17f: {  	(erf) = vpow2.f32 v5;
	_ =	sdelay $0x8  }
0x180: {  	v5 =	vpop (erf)  }
0x181: {  	v5 =	vadd.f32 $1.000000000e+00, v5;
	_ =	sdelay $0x1  }
0x182: {  	(erf) = vrcp.f32 v5;
	_ =	sdelay $0x8  }
0x183: {  	v5 =	vpop (erf)  }
0x184: {  	s9 =	sadd.s32 $0xFFFFFFF8, s7;
	v5 =	vmul.f32 v5, v3  }
0x185: {  	v55 =	vadd.s32 s9, v4  }
0x186: {  	vm5 =	vge.f32 v5, $2.000000030e-01  }
0x187: {  	vm1 =	vmand vm0, vm5  }
0x188: {  	s5 =	sadd.s32 $0x1C20, s5;
	v5 =	vnsel vm1, $0xFF800000, v5  }
0x189: {  	[tilespmem:s5+$0xFFFFF1F0] =	vst v5  }
0x18a: {  	v5 =	vld.idx.msk [tilespmem:v55+s2+$0x0], $0xffff;
	_ =	sdelay $0x4  }
0x18b: {  	v5 =	vsub.f32 $0.0e+00, v5;
	_ =	sdelay $0x1  }
0x18c: {  	v5 =	vmul.f32 $1.442695020e+00, v5;
	_ =	sdelay $0x1  }
0x18d: {  	(erf) = vpow2.f32 v5;
	_ =	sdelay $0x8  }
0x18e: {  	v5 =	vpop (erf)  }
0x18f: {  	v5 =	vadd.f32 $1.000000000e+00, v5;
	_ =	sdelay $0x1  }
0x190: {  	(erf) = vrcp.f32 v5;
	_ =	sdelay $0x8  }
0x191: {  	v5 =	vpop (erf)  }
0x192: {  	s10 =	sadd.s32 $0xFFFFFFF9, s7;
	v5 =	vmul.f32 v5, v3  }
0x193: {  	v56 =	vadd.s32 s10, v4  }
0x194: {  	vm6 =	vge.f32 v5, $2.000000030e-01  }
0x195: {  	vm1 =	vmand vm0, vm6  }
0x196: {  	v5 =	vnsel vm1, $0xFF800000, v5  }
0x197: {  	[tilespmem:s5+$0xFFFFF4C0] =	vst v5  }
0x198: {  	v5 =	vld.idx.msk [tilespmem:v56+s2+$0x0], $0xffff;
	_ =	sdelay $0x4  }
0x199: {  	v5 =	vsub.f32 $0.0e+00, v5;
	_ =	sdelay $0x1  }
0x19a: {  	v5 =	vmul.f32 $1.442695020e+00, v5;
	_ =	sdelay $0x1  }
0x19b: {  	(erf) = vpow2.f32 v5;
	_ =	sdelay $0x8  }
0x19c: {  	v5 =	vpop (erf)  }
0x19d: {  	v5 =	vadd.f32 $1.000000000e+00, v5;
	_ =	sdelay $0x1  }
0x19e: {  	(erf) = vrcp.f32 v5;
	_ =	sdelay $0x8  }
0x19f: {  	v5 =	vpop (erf)  }
0x1a0: {  	s10 =	sadd.s32 $0xFFFFFFFA, s7;
	v5 =	vmul.f32 v5, v3  }
0x1a1: {  	v57 =	vadd.s32 s10, v4  }
0x1a2: {  	vm7 =	vge.f32 v5, $2.000000030e-01  }
0x1a3: {  	vm1 =	vmand vm0, vm7  }
0x1a4: {  	v5 =	vnsel vm1, $0xFF800000, v5  }
0x1a5: {  	[tilespmem:s5+$0xFFFFF790] =	vst v5  }
0x1a6: {  	v5 =	vld.idx.msk [tilespmem:v57+s2+$0x0], $0xffff;
	_ =	sdelay $0x4  }
0x1a7: {  	v5 =	vsub.f32 $0.0e+00, v5;
	_ =	sdelay $0x1  }
0x1a8: {  	v5 =	vmul.f32 $1.442695020e+00, v5;
	_ =	sdelay $0x1  }
0x1a9: {  	(erf) = vpow2.f32 v5;
	_ =	sdelay $0x8  }
0x1aa: {  	v5 =	vpop (erf)  }
0x1ab: {  	v5 =	vadd.f32 $1.000000000e+00, v5;
	_ =	sdelay $0x1  }
0x1ac: {  	(erf) = vrcp.f32 v5;
	_ =	sdelay $0x8  }
0x1ad: {  	v5 =	vpop (erf)  }
0x1ae: {  	s10 =	sadd.s32 $0xFFFFFFFB, s7;
	v5 =	vmul.f32 v5, v3  }
0x1af: {  	v58 =	vadd.s32 s10, v4  }
0x1b0: {  	vm8 =	vge.f32 v5, $2.000000030e-01  }
0x1b1: {  	vm1 =	vmand vm0, vm8  }
0x1b2: {  	v5 =	vnsel vm1, $0xFF800000, v5  }
0x1b3: {  	[tilespmem:s5+$0xFFFFFA60] =	vst v5  }
0x1b4: {  	v5 =	vld.idx.msk [tilespmem:v58+s2+$0x0], $0xffff;
	_ =	sdelay $0x4  }
0x1b5: {  	v5 =	vsub.f32 $0.0e+00, v5;
	_ =	sdelay $0x1  }
0x1b6: {  	v5 =	vmul.f32 $1.442695020e+00, v5;
	_ =	sdelay $0x1  }
0x1b7: {  	(erf) = vpow2.f32 v5;
	_ =	sdelay $0x8  }
0x1b8: {  	v5 =	vpop (erf)  }
0x1b9: {  	v5 =	vadd.f32 $1.000000000e+00, v5;
	_ =	sdelay $0x1  }
0x1ba: {  	(erf) = vrcp.f32 v5;
	_ =	sdelay $0x8  }
0x1bb: {  	v5 =	vpop (erf)  }
0x1bc: {  	s10 =	sadd.s32 $0xFFFFFFFC, s7;
	v5 =	vmul.f32 v5, v3  }
0x1bd: {  	v59 =	vadd.s32 s10, v4  }
0x1be: {  	vm9 =	vge.f32 v5, $2.000000030e-01  }
0x1bf: {  	vm1 =	vmand vm0, vm9  }
0x1c0: {  	v5 =	vnsel vm1, $0xFF800000, v5  }
0x1c1: {  	[tilespmem:s5+$0xFFFFFD30] =	vst v5  }
0x1c2: {  	v5 =	vld.idx.msk [tilespmem:v59+s2+$0x0], $0xffff;
	_ =	sdelay $0x4  }
0x1c3: {  	v5 =	vsub.f32 $0.0e+00, v5;
	_ =	sdelay $0x1  }
0x1c4: {  	v5 =	vmul.f32 $1.442695020e+00, v5;
	_ =	sdelay $0x1  }
0x1c5: {  	(erf) = vpow2.f32 v5;
	_ =	sdelay $0x8  }
0x1c6: {  	v5 =	vpop (erf)  }
0x1c7: {  	v5 =	vadd.f32 $1.000000000e+00, v5;
	_ =	sdelay $0x1  }
0x1c8: {  	(erf) = vrcp.f32 v5;
	_ =	sdelay $0x8  }
0x1c9: {  	v5 =	vpop (erf)  }
0x1ca: {  	s10 =	sadd.s32 $0xFFFFFFFD, s7;
	v5 =	vmul.f32 v5, v3  }
0x1cb: {  	v60 =	vadd.s32 s10, v4  }
0x1cc: {  	vm10 =	vge.f32 v5, $2.000000030e-01  }
0x1cd: {  	vm1 =	vmand vm0, vm10  }
0x1ce: {  	v5 =	vnsel vm1, $0xFF800000, v5  }
0x1cf: {  	[tilespmem:s5+$0x0] =	vst v5  }
0x1d0: {  	v5 =	vld.idx.msk [tilespmem:v60+s2+$0x0], $0xffff;
	_ =	sdelay $0x4  }
0x1d1: {  	v5 =	vsub.f32 $0.0e+00, v5;
	_ =	sdelay $0x1  }
0x1d2: {  	v5 =	vmul.f32 $1.442695020e+00, v5;
	_ =	sdelay $0x1  }
0x1d3: {  	(erf) = vpow2.f32 v5;
	_ =	sdelay $0x8  }
0x1d4: {  	v5 =	vpop (erf)  }
0x1d5: {  	v5 =	vadd.f32 $1.000000000e+00, v5;
	_ =	sdelay $0x1  }
0x1d6: {  	(erf) = vrcp.f32 v5;
	_ =	sdelay $0x8  }
0x1d7: {  	v5 =	vpop (erf)  }
0x1d8: {  	s10 =	sadd.s32 $0xFFFFFFFE, s7;
	v5 =	vmul.f32 v5, v3  }
0x1d9: {  	v61 =	vadd.s32 s10, v4  }
0x1da: {  	vm11 =	vge.f32 v5, $2.000000030e-01  }
0x1db: {  	vm1 =	vmand vm0, vm11  }
0x1dc: {  	v5 =	vnsel vm1, $0xFF800000, v5  }
0x1dd: {  	[tilespmem:s5+$0x2D0] =	vst v5  }
0x1de: {  	v5 =	vld.idx.msk [tilespmem:v61+s2+$0x0], $0xffff;
	_ =	sdelay $0x4  }
0x1df: {  	v5 =	vsub.f32 $0.0e+00, v5;
	_ =	sdelay $0x1  }
0x1e0: {  	v5 =	vmul.f32 $1.442695020e+00, v5;
	_ =	sdelay $0x1  }
0x1e1: {  	(erf) = vpow2.f32 v5;
	_ =	sdelay $0x8  }
0x1e2: {  	v5 =	vpop (erf)  }
0x1e3: {  	v5 =	vadd.f32 $1.000000000e+00, v5;
	_ =	sdelay $0x1  }
0x1e4: {  	(erf) = vrcp.f32 v5;
	_ =	sdelay $0x8  }
0x1e5: {  	v5 =	vpop (erf)  }
0x1e6: {  	s10 =	sadd.s32 $0xFFFFFFFF, s7;
	v5 =	vmul.f32 v5, v3  }
0x1e7: {  	v62 =	vadd.s32 s10, v4  }
0x1e8: {  	vm12 =	vge.f32 v5, $2.000000030e-01  }
0x1e9: {  	vm1 =	vmand vm0, vm12  }
0x1ea: {  	v5 =	vnsel vm1, $0xFF800000, v5  }
0x1eb: {  	[tilespmem:s5+$0x5A0] =	vst v5  }
0x1ec: {  	v5 =	vld.idx.msk [tilespmem:v62+s2+$0x0], $0xffff;
	_ =	sdelay $0x4  }
0x1ed: {  	v5 =	vsub.f32 $0.0e+00, v5;
	_ =	sdelay $0x1  }
0x1ee: {  	v5 =	vmul.f32 $1.442695020e+00, v5;
	_ =	sdelay $0x1  }
0x1ef: {  	(erf) = vpow2.f32 v5;
	_ =	sdelay $0x8  }
0x1f0: {  	v5 =	vpop (erf)  }
0x1f1: {  	v5 =	vadd.f32 $1.000000000e+00, v5;
	_ =	sdelay $0x1  }
0x1f2: {  	(erf) = vrcp.f32 v5;
	_ =	sdelay $0x8  }
0x1f3: {  	v5 =	vpop (erf)  }
0x1f4: {  	v5 =	vmul.f32 v5, v3  }
0x1f5: {  	v63 =	vadd.s32 s7, v4  }
0x1f6: {  	vm13 =	vge.f32 v5, $2.000000030e-01  }
0x1f7: {  	vm1 =	vmand vm0, vm13  }
0x1f8: {  	v5 =	vnsel vm1, $0xFF800000, v5  }
0x1f9: {  	[tilespmem:s5+$0x870] =	vst v5  }
0x1fa: {  	v4 =	vld.idx.msk [tilespmem:v63+s2+$0x0], $0xffff;
	_ =	sdelay $0x4  }
0x1fb: {  	v4 =	vsub.f32 $0.0e+00, v4;
	_ =	sdelay $0x1  }
0x1fc: {  	v4 =	vmul.f32 $1.442695020e+00, v4;
	_ =	sdelay $0x1  }
0x1fd: {  	(erf) = vpow2.f32 v4;
	_ =	sdelay $0x8  }
0x1fe: {  	v4 =	vpop (erf)  }
0x1ff: {  	v4 =	vadd.f32 $1.000000000e+00, v4;
	_ =	sdelay $0x1  }
0x200: {  	(erf) = vrcp.f32 v4;
	_ =	sdelay $0x8  }
0x201: {  	s6 =	sadd.s32 $0x1, s6;
	v4 =	vpop (erf)  }
0x202: {  	p1 =	sne.s32 s6, $0x2D;
	v3 =	vmul.f32 v4, v3  }
.Ltmp1:
0x203: {  	_ = 	snop;
	(pc) =	sbr.rel @p1 .LBB2_2-.Ltmp1, $4  }
0x204: {  	vm14 =	vge.f32 v3, $2.000000030e-01  }
0x205: {  	vm15 =	vmand vm0, vm14  }
0x206: {  	v3 =	vnsel vm15, $0xFF800000, v3  }
0x207: {  	s8 =	sadd.s32 $0x10, s8;
	[tilespmem:s5+$0xB40] =	vst v3  }
0x208: {  	s5 =	simm.s32 $0xEF80;
	s10 =	rddreg [dreg:$0x5]  }
0x209: {  	[hbm4b:s4+s2] =	stream.linear.scatter [tilespmem:s5], [sflag:$0x1], $0x2D0, $0x38;
	[tilespmem:$0x1D080] =	vst v63  }
0x20a: {  	s6 =	simm.s32 $0xF250;
	s7 =	rddreg [dreg:$0x6]  }
0x20b: {  	[hbm4b:s10+s2] =	stream.linear.scatter [tilespmem:s6], [sflag:$0x1], $0x2D0, $0x38;
	[tilespmem:$0x1D080] =	vst v63  }
0x20c: {  	s8 =	simm.s32 $0xF520;
	s9 =	rddreg [dreg:$0x7]  }
0x20d: {  	[hbm4b:s7+s2] =	stream.linear.scatter [tilespmem:s8], [sflag:$0x1], $0x2D0, $0x38;
	[tilespmem:$0x1D080] =	vst v63  }
0x20e: {  	s10 =	simm.s32 $0xF7F0;
	s7 =	rddreg [dreg:$0x8]  }
0x20f: {  	[hbm4b:s9+s2] =	stream.linear.scatter [tilespmem:s10], [sflag:$0x1], $0x2D0, $0x38;
	[tilespmem:$0x1D080] =	vst v63  }
0x210: {  	s8 =	simm.s32 $0xFAC0;
	s9 =	rddreg [dreg:$0x9]  }
0x211: {  	[hbm4b:s7+s2] =	stream.linear.scatter [tilespmem:s8], [sflag:$0x1], $0x2D0, $0x38;
	[tilespmem:$0x1D080] =	vst v63  }
0x212: {  	s10 =	simm.s32 $0xFD90;
	s7 =	rddreg [dreg:$0xa]  }
0x213: {  	[hbm4b:s9+s2] =	stream.linear.scatter [tilespmem:s10], [sflag:$0x1], $0x2D0, $0x38;
	[tilespmem:$0x1D080] =	vst v63  }
0x214: {  	s8 =	simm.s32 $0x10060;
	s9 =	rddreg [dreg:$0xb]  }
0x215: {  	[hbm4b:s7+s2] =	stream.linear.scatter [tilespmem:s8], [sflag:$0x1], $0x2D0, $0x38;
	[tilespmem:$0x1D080] =	vst v63  }
0x216: {  	s10 =	simm.s32 $0x10330;
	s7 =	rddreg [dreg:$0xc]  }
0x217: {  	[hbm4b:s9+s2] =	stream.linear.scatter [tilespmem:s10], [sflag:$0x1], $0x2D0, $0x38;
	[tilespmem:$0x1D080] =	vst v63  }
0x218: {  	s8 =	simm.s32 $0x10600;
	s9 =	rddreg [dreg:$0xd]  }
0x219: {  	[hbm4b:s7+s2] =	stream.linear.scatter [tilespmem:s8], [sflag:$0x1], $0x2D0, $0x38;
	[tilespmem:$0x1D080] =	vst v63  }
0x21a: {  	s10 =	simm.s32 $0x108D0;
	s7 =	rddreg [dreg:$0xe]  }
0x21b: {  	[hbm4b:s9+s2] =	stream.linear.scatter [tilespmem:s10], [sflag:$0x1], $0x2D0, $0x38;
	[tilespmem:$0x1D080] =	vst v63  }
0x21c: {  	s8 =	simm.s32 $0x10BA0;
	s9 =	rddreg [dreg:$0xf]  }
0x21d: {  	[hbm4b:s7+s2] =	stream.linear.scatter [tilespmem:s8], [sflag:$0x1], $0x2D0, $0x38;
	[tilespmem:$0x1D080] =	vst v63  }
0x21e: {  	s10 =	simm.s32 $0x10E70;
	s7 =	rddreg [dreg:$0x10]  }
0x21f: {  	[hbm4b:s9+s2] =	stream.linear.scatter [tilespmem:s10], [sflag:$0x1], $0x2D0, $0x38;
	[tilespmem:$0x1D080] =	vst v63  }
0x220: {  	s8 =	simm.s32 $0x11140;
	s9 =	rddreg [dreg:$0x11]  }
0x221: {  	[hbm4b:s7+s2] =	stream.linear.scatter [tilespmem:s8], [sflag:$0x1], $0x2D0, $0x38;
	[tilespmem:$0x1D080] =	vst v63  }
0x222: {  	s10 =	simm.s32 $0x11410;
	s7 =	rddreg [dreg:$0x12]  }
0x223: {  	[hbm4b:s9+s2] =	stream.linear.scatter [tilespmem:s10], [sflag:$0x1], $0x2D0, $0x38;
	[tilespmem:$0x1D080] =	vst v63  }
0x224: {  	s8 =	simm.s32 $0x116E0;
	s9 =	rddreg [dreg:$0x13]  }
0x225: {  	[hbm4b:s7+s2] =	stream.linear.scatter [tilespmem:s8], [sflag:$0x1], $0x2D0, $0x38;
	[tilespmem:$0x1D080] =	vst v63  }
0x226: {  	s10 =	simm.s32 $0x119B0;
	s7 =	rddreg [dreg:$0x14]  }
0x227: {  	[hbm4b:s9+s2] =	stream.linear.scatter [tilespmem:s10], [sflag:$0x1], $0x2D0, $0x38;
	[tilespmem:$0x1D080] =	vst v63  }
0x228: {  	s8 =	simm.s32 $0x11C80;
	s9 =	rddreg [dreg:$0x15]  }
0x229: {  	[hbm4b:s7+s2] =	stream.linear.scatter [tilespmem:s8], [sflag:$0x1], $0x2D0, $0x38;
	[tilespmem:$0x1D080] =	vst v63  }
0x22a: {  	s10 =	simm.s32 $0x11F50;
	s7 =	rddreg [dreg:$0x16]  }
0x22b: {  	[hbm4b:s9+s2] =	stream.linear.scatter [tilespmem:s10], [sflag:$0x1], $0x2D0, $0x38;
	[tilespmem:$0x1D080] =	vst v63  }
0x22c: {  	s8 =	simm.s32 $0x12220;
	s9 =	rddreg [dreg:$0x18]  }
0x22d: {  	[hbm4b:s7+s2] =	stream.linear.scatter [tilespmem:s8], [sflag:$0x1], $0x2D0, $0x38;
	[tilespmem:$0x1D080] =	vst v63  }
0x22e: {  	s10 =	simm.s32 $0x124F0;
	s7 =	rddreg [dreg:$0x19]  }
0x22f: {  	[hbm4b:s9+s2] =	stream.linear.scatter [tilespmem:s10], [sflag:$0x1], $0x2D0, $0x38;
	[tilespmem:$0x1D080] =	vst v63  }
0x230: {  	s8 =	simm.s32 $0x127C0;
	s9 =	rddreg [dreg:$0x1a]  }
0x231: {  	[hbm4b:s7+s2] =	stream.linear.scatter [tilespmem:s8], [sflag:$0x1], $0x2D0, $0x38;
	[tilespmem:$0x1D080] =	vst v63  }
0x232: {  	s10 =	simm.s32 $0x12A90;
	s7 =	rddreg [dreg:$0x1b]  }
0x233: {  	[hbm4b:s9+s2] =	stream.linear.scatter [tilespmem:s10], [sflag:$0x1], $0x2D0, $0x38;
	[tilespmem:$0x1D080] =	vst v63  }
0x234: {  	s8 =	simm.s32 $0x12D60;
	s9 =	rddreg [dreg:$0x1c]  }
0x235: {  	[hbm4b:s7+s2] =	stream.linear.scatter [tilespmem:s8], [sflag:$0x1], $0x2D0, $0x38;
	[tilespmem:$0x1D080] =	vst v63  }
0x236: {  	s10 =	simm.s32 $0x13030;
	s7 =	rddreg [dreg:$0x1d]  }
0x237: {  	[hbm4b:s9+s2] =	stream.linear.scatter [tilespmem:s10], [sflag:$0x1], $0x2D0, $0x38;
	[tilespmem:$0x1D080] =	vst v63  }
0x238: {  	s8 =	simm.s32 $0x13300;
	s9 =	rddreg [dreg:$0x1e]  }
0x239: {  	[hbm4b:s7+s2] =	stream.linear.scatter [tilespmem:s8], [sflag:$0x1], $0x2D0, $0x38;
	[tilespmem:$0x1D080] =	vst v63  }
0x23a: {  	s10 =	simm.s32 $0x135D0;
	s7 =	rddreg [dreg:$0x1f]  }
0x23b: {  	[hbm4b:s9+s2] =	stream.linear.scatter [tilespmem:s10], [sflag:$0x1], $0x2D0, $0x38;
	[tilespmem:$0x1D080] =	vst v63  }
0x23c: {  	s8 =	simm.s32 $0x138A0;
	s9 =	sld [smem:$0x7DD]  }
0x23d: {  	[hbm4b:s7+s2] =	stream.linear.scatter [tilespmem:s8], [sflag:$0x1], $0x2D0, $0x38;
	[tilespmem:$0x1D080] =	vst v63  }
0x23e: {  	s10 =	simm.s32 $0x13B70;
	s7 =	sld [smem:$0x7DE]  }
0x23f: {  	[hbm4b:s9+s2] =	stream.linear.scatter [tilespmem:s10], [sflag:$0x1], $0x2D0, $0x38;
	[tilespmem:$0x1D080] =	vst v63  }
0x240: {  	s8 =	simm.s32 $0x13E40;
	s9 =	sld [smem:$0x7DF]  }
0x241: {  	[hbm4b:s7+s2] =	stream.linear.scatter [tilespmem:s8], [sflag:$0x1], $0x2D0, $0x38;
	[tilespmem:$0x1D080] =	vst v63  }
0x242: {  	s10 =	simm.s32 $0x14110;
	s7 =	sld [smem:$0x7E0]  }
0x243: {  	[hbm4b:s9+s2] =	stream.linear.scatter [tilespmem:s10], [sflag:$0x1], $0x2D0, $0x38;
	[tilespmem:$0x1D080] =	vst v63  }
0x244: {  	s8 =	simm.s32 $0x143E0;
	s9 =	sld [smem:$0x7E1]  }
0x245: {  	[hbm4b:s7+s2] =	stream.linear.scatter [tilespmem:s8], [sflag:$0x1], $0x2D0, $0x38;
	[tilespmem:$0x1D080] =	vst v63  }
0x246: {  	s10 =	simm.s32 $0x146B0;
	s7 =	sld [smem:$0x7E2]  }
0x247: {  	[hbm4b:s9+s2] =	stream.linear.scatter [tilespmem:s10], [sflag:$0x1], $0x2D0, $0x38;
	[tilespmem:$0x1D080] =	vst v63  }
0x248: {  	s8 =	simm.s32 $0x14980;
	s9 =	sld [smem:$0x7E3]  }
0x249: {  	[hbm4b:s7+s2] =	stream.linear.scatter [tilespmem:s8], [sflag:$0x1], $0x2D0, $0x38;
	[tilespmem:$0x1D080] =	vst v63  }
0x24a: {  	s10 =	simm.s32 $0x14C50;
	s7 =	sld [smem:$0x7E4]  }
0x24b: {  	[hbm4b:s9+s2] =	stream.linear.scatter [tilespmem:s10], [sflag:$0x1], $0x2D0, $0x38;
	[tilespmem:$0x1D080] =	vst v63  }
0x24c: {  	s8 =	simm.s32 $0x14F20;
	s9 =	sld [smem:$0x7E5]  }
0x24d: {  	[hbm4b:s7+s2] =	stream.linear.scatter [tilespmem:s8], [sflag:$0x1], $0x2D0, $0x38;
	[tilespmem:$0x1D080] =	vst v63  }
0x24e: {  	s10 =	simm.s32 $0x151F0;
	s7 =	sld [smem:$0x7E6]  }
0x24f: {  	[hbm4b:s9+s2] =	stream.linear.scatter [tilespmem:s10], [sflag:$0x1], $0x2D0, $0x38;
	[tilespmem:$0x1D080] =	vst v63  }
0x250: {  	s8 =	simm.s32 $0x154C0;
	s9 =	sld [smem:$0x7E7]  }
0x251: {  	[hbm4b:s7+s2] =	stream.linear.scatter [tilespmem:s8], [sflag:$0x1], $0x2D0, $0x38;
	[tilespmem:$0x1D080] =	vst v63  }
0x252: {  	s10 =	simm.s32 $0x15790;
	s7 =	sld [smem:$0x7E8]  }
0x253: {  	[hbm4b:s9+s2] =	stream.linear.scatter [tilespmem:s10], [sflag:$0x1], $0x2D0, $0x38;
	[tilespmem:$0x1D080] =	vst v63  }
0x254: {  	s8 =	simm.s32 $0x15A60;
	s9 =	sld [smem:$0x7E9]  }
0x255: {  	[hbm4b:s7+s2] =	stream.linear.scatter [tilespmem:s8], [sflag:$0x1], $0x2D0, $0x38;
	[tilespmem:$0x1D080] =	vst v63  }
0x256: {  	s10 =	simm.s32 $0x15D30;
	s7 =	sld [smem:$0x7EA]  }
0x257: {  	[hbm4b:s9+s2] =	stream.linear.scatter [tilespmem:s10], [sflag:$0x1], $0x2D0, $0x38;
	[tilespmem:$0x1D080] =	vst v63  }
0x258: {  	s8 =	simm.s32 $0x16000;
	s9 =	sld [smem:$0x7EB]  }
0x259: {  	[hbm4b:s7+s2] =	stream.linear.scatter [tilespmem:s8], [sflag:$0x1], $0x2D0, $0x38;
	[tilespmem:$0x1D080] =	vst v63  }
0x25a: {  	s10 =	simm.s32 $0x162D0;
	s7 =	sld [smem:$0x7EC]  }
0x25b: {  	[hbm4b:s9+s2] =	stream.linear.scatter [tilespmem:s10], [sflag:$0x1], $0x2D0, $0x38;
	[tilespmem:$0x1D080] =	vst v63  }
0x25c: {  	s8 =	simm.s32 $0x165A0;
	s9 =	sld [smem:$0x7ED]  }
0x25d: {  	[hbm4b:s7+s2] =	stream.linear.scatter [tilespmem:s8], [sflag:$0x1], $0x2D0, $0x38;
	[tilespmem:$0x1D080] =	vst v63  }
0x25e: {  	s10 =	simm.s32 $0x16870;
	s7 =	sld [smem:$0x7EE]  }
0x25f: {  	[hbm4b:s9+s2] =	stream.linear.scatter [tilespmem:s10], [sflag:$0x1], $0x2D0, $0x38;
	[tilespmem:$0x1D080] =	vst v63  }
0x260: {  	s8 =	simm.s32 $0x16B40;
	s9 =	sld [smem:$0x7EF]  }
0x261: {  	[hbm4b:s7+s2] =	stream.linear.scatter [tilespmem:s8], [sflag:$0x1], $0x2D0, $0x38;
	[tilespmem:$0x1D080] =	vst v63  }
0x262: {  	s10 =	simm.s32 $0x16E10;
	s7 =	sld [smem:$0x7F0]  }
0x263: {  	[hbm4b:s9+s2] =	stream.linear.scatter [tilespmem:s10], [sflag:$0x1], $0x2D0, $0x38;
	[tilespmem:$0x1D080] =	vst v63  }
0x264: {  	s8 =	simm.s32 $0x170E0;
	s9 =	sld [smem:$0x7F1]  }
0x265: {  	[hbm4b:s7+s2] =	stream.linear.scatter [tilespmem:s8], [sflag:$0x1], $0x2D0, $0x38;
	[tilespmem:$0x1D080] =	vst v63  }
0x266: {  	s10 =	simm.s32 $0x173B0;
	s7 =	sld [smem:$0x7F2]  }
0x267: {  	[hbm4b:s9+s2] =	stream.linear.scatter [tilespmem:s10], [sflag:$0x1], $0x2D0, $0x38;
	[tilespmem:$0x1D080] =	vst v63  }
0x268: {  	s8 =	simm.s32 $0x17680;
	s9 =	sld [smem:$0x7F3]  }
0x269: {  	[hbm4b:s7+s2] =	stream.linear.scatter [tilespmem:s8], [sflag:$0x1], $0x2D0, $0x38;
	[tilespmem:$0x1D080] =	vst v63  }
0x26a: {  	s10 =	simm.s32 $0x17950;
	s7 =	sld [smem:$0x7F4]  }
0x26b: {  	[hbm4b:s9+s2] =	stream.linear.scatter [tilespmem:s10], [sflag:$0x1], $0x2D0, $0x38;
	[tilespmem:$0x1D080] =	vst v63  }
0x26c: {  	s8 =	simm.s32 $0x17C20;
	s9 =	sld [smem:$0x7F5]  }
0x26d: {  	[hbm4b:s7+s2] =	stream.linear.scatter [tilespmem:s8], [sflag:$0x1], $0x2D0, $0x38;
	[tilespmem:$0x1D080] =	vst v63  }
0x26e: {  	s10 =	simm.s32 $0x17EF0;
	s7 =	sld [smem:$0x7F6]  }
0x26f: {  	[hbm4b:s9+s2] =	stream.linear.scatter [tilespmem:s10], [sflag:$0x1], $0x2D0, $0x38;
	[tilespmem:$0x1D080] =	vst v63  }
0x270: {  	s8 =	simm.s32 $0x181C0;
	s9 =	sld [smem:$0x7F7]  }
0x271: {  	[hbm4b:s7+s2] =	stream.linear.scatter [tilespmem:s8], [sflag:$0x1], $0x2D0, $0x38;
	[tilespmem:$0x1D080] =	vst v63  }
0x272: {  	s10 =	simm.s32 $0x18490;
	s7 =	sld [smem:$0x7F8]  }
0x273: {  	[hbm4b:s9+s2] =	stream.linear.scatter [tilespmem:s10], [sflag:$0x1], $0x2D0, $0x38;
	[tilespmem:$0x1D080] =	vst v63  }
0x274: {  	s8 =	simm.s32 $0x18760;
	s9 =	sld [smem:$0x7F9]  }
0x275: {  	[hbm4b:s7+s2] =	stream.linear.scatter [tilespmem:s8], [sflag:$0x1], $0x2D0, $0x38;
	[tilespmem:$0x1D080] =	vst v63  }
0x276: {  	s10 =	simm.s32 $0x18A30;
	s7 =	sld [smem:$0x7FA]  }
0x277: {  	[hbm4b:s9+s2] =	stream.linear.scatter [tilespmem:s10], [sflag:$0x1], $0x2D0, $0x38;
	[tilespmem:$0x1D080] =	vst v63  }
0x278: {  	s8 =	simm.s32 $0x18D00;
	s9 =	sld [smem:$0x7FB]  }
0x279: {  	[hbm4b:s7+s2] =	stream.linear.scatter [tilespmem:s8], [sflag:$0x1], $0x2D0, $0x38;
	[tilespmem:$0x1D080] =	vst v63  }
0x27a: {  	s6 =	sld [smem:$0x7FC];
	s10 =	simm.s32 $0x18FD0  }
0x27b: {  	[hbm4b:s9+s2] =	stream.linear.scatter [tilespmem:s10], [sflag:$0x1], $0x2D0, $0x38;
	[tilespmem:$0x1D080] =	vst v63  }
0x27c: {  	s7 =	simm.s32 $0x192A0;
	s8 =	sld [smem:$0x7FD]  }
0x27d: {  	[hbm4b:s6+s2] =	stream.linear.scatter [tilespmem:s7], [sflag:$0x1], $0x2D0, $0x38;
	[tilespmem:$0x1D080] =	vst v63  }
0x27e: {  	s9 =	simm.s32 $0x19570  }
0x27f: {  	[hbm4b:s8+s2] =	stream.linear.scatter [tilespmem:s9], [sflag:$0x1], $0x2D0, $0x38;
	[tilespmem:$0x1D080] =	vst v63  }
0x280: {  	s10 =	simm.s32 $0x19840  }
0x281: {  	[hbm4b:s11+s2] =	stream.linear.scatter [tilespmem:s10], [sflag:$0x1], $0x2D0, $0x38;
	[tilespmem:$0x1D080] =	vst v63  }
0x282: {  	s6 =	simm.s32 $0x19B10  }
0x283: {  	[hbm4b:s12+s2] =	stream.linear.scatter [tilespmem:s6], [sflag:$0x1], $0x2D0, $0x38;
	[tilespmem:$0x1D080] =	vst v63  }
0x284: {  	s7 =	simm.s32 $0x19DE0  }
0x285: {  	[hbm4b:s13+s2] =	stream.linear.scatter [tilespmem:s7], [sflag:$0x1], $0x2D0, $0x38;
	[tilespmem:$0x1D080] =	vst v63  }
0x286: {  	s8 =	simm.s32 $0x1A0B0  }
0x287: {  	[hbm4b:s14+s2] =	stream.linear.scatter [tilespmem:s8], [sflag:$0x1], $0x2D0, $0x38;
	[tilespmem:$0x1D080] =	vst v63  }
0x288: {  	s9 =	simm.s32 $0x1A380  }
0x289: {  	[hbm4b:s15+s2] =	stream.linear.scatter [tilespmem:s9], [sflag:$0x1], $0x2D0, $0x38;
	[tilespmem:$0x1D080] =	vst v63  }
0x28a: {  	s10 =	simm.s32 $0x1A650  }
0x28b: {  	[hbm4b:s16+s2] =	stream.linear.scatter [tilespmem:s10], [sflag:$0x1], $0x2D0, $0x38;
	[tilespmem:$0x1D080] =	vst v63  }
0x28c: {  	s6 =	simm.s32 $0x1A920  }
0x28d: {  	[hbm4b:s17+s2] =	stream.linear.scatter [tilespmem:s6], [sflag:$0x1], $0x2D0, $0x38;
	[tilespmem:$0x1D080] =	vst v63  }
0x28e: {  	s7 =	simm.s32 $0x1ABF0  }
0x28f: {  	[hbm4b:s18+s2] =	stream.linear.scatter [tilespmem:s7], [sflag:$0x1], $0x2D0, $0x38;
	[tilespmem:$0x1D080] =	vst v63  }
0x290: {  	s8 =	simm.s32 $0x1AEC0  }
0x291: {  	[hbm4b:s19+s2] =	stream.linear.scatter [tilespmem:s8], [sflag:$0x1], $0x2D0, $0x38;
	[tilespmem:$0x1D080] =	vst v63  }
0x292: {  	s9 =	simm.s32 $0x1B190  }
0x293: {  	[hbm4b:s20+s2] =	stream.linear.scatter [tilespmem:s9], [sflag:$0x1], $0x2D0, $0x38;
	[tilespmem:$0x1D080] =	vst v63  }
0x294: {  	s10 =	simm.s32 $0x1B460  }
0x295: {  	[hbm4b:s21+s2] =	stream.linear.scatter [tilespmem:s10], [sflag:$0x1], $0x2D0, $0x38;
	[tilespmem:$0x1D080] =	vst v63  }
0x296: {  	s6 =	simm.s32 $0x1B730  }
0x297: {  	[hbm4b:s22+s2] =	stream.linear.scatter [tilespmem:s6], [sflag:$0x1], $0x2D0, $0x38;
	[tilespmem:$0x1D080] =	vst v63  }
0x298: {  	s7 =	simm.s32 $0x1BA00  }
0x299: {  	[hbm4b:s23+s2] =	stream.linear.scatter [tilespmem:s7], [sflag:$0x1], $0x2D0, $0x38;
	[tilespmem:$0x1D080] =	vst v63  }
0x29a: {  	s8 =	simm.s32 $0x1BCD0  }
0x29b: {  	[hbm4b:s24+s2] =	stream.linear.scatter [tilespmem:s8], [sflag:$0x1], $0x2D0, $0x38;
	[tilespmem:$0x1D080] =	vst v63  }
0x29c: {  	s9 =	simm.s32 $0x1BFA0  }
0x29d: {  	[hbm4b:s25+s2] =	stream.linear.scatter [tilespmem:s9], [sflag:$0x1], $0x2D0, $0x38;
	[tilespmem:$0x1D080] =	vst v63  }
0x29e: {  	s10 =	simm.s32 $0x1C270  }
0x29f: {  	[hbm4b:s26+s2] =	stream.linear.scatter [tilespmem:s10], [sflag:$0x1], $0x2D0, $0x38;
	[tilespmem:$0x1D080] =	vst v63  }
0x2a0: {  	s6 =	simm.s32 $0x1C540  }
0x2a1: {  	[hbm4b:s28+s2] =	stream.linear.scatter [tilespmem:s6], [sflag:$0x1], $0x2D0, $0x38;
	[tilespmem:$0x1D080] =	vst v63  }
0x2a2: {  	s7 =	simm.s32 $0x1C810  }
0x2a3: {  	[hbm4b:s29+s2] =	stream.linear.scatter [tilespmem:s7], [sflag:$0x1], $0x2D0, $0x38;
	[tilespmem:$0x1D080] =	vst v63  }
0x2a4: {  	s8 =	simm.s32 $0x1CAE0  }
0x2a5: {  	[hbm4b:s30+s2] =	stream.linear.scatter [tilespmem:s8], [sflag:$0x1], $0x2D0, $0x38;
	[tilespmem:$0x1D080] =	vst v63  }
0x2a6: {  	s9 =	simm.s32 $0x1CDB0  }
0x2a7: {  	[hbm4b:s31+s2] =	stream.linear.scatter [tilespmem:s9], [sflag:$0x1], $0x2D0, $0x38;
	[tilespmem:$0x1D080] =	vst v63  }
0x2a8: {  	_ =	swait.ge [sflag:s1], $0x2D0  }
0x2a9: {  	[sflag:s1] =	ssyncset.done $0x0  }
0x2aa: {  	[sflag:s1] =	ssyncadd.s32 $0xFFFFFD30  }
0x2ab: {  	_ =	swait.ge [sflag:s1], $0x2D0  }
0x2ac: {  	[sflag:s1] =	ssyncset.done $0x0  }
0x2ad: {  	[sflag:s1] =	ssyncadd.s32 $0xFFFFFD30  }
0x2ae: {  	_ =	swait.ge [sflag:s1], $0x2D0  }
0x2af: {  	[sflag:s1] =	ssyncset.done $0x0  }
0x2b0: {  	[sflag:s1] =	ssyncadd.s32 $0xFFFFFD30  }
0x2b1: {  	_ =	swait.ge [sflag:s1], $0x2D0  }
0x2b2: {  	[sflag:s1] =	ssyncset.done $0x0  }
0x2b3: {  	[sflag:s1] =	ssyncadd.s32 $0xFFFFFD30  }
0x2b4: {  	_ =	swait.ge [sflag:s1], $0x2D0  }
0x2b5: {  	[sflag:s1] =	ssyncset.done $0x0  }
0x2b6: {  	[sflag:s1] =	ssyncadd.s32 $0xFFFFFD30  }
0x2b7: {  	_ =	swait.ge [sflag:s1], $0x2D0  }
0x2b8: {  	[sflag:s1] =	ssyncset.done $0x0  }
0x2b9: {  	[sflag:s1] =	ssyncadd.s32 $0xFFFFFD30  }
0x2ba: {  	_ =	swait.ge [sflag:s1], $0x2D0  }
0x2bb: {  	[sflag:s1] =	ssyncset.done $0x0  }
0x2bc: {  	[sflag:s1] =	ssyncadd.s32 $0xFFFFFD30  }
0x2bd: {  	_ =	swait.ge [sflag:s1], $0x2D0  }
0x2be: {  	[sflag:s1] =	ssyncset.done $0x0  }
0x2bf: {  	[sflag:s1] =	ssyncadd.s32 $0xFFFFFD30  }
0x2c0: {  	_ =	swait.ge [sflag:s1], $0x2D0  }
0x2c1: {  	[sflag:s1] =	ssyncset.done $0x0  }
0x2c2: {  	[sflag:s1] =	ssyncadd.s32 $0xFFFFFD30  }
0x2c3: {  	_ =	swait.ge [sflag:s1], $0x2D0  }
0x2c4: {  	[sflag:s1] =	ssyncset.done $0x0  }
0x2c5: {  	[sflag:s1] =	ssyncadd.s32 $0xFFFFFD30  }
0x2c6: {  	_ =	swait.ge [sflag:s1], $0x2D0  }
0x2c7: {  	[sflag:s1] =	ssyncset.done $0x0  }
0x2c8: {  	[sflag:s1] =	ssyncadd.s32 $0xFFFFFD30  }
0x2c9: {  	_ =	swait.ge [sflag:s1], $0x2D0  }
0x2ca: {  	[sflag:s1] =	ssyncset.done $0x0  }
0x2cb: {  	[sflag:s1] =	ssyncadd.s32 $0xFFFFFD30  }
0x2cc: {  	_ =	swait.ge [sflag:s1], $0x2D0  }
0x2cd: {  	[sflag:s1] =	ssyncset.done $0x0  }
0x2ce: {  	[sflag:s1] =	ssyncadd.s32 $0xFFFFFD30  }
0x2cf: {  	_ =	swait.ge [sflag:s1], $0x2D0  }
0x2d0: {  	[sflag:s1] =	ssyncset.done $0x0  }
0x2d1: {  	[sflag:s1] =	ssyncadd.s32 $0xFFFFFD30  }
0x2d2: {  	_ =	swait.ge [sflag:s1], $0x2D0  }
0x2d3: {  	[sflag:s1] =	ssyncset.done $0x0  }
0x2d4: {  	[sflag:s1] =	ssyncadd.s32 $0xFFFFFD30  }
0x2d5: {  	_ =	swait.ge [sflag:s1], $0x2D0  }
0x2d6: {  	[sflag:s1] =	ssyncset.done $0x0  }
0x2d7: {  	[sflag:s1] =	ssyncadd.s32 $0xFFFFFD30  }
0x2d8: {  	_ =	swait.ge [sflag:s1], $0x2D0  }
0x2d9: {  	[sflag:s1] =	ssyncset.done $0x0  }
0x2da: {  	[sflag:s1] =	ssyncadd.s32 $0xFFFFFD30  }
0x2db: {  	_ =	swait.ge [sflag:s1], $0x2D0  }
0x2dc: {  	[sflag:s1] =	ssyncset.done $0x0  }
0x2dd: {  	[sflag:s1] =	ssyncadd.s32 $0xFFFFFD30  }
0x2de: {  	_ =	swait.ge [sflag:s1], $0x2D0  }
0x2df: {  	[sflag:s1] =	ssyncset.done $0x0  }
0x2e0: {  	[sflag:s1] =	ssyncadd.s32 $0xFFFFFD30  }
0x2e1: {  	_ =	swait.ge [sflag:s1], $0x2D0  }
0x2e2: {  	[sflag:s1] =	ssyncset.done $0x0  }
0x2e3: {  	[sflag:s1] =	ssyncadd.s32 $0xFFFFFD30  }
0x2e4: {  	_ =	swait.ge [sflag:s1], $0x2D0  }
0x2e5: {  	[sflag:s1] =	ssyncset.done $0x0  }
0x2e6: {  	[sflag:s1] =	ssyncadd.s32 $0xFFFFFD30  }
0x2e7: {  	_ =	swait.ge [sflag:s1], $0x2D0  }
0x2e8: {  	[sflag:s1] =	ssyncset.done $0x0  }
0x2e9: {  	[sflag:s1] =	ssyncadd.s32 $0xFFFFFD30  }
0x2ea: {  	_ =	swait.ge [sflag:s1], $0x2D0  }
0x2eb: {  	[sflag:s1] =	ssyncset.done $0x0  }
0x2ec: {  	[sflag:s1] =	ssyncadd.s32 $0xFFFFFD30  }
0x2ed: {  	_ =	swait.ge [sflag:s1], $0x2D0  }
0x2ee: {  	[sflag:s1] =	ssyncset.done $0x0  }
0x2ef: {  	[sflag:s1] =	ssyncadd.s32 $0xFFFFFD30  }
0x2f0: {  	_ =	swait.ge [sflag:s1], $0x2D0  }
0x2f1: {  	[sflag:s1] =	ssyncset.done $0x0  }
0x2f2: {  	[sflag:s1] =	ssyncadd.s32 $0xFFFFFD30  }
0x2f3: {  	_ =	swait.ge [sflag:s1], $0x2D0  }
0x2f4: {  	[sflag:s1] =	ssyncset.done $0x0  }
0x2f5: {  	[sflag:s1] =	ssyncadd.s32 $0xFFFFFD30  }
0x2f6: {  	_ =	swait.ge [sflag:s1], $0x2D0  }
0x2f7: {  	[sflag:s1] =	ssyncset.done $0x0  }
0x2f8: {  	[sflag:s1] =	ssyncadd.s32 $0xFFFFFD30  }
0x2f9: {  	_ =	swait.ge [sflag:s1], $0x2D0  }
0x2fa: {  	[sflag:s1] =	ssyncset.done $0x0  }
0x2fb: {  	[sflag:s1] =	ssyncadd.s32 $0xFFFFFD30  }
0x2fc: {  	_ =	swait.ge [sflag:s1], $0x2D0  }
0x2fd: {  	[sflag:s1] =	ssyncset.done $0x0  }
0x2fe: {  	[sflag:s1] =	ssyncadd.s32 $0xFFFFFD30  }
0x2ff: {  	_ =	swait.ge [sflag:s1], $0x2D0  }
0x300: {  	[sflag:s1] =	ssyncset.done $0x0  }
0x301: {  	[sflag:s1] =	ssyncadd.s32 $0xFFFFFD30  }
0x302: {  	_ =	swait.ge [sflag:s1], $0x2D0  }
0x303: {  	[sflag:s1] =	ssyncset.done $0x0  }
0x304: {  	[sflag:s1] =	ssyncadd.s32 $0xFFFFFD30  }
0x305: {  	_ =	swait.ge [sflag:s1], $0x2D0  }
0x306: {  	[sflag:s1] =	ssyncset.done $0x0  }
0x307: {  	[sflag:s1] =	ssyncadd.s32 $0xFFFFFD30  }
0x308: {  	_ =	swait.ge [sflag:s1], $0x2D0  }
0x309: {  	[sflag:s1] =	ssyncset.done $0x0  }
0x30a: {  	[sflag:s1] =	ssyncadd.s32 $0xFFFFFD30  }
0x30b: {  	_ =	swait.ge [sflag:s1], $0x2D0  }
0x30c: {  	[sflag:s1] =	ssyncset.done $0x0  }
0x30d: {  	[sflag:s1] =	ssyncadd.s32 $0xFFFFFD30  }
0x30e: {  	_ =	swait.ge [sflag:s1], $0x2D0  }
0x30f: {  	[sflag:s1] =	ssyncset.done $0x0  }
0x310: {  	[sflag:s1] =	ssyncadd.s32 $0xFFFFFD30  }
0x311: {  	_ =	swait.ge [sflag:s1], $0x2D0  }
0x312: {  	[sflag:s1] =	ssyncset.done $0x0  }
0x313: {  	[sflag:s1] =	ssyncadd.s32 $0xFFFFFD30  }
0x314: {  	_ =	swait.ge [sflag:s1], $0x2D0  }
0x315: {  	[sflag:s1] =	ssyncset.done $0x0  }
0x316: {  	[sflag:s1] =	ssyncadd.s32 $0xFFFFFD30  }
0x317: {  	_ =	swait.ge [sflag:s1], $0x2D0  }
0x318: {  	[sflag:s1] =	ssyncset.done $0x0  }
0x319: {  	[sflag:s1] =	ssyncadd.s32 $0xFFFFFD30  }
0x31a: {  	_ =	swait.ge [sflag:s1], $0x2D0  }
0x31b: {  	[sflag:s1] =	ssyncset.done $0x0  }
0x31c: {  	[sflag:s1] =	ssyncadd.s32 $0xFFFFFD30  }
0x31d: {  	_ =	swait.ge [sflag:s1], $0x2D0  }
0x31e: {  	[sflag:s1] =	ssyncset.done $0x0  }
0x31f: {  	[sflag:s1] =	ssyncadd.s32 $0xFFFFFD30  }
0x320: {  	_ =	swait.ge [sflag:s1], $0x2D0  }
0x321: {  	[sflag:s1] =	ssyncset.done $0x0  }
0x322: {  	[sflag:s1] =	ssyncadd.s32 $0xFFFFFD30  }
0x323: {  	_ =	swait.ge [sflag:s1], $0x2D0  }
0x324: {  	[sflag:s1] =	ssyncset.done $0x0  }
0x325: {  	[sflag:s1] =	ssyncadd.s32 $0xFFFFFD30  }
0x326: {  	_ =	swait.ge [sflag:s1], $0x2D0  }
0x327: {  	[sflag:s1] =	ssyncset.done $0x0  }
0x328: {  	[sflag:s1] =	ssyncadd.s32 $0xFFFFFD30  }
0x329: {  	_ =	swait.ge [sflag:s1], $0x2D0  }
0x32a: {  	[sflag:s1] =	ssyncset.done $0x0  }
0x32b: {  	[sflag:s1] =	ssyncadd.s32 $0xFFFFFD30  }
0x32c: {  	_ =	swait.ge [sflag:s1], $0x2D0  }
0x32d: {  	[sflag:s1] =	ssyncset.done $0x0  }
0x32e: {  	[sflag:s1] =	ssyncadd.s32 $0xFFFFFD30  }
0x32f: {  	_ =	swait.ge [sflag:s1], $0x2D0  }
0x330: {  	[sflag:s1] =	ssyncset.done $0x0  }
0x331: {  	[sflag:s1] =	ssyncadd.s32 $0xFFFFFD30  }
0x332: {  	_ =	swait.ge [sflag:s1], $0x2D0  }
0x333: {  	[sflag:s1] =	ssyncset.done $0x0  }
0x334: {  	[sflag:s1] =	ssyncadd.s32 $0xFFFFFD30  }
0x335: {  	_ =	swait.ge [sflag:s1], $0x2D0  }
0x336: {  	[sflag:s1] =	ssyncset.done $0x0  }
0x337: {  	[sflag:s1] =	ssyncadd.s32 $0xFFFFFD30  }
0x338: {  	_ =	swait.ge [sflag:s1], $0x2D0  }
0x339: {  	[sflag:s1] =	ssyncset.done $0x0  }
0x33a: {  	[sflag:s1] =	ssyncadd.s32 $0xFFFFFD30  }
0x33b: {  	_ =	swait.ge [sflag:s1], $0x2D0  }
0x33c: {  	[sflag:s1] =	ssyncset.done $0x0  }
0x33d: {  	[sflag:s1] =	ssyncadd.s32 $0xFFFFFD30  }
0x33e: {  	_ =	swait.ge [sflag:s1], $0x2D0  }
0x33f: {  	[sflag:s1] =	ssyncset.done $0x0  }
0x340: {  	[sflag:s1] =	ssyncadd.s32 $0xFFFFFD30  }
0x341: {  	_ =	swait.ge [sflag:s1], $0x2D0  }
0x342: {  	[sflag:s1] =	ssyncset.done $0x0  }
0x343: {  	[sflag:s1] =	ssyncadd.s32 $0xFFFFFD30  }
0x344: {  	_ =	swait.ge [sflag:s1], $0x2D0  }
0x345: {  	[sflag:s1] =	ssyncset.done $0x0  }
0x346: {  	[sflag:s1] =	ssyncadd.s32 $0xFFFFFD30  }
0x347: {  	_ =	swait.ge [sflag:s1], $0x2D0  }
0x348: {  	[sflag:s1] =	ssyncset.done $0x0  }
0x349: {  	[sflag:s1] =	ssyncadd.s32 $0xFFFFFD30  }
0x34a: {  	_ =	swait.ge [sflag:s1], $0x2D0  }
0x34b: {  	[sflag:s1] =	ssyncset.done $0x0  }
0x34c: {  	[sflag:s1] =	ssyncadd.s32 $0xFFFFFD30  }
0x34d: {  	_ =	swait.ge [sflag:s1], $0x2D0  }
0x34e: {  	[sflag:s1] =	ssyncset.done $0x0  }
0x34f: {  	[sflag:s1] =	ssyncadd.s32 $0xFFFFFD30  }
0x350: {  	_ =	swait.ge [sflag:s1], $0x2D0  }
0x351: {  	[sflag:s1] =	ssyncset.done $0x0  }
0x352: {  	[sflag:s1] =	ssyncadd.s32 $0xFFFFFD30  }
0x353: {  	_ =	swait.ge [sflag:s1], $0x2D0  }
0x354: {  	[sflag:s1] =	ssyncset.done $0x0  }
0x355: {  	[sflag:s1] =	ssyncadd.s32 $0xFFFFFD30  }
0x356: {  	_ =	swait.ge [sflag:s1], $0x2D0  }
0x357: {  	[sflag:s1] =	ssyncset.done $0x0  }
0x358: {  	[sflag:s1] =	ssyncadd.s32 $0xFFFFFD30  }
0x359: {  	_ =	swait.ge [sflag:s1], $0x2D0  }
0x35a: {  	[sflag:s1] =	ssyncset.done $0x0  }
0x35b: {  	[sflag:s1] =	ssyncadd.s32 $0xFFFFFD30  }
0x35c: {  	_ =	swait.ge [sflag:s1], $0x2D0  }
0x35d: {  	[sflag:s1] =	ssyncset.done $0x0  }
0x35e: {  	[sflag:s1] =	ssyncadd.s32 $0xFFFFFD30  }
0x35f: {  	_ =	swait.ge [sflag:s1], $0x2D0  }
0x360: {  	[sflag:s1] =	ssyncset.done $0x0  }
0x361: {  	[sflag:s1] =	ssyncadd.s32 $0xFFFFFD30  }
0x362: {  	_ =	swait.ge [sflag:s1], $0x2D0  }
0x363: {  	[sflag:s1] =	ssyncset.done $0x0  }
0x364: {  	[sflag:s1] =	ssyncadd.s32 $0xFFFFFD30  }
0x365: {  	_ =	swait.ge [sflag:s1], $0x2D0  }
0x366: {  	[sflag:s1] =	ssyncset.done $0x0  }
0x367: {  	[sflag:s1] =	ssyncadd.s32 $0xFFFFFD30  }
0x368: {  	_ =	swait.ge [sflag:s1], $0x2D0  }
0x369: {  	[sflag:s1] =	ssyncset.done $0x0  }
0x36a: {  	[sflag:s1] =	ssyncadd.s32 $0xFFFFFD30  }
0x36b: {  	_ =	swait.ge [sflag:s1], $0x2D0  }
0x36c: {  	[sflag:s1] =	ssyncset.done $0x0  }
0x36d: {  	[sflag:s1] =	ssyncadd.s32 $0xFFFFFD30  }
0x36e: {  	_ =	swait.ge [sflag:s1], $0x2D0  }
0x36f: {  	[sflag:s1] =	ssyncset.done $0x0  }
0x370: {  	[sflag:s1] =	ssyncadd.s32 $0xFFFFFD30  }
0x371: {  	_ =	swait.ge [sflag:s1], $0x2D0  }
0x372: {  	[sflag:s1] =	ssyncset.done $0x0  }
0x373: {  	[sflag:s1] =	ssyncadd.s32 $0xFFFFFD30  }
0x374: {  	_ =	swait.ge [sflag:s1], $0x2D0  }
0x375: {  	[sflag:s1] =	ssyncset.done $0x0  }
0x376: {  	[sflag:s1] =	ssyncadd.s32 $0xFFFFFD30  }
0x377: {  	_ =	swait.ge [sflag:s1], $0x2D0  }
0x378: {  	[sflag:s1] =	ssyncset.done $0x0  }
0x379: {  	[sflag:s1] =	ssyncadd.s32 $0xFFFFFD30  }
0x37a: {  	_ =	swait.ge [sflag:s1], $0x2D0  }
0x37b: {  	[sflag:s1] =	ssyncset.done $0x0  }
0x37c: {  	[sflag:s1] =	ssyncadd.s32 $0xFFFFFD30  }
0x37d: {  	_ =	swait.ge [sflag:s1], $0x2D0  }
0x37e: {  	[sflag:s1] =	ssyncset.done $0x0  }
0x37f: {  	[sflag:s1] =	ssyncadd.s32 $0xFFFFFD30  }
0x380: {  	_ =	swait.ge [sflag:s1], $0x2D0  }
0x381: {  	[sflag:s1] =	ssyncset.done $0x0  }
0x382: {  	[sflag:s1] =	ssyncadd.s32 $0xFFFFFD30  }
0x383: {  	_ =	swait.ge [sflag:s1], $0x2D0  }
0x384: {  	[sflag:s1] =	ssyncset.done $0x0  }
0x385: {  	[sflag:s1] =	ssyncadd.s32 $0xFFFFFD30  }
0x386: {  	_ =	swait.ge [sflag:s1], $0x2D0  }
0x387: {  	[sflag:s1] =	ssyncset.done $0x0  }
0x388: {  	[sflag:s1] =	ssyncadd.s32 $0xFFFFFD30  }
0x389: {  	_ =	swait.ge [sflag:s1], $0x2D0  }
0x38a: {  	[sflag:s1] =	ssyncset.done $0x0  }
0x38b: {  	[sflag:s1] =	ssyncadd.s32 $0xFFFFFD30  }
0x38c: {  	_ =	swait.ge [sflag:s1], $0x2D0  }
0x38d: {  	[sflag:s1] =	ssyncset.done $0x0  }
0x38e: {  	[sflag:s1] =	ssyncadd.s32 $0xFFFFFD30  }
0x38f: {  	_ =	swait.ge [sflag:s1], $0x2D0  }
0x390: {  	[sflag:s1] =	ssyncset.done $0x0  }
0x391: {  	[sflag:s1] =	ssyncadd.s32 $0xFFFFFD30  }
0x392: {  	_ =	swait.ge [sflag:s1], $0x2D0  }
0x393: {  	[sflag:s1] =	ssyncset.done $0x0  }
0x394: {  	[sflag:s1] =	ssyncadd.s32 $0xFFFFFD30  }
0x395: {  	_ =	swait.ge [sflag:s1], $0x2D0  }
0x396: {  	s0 =	sadd.s32 $0x1, s0;
	s10 =	rddreg [dreg:$0x17]  }
0x397: {  	p1 =	sne.s32 s0, s10  }
.Ltmp2:
0x398: {  	_ = 	snop;
	(pc) =	sbr.rel @p1 .LBB2_1-.Ltmp2, $3  }
0x399: {  	_ =	sdelay $0x1  }
0x39a: {  	[sflag:s1] =	ssyncset.done $0x0  }
0x39b: {  	[sflag:s1] =	ssyncadd.s32 $0xFFFFFD30  }
0x39c: {  	_ =	sfence.sel $0x180000  }
0x39d: {  	[bflag:$0x0] =	sbarrier.arrive $0xFFFF  }
0x39e: {  	_ =	strace $0x90000047  }
0x39f: {  	s0 =	stileid.u32;
	[bflag:$0x2] =	sbarrier.arrive $0xFFFF  }
0x3a0: {  	p0 =	sne.s32 s0, $0x0;
	s0 =	rddreg [dreg:$0x2]  }
0x3a1: {  	s0 =	sadd.s32 @!p0 $0x100000, s0  }
0x3a2: {  	[sflag:s0] =	ssyncadd.tile.s32 @!p0 $0x1;
	_ =	shalt  }
.Lfunc_end2:
_tile_overlayer_lowered:
.L_overlay_start_2:
0x3a3: {  	(tag) =	ssettag $0x2  }
0x3a4: {  	s0 =	rddreg [dreg:$0x0];
	s2 =	stileid.u32  }
0x3a5: {  	s1 =	rddreg [dreg:$0x1];
	p0 =	sne.s32 s2, $0x0  }
0x3a6: {  	s3 =	rddreg [dreg:$0x2];
	[bflag:$0x3] =	sbarrier.arrive $0xFFFF;
	s2 =	simm.s32 @!p0 $0x1C02  }
0x3a7: {  	[timem:s3], [sflag:s2] =	dma.local @!p0 [hbm:s0], s1  }
0x3a8: {  	s0 =	simm.s32 @!p0 $0x2  }
0x3a9: {  	_ =	swait.ge @!p0 [sflag:s0], s1  }
0x3aa: {  	s1 =	ssub.s32 @!p0 $0x0, s1;
	[sflag:s0] =	ssyncset.done @!p0 $0x0  }
0x3ab: {  	[sflag:s0] =	ssyncadd.s32 @!p0 s1  }
0x3ac: {  	[bflag:$0x3] =	sbarrier.arrive $0xFFFF  }
0x3ad: {  	_ =	shalt  }

</sc_bundles>
